<compile_context>
chip_gen: v7x
topology: tpu7x:2x2x1
jax: 0.10.2.dev20260603
libtpu: 0.0.44.dev20260713+nightly
codegen_flags: <defaults>
</compile_context>

<pallas_src>
import functools

import jax
import jax.numpy as jnp
from jax import lax
from jax.experimental import pallas as pl
from jax.experimental.pallas import tpu as pltpu
from jax.experimental.pallas import tpu_sc as plsc

N_BIT = 8
FFN_V = 4
H = 4
DEPTH = 8
T = 2 ** N_BIT
NV = 2 ** DEPTH
NK = NV - 1
B, L, D = 2, 2048, 8
N = B * L
M = N * H
Q2 = 2 * D
RA = 512
CH = 512
_PERM = tuple(range(0, 16, 2)) + tuple(range(1, 16, 2))
_LVL_OFF = [4 * ((1 << d) - 1) for d in range(DEPTH)]


def _lse_neg(a, axis):
    na = -a
    m = jnp.max(na, axis=axis, keepdims=True)
    out = jnp.log(jnp.sum(jnp.exp(na - m), axis=axis, keepdims=True)) + m
    return -out


def _gather_exact(planes, onehot):
    bits = None
    for k in range(4):
        p = jax.lax.dot_general(planes[16 * k:16 * k + 16, :], onehot,
                                (((1,), (0,)), ((), ())),
                                preferred_element_type=jnp.float32)
        pi = p.astype(jnp.int32) << (8 * k)
        bits = pi if bits is None else bits | pi
    return jax.lax.bitcast_convert_type(bits, jnp.float32)


def _tree_body(qb_ref, qs_ref, uk_ref, ul_ref, uv_ref, klvl_ref, vt_ref,
               vsp_ref, o_ref):
    i = pl.program_id(0)
    qf = qb_ref[...]
    qse = (2.0 * qf - 1.0) * qs_ref[...]
    gcol = jax.lax.broadcasted_iota(jnp.int32, (1, RA), 1) + i * RA
    h = gcol % H
    ix = jnp.zeros((1, RA), jnp.int32)
    support = None
    for d in range(DEPTH):
        nd = 1 << d
        node = h * nd + ix
        rows = jax.lax.broadcasted_iota(jnp.int32, (H * nd, RA), 0)
        onehot = (rows == node).astype(jnp.float32)
        kd = klvl_ref[:, _LVL_OFF[d]:_LVL_OFF[d] + H * nd]
        g = _gather_exact(kd, onehot)
        u = uk_ref[16 * d:16 * d + 16, :]
        kb = (u < g).astype(jnp.float32)
        kb0, kb1 = kb[0:8, :], kb[8:16, :]
        key1 = -jnp.logaddexp(-kb0, qse)
        key2 = -jnp.logaddexp(-kb1, -qse)
        lor_s = jnp.logaddexp(key1, key2)
        lor_s = _lse_neg(lor_s, 0)
        lor = ul_ref[d:d + 1, :] < jax.nn.sigmoid(lor_s)
        lorf = lor.astype(jnp.float32)
        lor_s = (2.0 * lorf - 1.0) * lor_s
        ix = 2 * ix + lor.astype(jnp.int32)
        support = lor_s if support is None else -jnp.logaddexp(-support, -lor_s)
    node = h * NV + ix
    rows = jax.lax.broadcasted_iota(jnp.int32, (H * NV, RA), 0)
    onehot = (rows == node).astype(jnp.float32)
    g8 = jax.lax.dot_general(vt_ref[...], onehot, (((1,), (0,)), ((), ())),
                             preferred_element_type=jnp.float32)
    sv = _gather_exact(vsp_ref[...], onehot)
    vb = (uv_ref[0:FFN_V, :] < sv[0:FFN_V, :]).astype(jnp.float32)
    value_s = (2.0 * vb - 1.0) * g8[0:FFN_V, :]
    value_s = -jnp.logaddexp(-value_s, -support)
    xs2 = _lse_neg(value_s, 0)
    xl = (8.0 * vb[0:1, :] + 4.0 * vb[1:2, :]
          + 2.0 * vb[2:3, :] + 1.0 * vb[3:4, :])
    o_ref[...] = jnp.concatenate(
        [xl, xs2, jnp.zeros((6, RA), jnp.float32)], axis=0)


def _table_body(t_ref, s_ref, u_ref, o_ref):
    tv = t_ref[...]
    sg = s_ref[...]
    outs = []
    for b in range(B):
        tb = (u_ref[8 * b:8 * b + 8, :] < sg).astype(jnp.float32)
        ts = tv * (2.0 * tb - 1.0)
        tl = sum((1 << (N_BIT - 1 - k)) * tb[k:k + 1, :] for k in range(N_BIT))
        outs.append((tl, _lse_neg(ts, 0)))
    rb = tv.shape[1]
    o_ref[...] = jnp.concatenate(
        [outs[0][0], outs[1][0], outs[0][1], outs[1][1],
         jnp.zeros((4, rb), jnp.float32)], axis=0)


def _scan_body(st_ref, tv_ref, xs_ref, ss_ref, ob_ref, oz_ref):
    st = st_ref[...]
    ys = -jnp.logaddexp(-tv_ref[...], -xs_ref[...])
    acc = ys
    k = 1
    while k < L:
        shifted = jnp.concatenate(
            [jnp.full((16, k), 1e30, jnp.float32), acc[:, :L - k]], axis=1)
        acc = -jnp.logaddexp(-acc, -shifted)
        k *= 2
    oz_ref[...] = -jnp.logaddexp(-ss_ref[...], -acc)
    bits = [((st >> (N_BIT - 1 - k)) & 1).astype(jnp.float32)
            for k in range(N_BIT)]
    ob_ref[...] = jnp.concatenate(bits, axis=0)


def _run_traj(tl_flat, ts_flat, xl_lanes, s0_lanes, base_lanes):
    mesh = plsc.VectorSubcoreMesh(core_axis_name="c", subcore_axis_name="s")
    nsteps = L // CH

    @functools.partial(
        pl.kernel, mesh=mesh,
        compiler_params=pltpu.CompilerParams(needs_layout_passes=False,
                                             use_tc_tiling_on_sc=False),
        out_type=[jax.ShapeDtypeStruct((L, 16), jnp.int32),
                  jax.ShapeDtypeStruct((L, 16), jnp.float32)],
        scratch_types=[pltpu.VMEM((B * 64 * T,), jnp.int32),
                       pltpu.VMEM((B * 64 * T,), jnp.float32),
                       pltpu.VMEM((CH, 16), jnp.int32),
                       pltpu.VMEM((CH, 16), jnp.int32),
                       pltpu.VMEM((CH, 16), jnp.float32),
                       pltpu.VMEM((16,), jnp.int32),
                       pltpu.VMEM((16,), jnp.int32)])
    def traj(tl_hbm, ts_hbm, xl_hbm, s0_hbm, base_hbm, st_out, tv_out,
             tl_v, ts_v, xl_v, st_v, tv_v, s0_v, base_v):
        cid = lax.axis_index("c")
        sid = lax.axis_index("s")

        @pl.when(jnp.logical_and(cid == 0, sid == 0))
        def _():
            pltpu.sync_copy(tl_hbm, tl_v)
            pltpu.sync_copy(ts_hbm, ts_v)
            pltpu.sync_copy(s0_hbm, s0_v)
            pltpu.sync_copy(base_hbm, base_v)
            base = base_v[...]
            st0 = s0_v[...]

            def chunk(c, st):
                pltpu.sync_copy(xl_hbm.at[pl.ds(c * CH, CH)], xl_v)

                def body(i, st):
                    idx = xl_v[i] * T + base + st
                    t = plsc.load_gather(ts_v, [idx])
                    ns = plsc.load_gather(tl_v, [idx])
                    st_v[i] = ns
                    tv_v[i] = t
                    return ns

                st = lax.fori_loop(0, CH, body, st)
                pltpu.sync_copy(st_v, st_out.at[pl.ds(c * CH, CH)])
                pltpu.sync_copy(tv_v, tv_out.at[pl.ds(c * CH, CH)])
                return st

            st = st0
            for c in range(nsteps):
                st = chunk(c, st)

    return traj(tl_flat, ts_flat, xl_lanes, s0_lanes, base_lanes)


def _bool2long(xb, n_bit):
    shape = xb.shape
    mul = (2 ** (n_bit - 1 - jnp.arange(n_bit))).astype(jnp.int32)
    xf = xb.reshape(-1, n_bit).astype(jnp.int32)
    return (xf * mul[None, :]).sum(axis=-1).reshape(shape[:-1])


def kernel(x, xs, ffn_key, ffn_value, table, state0):
    rk = jax.random.key(42)
    f32 = jnp.float32

    def unif(tag, shape):
        return jax.random.uniform(jax.random.fold_in(rk, tag), shape, f32)

    qb_t = jnp.repeat(x.reshape(N, D), H, axis=0).T.astype(f32)
    qs_t = jnp.repeat(xs.reshape(N, D), H, axis=0).T
    uk_t = jnp.stack([unif(d, (M, Q2)).T[jnp.array(_PERM), :]
                      for d in range(DEPTH)]).reshape(DEPTH * Q2, M)
    ul_t = jnp.stack([unif(100 + d, (M,)) for d in range(DEPTH)])
    uv = unif(999, (N, H, FFN_V)).reshape(M, FFN_V).T
    uv_t = jnp.concatenate([uv, jnp.ones((4, M), f32)], axis=0)
    def _byte_planes(arr):
        bits = jax.lax.bitcast_convert_type(arr, jnp.int32)
        s = arr.shape[0]
        return jnp.concatenate(
            [jnp.pad(((bits >> (8 * k)) & 0xFF).astype(f32),
                     ((0, 16 - s), (0, 0))) for k in range(4)], axis=0)

    sk = jax.nn.sigmoid(ffn_key).reshape(H * NK, Q2)[:, jnp.array(_PERM)]
    klvl = jnp.concatenate(
        [jnp.concatenate([sk[hh * NK + (1 << d) - 1:hh * NK + (2 << d) - 1]
                          for hh in range(H)], axis=0).T
         for d in range(DEPTH)], axis=1)
    klvl = jnp.pad(klvl, ((0, 0), (0, 1024 - klvl.shape[1])))
    klvlp = _byte_planes(klvl)
    vflat = ffn_value.reshape(H * NV, FFN_V)
    vt = jnp.concatenate([vflat.T, jax.nn.sigmoid(vflat).T], axis=0)
    vsp = _byte_planes(jax.nn.sigmoid(vflat).T)

    outa = pl.pallas_call(
        _tree_body,
        grid=(M // RA,),
        in_specs=[pl.BlockSpec((8, RA), lambda i: (0, i)),
                  pl.BlockSpec((8, RA), lambda i: (0, i)),
                  pl.BlockSpec((DEPTH * Q2, RA), lambda i: (0, i)),
                  pl.BlockSpec((8, RA), lambda i: (0, i)),
                  pl.BlockSpec((8, RA), lambda i: (0, i)),
                  pl.BlockSpec((64, 1024), lambda i: (0, 0)),
                  pl.BlockSpec((8, 1024), lambda i: (0, 0)),
                  pl.BlockSpec((64, 1024), lambda i: (0, 0))],
        out_specs=pl.BlockSpec((8, RA), lambda i: (0, i)),
        out_shape=jax.ShapeDtypeStruct((8, M), f32),
    )(qb_t, qs_t, uk_t, ul_t, uv_t, klvlp, vt, vsp)
    xl = outa[0].astype(jnp.int32)
    xs2 = outa[1]

    tsz = 64 * T
    table_tr = table.reshape(tsz, N_BIT).T
    sig_tr = jax.nn.sigmoid(table_tr)
    utb = unif(5000, (B, 64, T, N_BIT)).reshape(B, tsz, N_BIT)
    utb_t = utb.transpose(0, 2, 1).reshape(B * N_BIT, tsz)
    RB = 2048
    outb = pl.pallas_call(
        _table_body,
        grid=(tsz // RB,),
        in_specs=[pl.BlockSpec((8, RB), lambda i: (0, i)),
                  pl.BlockSpec((8, RB), lambda i: (0, i)),
                  pl.BlockSpec((16, RB), lambda i: (0, i))],
        out_specs=pl.BlockSpec((8, RB), lambda i: (0, i)),
        out_shape=jax.ShapeDtypeStruct((8, tsz), f32),
    )(table_tr, sig_tr, utb_t)
    tl_flat = outb[0:2].reshape(-1).astype(jnp.int32)
    ts_flat = outb[2:4].reshape(-1)

    s0e = jnp.broadcast_to(state0, (B,) + state0.shape[1:])
    s0b = unif(6000, s0e.shape) < jax.nn.sigmoid(s0e)
    s0s_ = state0 * (2.0 * s0b.astype(f32) - 1.0)
    s0 = _bool2long(s0b, N_BIT)
    s0s = -jax.nn.logsumexp(-s0s_, axis=-1)

    xl_lanes = jnp.pad(xl.reshape(B, L, H).transpose(1, 0, 2).reshape(L, B * H),
                       ((0, 0), (0, 8)))
    s0_lanes = jnp.pad(s0.reshape(B * H), (0, 8)).astype(jnp.int32)
    lane = jnp.arange(16, dtype=jnp.int32)
    base_lanes = ((lane // H) % B) * (64 * T) + (lane % H) * (16 * T)
    st_flat, tv_flat = _run_traj(tl_flat, ts_flat, xl_lanes, s0_lanes,
                                 base_lanes)

    st_t = st_flat.reshape(L, 16).T
    tv_t = tv_flat.reshape(L, 16).T
    xs2_t = jnp.pad(xs2.reshape(B, L, H).transpose(0, 2, 1).reshape(B * H, L),
                    ((0, 8), (0, 0)))
    ss_t = jnp.broadcast_to(
        jnp.pad(s0s.reshape(B * H), (0, 8))[:, None], (16, L))
    obits, ozs = pl.pallas_call(
        _scan_body,
        in_specs=[pl.BlockSpec((16, L), lambda: (0, 0)),
                  pl.BlockSpec((16, L), lambda: (0, 0)),
                  pl.BlockSpec((16, L), lambda: (0, 0)),
                  pl.BlockSpec((16, L), lambda: (0, 0))],
        out_specs=[pl.BlockSpec((8 * 16, L), lambda: (0, 0)),
                   pl.BlockSpec((16, L), lambda: (0, 0))],
        out_shape=[jax.ShapeDtypeStruct((8 * 16, L), f32),
                   jax.ShapeDtypeStruct((16, L), f32)],
    )(st_t, tv_t, xs2_t, ss_t)

    zb = (obits.reshape(N_BIT, 16, L)[:, :B * H, :]
          .transpose(1, 2, 0)
          .reshape(B, H, L, N_BIT).transpose(0, 2, 1, 3)
          .reshape(B, L, H * N_BIT).astype(bool))
    zs = (ozs[:B * H].reshape(B, H, L).transpose(0, 2, 1)[..., None]
          * jnp.ones((1, 1, 1, N_BIT), f32)).reshape(B, L, H * N_BIT)
    return zb, zs

# --- scband reference (transcript-rebuilt; emitter-appended) ---
"""Pipeline reference for scband-ssmlayer-34626026340907 (READ-ONLY COPY).

The authoritative reference and input builder live on the scoring server;
editing this copy changes nothing except your own understanding.
"""

import jax, jax.numpy as jnp
import numpy as np

N_BIT = 8
FFN_V = 4
H = 4
DEPTH = 8
T = 2 ** N_BIT
NV = 2 ** DEPTH
NK = NV - 1


def _mulvec(n_bit):
    return (2 ** (n_bit - 1 - jnp.arange(n_bit))).astype(jnp.int32)


def bool2long(x, n_bit):
    shape = x.shape
    xf = x.reshape(-1, n_bit).astype(jnp.int32)
    return (xf * _mulvec(n_bit)[None, :]).sum(axis=-1).reshape(shape[:-1])


def long2bool(x, n_bit):
    shape = x.shape
    xf = x.reshape(-1, 1)
    out = (xf // _mulvec(n_bit)[None, :]) % 2
    return out.reshape(shape + (n_bit,)).astype(bool)


def _bern(rk, tag, p):
    return jax.random.bernoulli(jax.random.fold_in(rk, tag), jax.lax.stop_gradient(p)).astype(jnp.float32)


def tree_forward(q, qs, key_p, value_p, rk):
    N, Q = q.shape
    qe = jnp.broadcast_to(q[:, None, :], (N, H, Q)).reshape(-1, Q)
    qse = jnp.broadcast_to(qs[:, None, :], (N, H, Q)).reshape(-1, Q)
    qse = (2.0 * qe.astype(jnp.float32) - 1.0) * qse
    ix_h = jnp.arange(N * H, dtype=jnp.int32) % H
    ix = jnp.zeros(N * H, dtype=jnp.int32)
    support = None
    key_flat = key_p.reshape(-1, 2 * Q)
    for depth in range(DEPTH):
        ix_k = ix_h * NK + (2 ** depth - 1) + ix
        key_w = jnp.take(key_flat, ix_k, axis=0)
        kb = _bern(rk, depth, jax.nn.sigmoid(key_w)).reshape(-1, Q, 2)
        key1 = -jnp.logaddexp(-kb[:, :, 0], qse)
        key2 = -jnp.logaddexp(-kb[:, :, 1], -qse)
        lor_s = jnp.logaddexp(key1, key2)
        lor_s = -jax.nn.logsumexp(-lor_s, axis=-1)
        lor = _bern(rk, 100 + depth, jax.nn.sigmoid(lor_s))
        lor_s = (2.0 * lor - 1.0) * lor_s
        ix = 2 * ix + lor.astype(jnp.int32)
        support = lor_s if support is None else -jnp.logaddexp(-support, -lor_s)
    value_w = jnp.take(value_p.reshape(-1, FFN_V), ix_h * NV + ix, axis=0).reshape(N, H, FFN_V)
    value_b = _bern(rk, 999, jax.nn.sigmoid(value_w))
    value_s = (2.0 * value_b - 1.0) * value_w
    value_s = -jnp.logaddexp(-value_s, -support.reshape(N, H, 1))
    return value_b.astype(bool), value_s


def _mul(x, xs, y, ys):
    shape = x.shape
    xf = x.reshape(-1, T)
    z = jnp.take_along_axis(y.reshape(-1, T), xf, axis=1)
    zs = -jnp.logaddexp(-xs.reshape(-1, T), -jnp.take_along_axis(ys.reshape(-1, T), xf, axis=1))
    return z.reshape(shape), zs.reshape(shape)


def ssm_forward(x, xs, ffn_key, ffn_value, table_p, state0_p):
    B, L, D = x.shape
    rk = jax.random.key(42)
    xb, xs2 = tree_forward(x.reshape(-1, D), xs.reshape(-1, D), ffn_key, ffn_value, rk)
    xb = xb.reshape(B, L, H, FFN_V)
    xs2 = xs2.reshape(B, L, H, FFN_V)
    xl = bool2long(xb, FFN_V)
    xs2 = -jax.nn.logsumexp(-xs2, axis=-1)
    tbl = jnp.broadcast_to(table_p, (B,) + table_p.shape[1:])
    tb = _bern(rk, 5000, jax.nn.sigmoid(tbl))
    table_s = table_p * (2.0 * tb - 1.0)
    table_l = bool2long(tb.astype(bool), N_BIT)
    table_s = -jax.nn.logsumexp(-table_s, axis=-1)
    off = (jnp.arange(L * H, dtype=jnp.int32).reshape(1, -1, 1) % H) * (2 ** FFN_V)
    idx = jnp.broadcast_to(xl.reshape(B, L * H, 1) + off, (B, L * H, T))
    y = jnp.take_along_axis(table_l, idx, axis=1).reshape(B, L, H, T)
    ys = jnp.take_along_axis(table_s, idx, axis=1).reshape(B, L, H, T)
    ys = -jnp.logaddexp(-ys, -xs2.reshape(B, L, H, 1))
    i = 1
    while i < L:
        y3, y3s = _mul(y[:, :L - i], ys[:, :L - i], y[:, i:], ys[:, i:])
        y = jnp.concatenate([y[:, :i], y3], axis=1)
        ys = jnp.concatenate([ys[:, :i], y3s], axis=1)
        i = 2 * i
    s0e = jnp.broadcast_to(state0_p, (B,) + state0_p.shape[1:])
    s0b = _bern(rk, 6000, jax.nn.sigmoid(s0e))
    s0s = state0_p * (2.0 * s0b - 1.0)
    s0 = bool2long(s0b.astype(bool), N_BIT)
    s0s = -jax.nn.logsumexp(-s0s, axis=-1)
    s0i = jnp.broadcast_to(s0.reshape(B, 1, H), (B, L, H)).reshape(-1, 1)
    z = jnp.take_along_axis(y.reshape(-1, T), s0i, axis=1).reshape(B, L, H)
    zs = jnp.take_along_axis(ys.reshape(-1, T), s0i, axis=1).reshape(B, L, H)
    zs = -jnp.logaddexp(-s0s.reshape(B, 1, H), -zs)
    zb = long2bool(z, N_BIT)
    zs = jnp.broadcast_to(zs.reshape(B, L, H, 1), zb.shape)
    return zb.reshape(B, L, H * N_BIT), zs.reshape(B, L, H * N_BIT)


def setup_inputs(seed: int = 0):
    key = jax.random.key(seed)
    ks = jax.random.split(key, 6)
    B, L, D = 2, 2048, 8
    x = jax.random.bernoulli(ks[0], 0.5, (B, L, D))
    xs = jax.random.normal(ks[1], (B, L, D), dtype=jnp.float32)
    ffn_key = jax.random.normal(ks[2], (H, NV - 1, 2 * D), dtype=jnp.float32) + 3.0
    ffn_value = jax.random.normal(ks[3], (H, NV, FFN_V), dtype=jnp.float32) + 3.0
    table = jax.random.normal(ks[4], (1, (2 ** FFN_V) * H, T, N_BIT), dtype=jnp.float32)
    state0 = jax.random.normal(ks[5], (1, H, N_BIT), dtype=jnp.float32)
    return {"x": x, "xs": xs, "ffn_key": ffn_key, "ffn_value": ffn_value, "table": table, "state0": state0}


def reference(x, xs, ffn_key, ffn_value, table, state0):
    return ssm_forward(x, xs, ffn_key, ffn_value, table, state0)

if __name__ == "__main__":
    import jax
    _d = setup_inputs()
    print(jax.jit(kernel)(*tuple(_d.values())))

</pallas_src>

<mosaic_0001>
#map = affine_map<(d0, d1) -> (0)>
#map1 = affine_map<(d0, d1) -> (0, 0)>
module attributes {stable_mosaic.version = 14 : i64} {
  func.func @traj(%arg0: i32, %arg1: i32, %arg2: memref<32768xi32, #tpu.memory_space<hbm>>, %arg3: memref<32768xf32, #tpu.memory_space<hbm>>, %arg4: memref<2048x16xi32, #tpu.memory_space<hbm>>, %arg5: memref<16xi32, #tpu.memory_space<hbm>>, %arg6: memref<16xi32, #tpu.memory_space<hbm>>, %arg7: memref<2048x16xi32, #tpu.memory_space<hbm>>, %arg8: memref<2048x16xf32, #tpu.memory_space<hbm>>, %arg9: memref<32768xi32, #tpu.memory_space<vmem>>, %arg10: memref<32768xf32, #tpu.memory_space<vmem>>, %arg11: memref<512x16xi32, #tpu.memory_space<vmem>>, %arg12: memref<512x16xi32, #tpu.memory_space<vmem>>, %arg13: memref<512x16xf32, #tpu.memory_space<vmem>>, %arg14: memref<16xi32, #tpu.memory_space<vmem>>, %arg15: memref<16xi32, #tpu.memory_space<vmem>>) attributes {dimension_semantics = [#tpu.dimension_semantics<core_parallel>, #tpu.dimension_semantics<subcore_parallel>], iteration_bounds = array<i64: 2, 16>, scalar_prefetch = 0 : i64, scratch_operands = 7 : i64, tpu.core_type = #tpu.core_type<sc_vector_subcore>, window_params = [{transform_indices = #map}, {transform_indices = #map}, {transform_indices = #map1}, {transform_indices = #map}, {transform_indices = #map}, {transform_indices = #map1}, {transform_indices = #map1}]} {
    %eq3A = arith.constant 0 : i32
    %eq3A_0 = arith.cmpi eq, %arg0, %eq3A : i32
    %eq3A_1 = arith.constant 0 : i32
    %eq3A_2 = arith.cmpi eq, %arg1, %eq3A_1 : i32
    %and3A = arith.andi %eq3A_0, %eq3A_2 : i1
    %convert_element_type3A = arith.extui %and3A : i1 to i32
    %cond3A = arith.constant 0 : i32
    %cond3A_3 = arith.cmpi ne, %convert_element_type3A, %cond3A : i32
    scf.if %cond3A_3 {
      "tpu.region"() ({
        %run_scoped3A = tpu.sem_alloc : memref<!tpu.dma_semaphore, #tpu.memory_space<semaphore_mem>>
        tpu.enqueue_dma source(%arg2 : memref<32768xi32, #tpu.memory_space<hbm>>) target(%arg9 : memref<32768xi32, #tpu.memory_space<vmem>>) target_semaphore(%run_scoped3A : memref<!tpu.dma_semaphore, #tpu.memory_space<semaphore_mem>>)
        tpu.wait_dma2 semaphore(%run_scoped3A : memref<!tpu.dma_semaphore, #tpu.memory_space<semaphore_mem>>) src(%arg2 : memref<32768xi32, #tpu.memory_space<hbm>>) dst(%arg9 : memref<32768xi32, #tpu.memory_space<vmem>>)
        tpu.yield
      }) : () -> ()
      "tpu.region"() ({
        %run_scoped3A = tpu.sem_alloc : memref<!tpu.dma_semaphore, #tpu.memory_space<semaphore_mem>>
        tpu.enqueue_dma source(%arg3 : memref<32768xf32, #tpu.memory_space<hbm>>) target(%arg10 : memref<32768xf32, #tpu.memory_space<vmem>>) target_semaphore(%run_scoped3A : memref<!tpu.dma_semaphore, #tpu.memory_space<semaphore_mem>>)
        tpu.wait_dma2 semaphore(%run_scoped3A : memref<!tpu.dma_semaphore, #tpu.memory_space<semaphore_mem>>) src(%arg3 : memref<32768xf32, #tpu.memory_space<hbm>>) dst(%arg10 : memref<32768xf32, #tpu.memory_space<vmem>>)
        tpu.yield
      }) : () -> ()
      "tpu.region"() ({
        %run_scoped3A = tpu.sem_alloc : memref<!tpu.dma_semaphore, #tpu.memory_space<semaphore_mem>>
        tpu.enqueue_dma source(%arg5 : memref<16xi32, #tpu.memory_space<hbm>>) target(%arg14 : memref<16xi32, #tpu.memory_space<vmem>>) target_semaphore(%run_scoped3A : memref<!tpu.dma_semaphore, #tpu.memory_space<semaphore_mem>>)
        tpu.wait_dma2 semaphore(%run_scoped3A : memref<!tpu.dma_semaphore, #tpu.memory_space<semaphore_mem>>) src(%arg5 : memref<16xi32, #tpu.memory_space<hbm>>) dst(%arg14 : memref<16xi32, #tpu.memory_space<vmem>>)
        tpu.yield
      }) : () -> ()
      "tpu.region"() ({
        %run_scoped3A = tpu.sem_alloc : memref<!tpu.dma_semaphore, #tpu.memory_space<semaphore_mem>>
        tpu.enqueue_dma source(%arg6 : memref<16xi32, #tpu.memory_space<hbm>>) target(%arg15 : memref<16xi32, #tpu.memory_space<vmem>>) target_semaphore(%run_scoped3A : memref<!tpu.dma_semaphore, #tpu.memory_space<semaphore_mem>>)
        tpu.wait_dma2 semaphore(%run_scoped3A : memref<!tpu.dma_semaphore, #tpu.memory_space<semaphore_mem>>) src(%arg6 : memref<16xi32, #tpu.memory_space<hbm>>) dst(%arg15 : memref<16xi32, #tpu.memory_space<vmem>>)
        tpu.yield
      }) : () -> ()
      %get3A = arith.constant 0 : index
      %get3A_4 = tpu.vector_load %arg15[%get3A] {strides = array<i32>} : memref<16xi32, #tpu.memory_space<vmem>>, vector<16xi32>,
      %get3A_5 = arith.constant 0 : index
      %get3A_6 = tpu.vector_load %arg14[%get3A_5] {strides = array<i32>} : memref<16xi32, #tpu.memory_space<vmem>>, vector<16xi32>,
      "tpu.region"() ({
        %run_scoped3A = tpu.sem_alloc : memref<!tpu.dma_semaphore, #tpu.memory_space<semaphore_mem>>
        %dma_start3A = arith.constant 0 : i32
        %dma_start3A_30 = arith.constant 0 : i32
        %dma_start3A_31 = tpu.memref_slice %arg4[%dma_start3A, %dma_start3A_30] : memref<2048x16xi32, #tpu.memory_space<hbm>> -> memref<512x16xi32, #tpu.memory_space<hbm>>
        %dma_start3A_32 = arith.constant 0 : i32
        %dma_start3A_33 = arith.constant 0 : i32
        %dma_start3A_34 = tpu.memref_slice %arg4[%dma_start3A_32, %dma_start3A_33] : memref<2048x16xi32, #tpu.memory_space<hbm>> -> memref<512x16xi32, #tpu.memory_space<hbm>>
        tpu.enqueue_dma source(%dma_start3A_34 : memref<512x16xi32, #tpu.memory_space<hbm>>) target(%arg11 : memref<512x16xi32, #tpu.memory_space<vmem>>) target_semaphore(%run_scoped3A : memref<!tpu.dma_semaphore, #tpu.memory_space<semaphore_mem>>)
        %dma_wait3A = arith.constant 0 : i32
        %dma_wait3A_35 = arith.constant 0 : i32
        %dma_wait3A_36 = tpu.memref_slice %arg4[%dma_wait3A, %dma_wait3A_35] : memref<2048x16xi32, #tpu.memory_space<hbm>> -> memref<512x16xi32, #tpu.memory_space<hbm>>
        %dma_wait3A_37 = arith.constant 0 : i32
        %dma_wait3A_38 = arith.constant 0 : i32
        %dma_wait3A_39 = tpu.memref_slice %arg4[%dma_wait3A_37, %dma_wait3A_38] : memref<2048x16xi32, #tpu.memory_space<hbm>> -> memref<512x16xi32, #tpu.memory_space<hbm>>
        tpu.wait_dma2 semaphore(%run_scoped3A : memref<!tpu.dma_semaphore, #tpu.memory_space<semaphore_mem>>) src(%dma_wait3A_39 : memref<512x16xi32, #tpu.memory_space<hbm>>) dst(%arg11 : memref<512x16xi32, #tpu.memory_space<vmem>>)
        tpu.yield
      }) : () -> ()
      %scan3A = arith.constant 0 : i32
      %scan3A_7 = arith.constant 512 : i32
      %scan3A_8 = arith.addi %scan3A, %scan3A_7 : i32
      %scan3A_9 = arith.constant 1 : i32
      %scan3A_10 = scf.for %scan3A_30 = %scan3A to %scan3A_8 step %scan3A_9 iter_args(%scan3A_31 = %get3A_6) -> (vector<16xi32>)  : i32 {
        %get3A_32 = arith.index_cast %scan3A_30 : i32 to index
        %get3A_33 = arith.constant 0 : index
        %get3A_34 = tpu.vector_load %arg11[%get3A_32, %get3A_33] {strides = array<i32>} : memref<512x16xi32, #tpu.memory_space<vmem>>, vector<16xi32>,
        %mul3A = arith.constant 256 : i32
        %mul3A_35 = vector.broadcast %mul3A : i32 to vector<16xi32>
        %mul3A_36 = arith.muli %get3A_34, %mul3A_35 : vector<16xi32>
        %add3A = arith.addi %mul3A_36, %get3A_4 : vector<16xi32>
        %add3A_37 = arith.addi %add3A, %scan3A_31 : vector<16xi32>
        %gather3A = tpu.vector_load_idx %arg10[%add3A_37] : memref<32768xf32, #tpu.memory_space<vmem>>[vector<16xi32>], vector<16xf32>,
        %gather3A_38 = tpu.vector_load_idx %arg9[%add3A_37] : memref<32768xi32, #tpu.memory_space<vmem>>[vector<16xi32>], vector<16xi32>,
        %swap3A = arith.index_cast %scan3A_30 : i32 to index
        %swap3A_39 = arith.constant 0 : index
        %swap3A_40 = tpu.vector_load %arg12[%swap3A, %swap3A_39] {strides = array<i32>} : memref<512x16xi32, #tpu.memory_space<vmem>>, vector<16xi32>,
        tpu.vector_store %arg12[%swap3A, %swap3A_39], %gather3A_38 {strides = array<i32>} : memref<512x16xi32, #tpu.memory_space<vmem>>, vector<16xi32>,
        %swap3A_41 = arith.index_cast %scan3A_30 : i32 to index
        %swap3A_42 = arith.constant 0 : index
        %swap3A_43 = tpu.vector_load %arg13[%swap3A_41, %swap3A_42] {strides = array<i32>} : memref<512x16xf32, #tpu.memory_space<vmem>>, vector<16xf32>,
        tpu.vector_store %arg13[%swap3A_41, %swap3A_42], %gather3A {strides = array<i32>} : memref<512x16xf32, #tpu.memory_space<vmem>>, vector<16xf32>,
        scf.yield %gather3A_38 : vector<16xi32>
      }
      %scan3A_11 = arith.constant 512 : i32
      "tpu.region"() ({
        %run_scoped3A = tpu.sem_alloc : memref<!tpu.dma_semaphore, #tpu.memory_space<semaphore_mem>>
        %dma_start3A = arith.constant 0 : i32
        %dma_start3A_30 = arith.constant 0 : i32
        %dma_start3A_31 = tpu.memref_slice %arg7[%dma_start3A, %dma_start3A_30] : memref<2048x16xi32, #tpu.memory_space<hbm>> -> memref<512x16xi32, #tpu.memory_space<hbm>>
        %dma_start3A_32 = arith.constant 0 : i32
        %dma_start3A_33 = arith.constant 0 : i32
        %dma_start3A_34 = tpu.memref_slice %arg7[%dma_start3A_32, %dma_start3A_33] : memref<2048x16xi32, #tpu.memory_space<hbm>> -> memref<512x16xi32, #tpu.memory_space<hbm>>
        tpu.enqueue_dma source(%arg12 : memref<512x16xi32, #tpu.memory_space<vmem>>) target(%dma_start3A_34 : memref<512x16xi32, #tpu.memory_space<hbm>>) target_semaphore(%run_scoped3A : memref<!tpu.dma_semaphore, #tpu.memory_space<semaphore_mem>>)
        %dma_wait3A = arith.constant 0 : i32
        %dma_wait3A_35 = arith.constant 0 : i32
        %dma_wait3A_36 = tpu.memref_slice %arg7[%dma_wait3A, %dma_wait3A_35] : memref<2048x16xi32, #tpu.memory_space<hbm>> -> memref<512x16xi32, #tpu.memory_space<hbm>>
        %dma_wait3A_37 = arith.constant 0 : i32
        %dma_wait3A_38 = arith.constant 0 : i32
        %dma_wait3A_39 = tpu.memref_slice %arg7[%dma_wait3A_37, %dma_wait3A_38] : memref<2048x16xi32, #tpu.memory_space<hbm>> -> memref<512x16xi32, #tpu.memory_space<hbm>>
        tpu.wait_dma2 semaphore(%run_scoped3A : memref<!tpu.dma_semaphore, #tpu.memory_space<semaphore_mem>>) src(%arg12 : memref<512x16xi32, #tpu.memory_space<vmem>>) dst(%dma_wait3A_39 : memref<512x16xi32, #tpu.memory_space<hbm>>)
        tpu.yield
      }) : () -> ()
      "tpu.region"() ({
        %run_scoped3A = tpu.sem_alloc : memref<!tpu.dma_semaphore, #tpu.memory_space<semaphore_mem>>
        %dma_start3A = arith.constant 0 : i32
        %dma_start3A_30 = arith.constant 0 : i32
        %dma_start3A_31 = tpu.memref_slice %arg8[%dma_start3A, %dma_start3A_30] : memref<2048x16xf32, #tpu.memory_space<hbm>> -> memref<512x16xf32, #tpu.memory_space<hbm>>
        %dma_start3A_32 = arith.constant 0 : i32
        %dma_start3A_33 = arith.constant 0 : i32
        %dma_start3A_34 = tpu.memref_slice %arg8[%dma_start3A_32, %dma_start3A_33] : memref<2048x16xf32, #tpu.memory_space<hbm>> -> memref<512x16xf32, #tpu.memory_space<hbm>>
        tpu.enqueue_dma source(%arg13 : memref<512x16xf32, #tpu.memory_space<vmem>>) target(%dma_start3A_34 : memref<512x16xf32, #tpu.memory_space<hbm>>) target_semaphore(%run_scoped3A : memref<!tpu.dma_semaphore, #tpu.memory_space<semaphore_mem>>)
        %dma_wait3A = arith.constant 0 : i32
        %dma_wait3A_35 = arith.constant 0 : i32
        %dma_wait3A_36 = tpu.memref_slice %arg8[%dma_wait3A, %dma_wait3A_35] : memref<2048x16xf32, #tpu.memory_space<hbm>> -> memref<512x16xf32, #tpu.memory_space<hbm>>
        %dma_wait3A_37 = arith.constant 0 : i32
        %dma_wait3A_38 = arith.constant 0 : i32
        %dma_wait3A_39 = tpu.memref_slice %arg8[%dma_wait3A_37, %dma_wait3A_38] : memref<2048x16xf32, #tpu.memory_space<hbm>> -> memref<512x16xf32, #tpu.memory_space<hbm>>
        tpu.wait_dma2 semaphore(%run_scoped3A : memref<!tpu.dma_semaphore, #tpu.memory_space<semaphore_mem>>) src(%arg13 : memref<512x16xf32, #tpu.memory_space<vmem>>) dst(%dma_wait3A_39 : memref<512x16xf32, #tpu.memory_space<hbm>>)
        tpu.yield
      }) : () -> ()
      "tpu.region"() ({
        %run_scoped3A = tpu.sem_alloc : memref<!tpu.dma_semaphore, #tpu.memory_space<semaphore_mem>>
        %dma_start3A = arith.constant 512 : i32
        %dma_start3A_30 = arith.constant 0 : i32
        %dma_start3A_31 = tpu.memref_slice %arg4[%dma_start3A, %dma_start3A_30] : memref<2048x16xi32, #tpu.memory_space<hbm>> -> memref<512x16xi32, #tpu.memory_space<hbm>>
        %dma_start3A_32 = arith.constant 512 : i32
        %dma_start3A_33 = arith.constant 0 : i32
        %dma_start3A_34 = tpu.memref_slice %arg4[%dma_start3A_32, %dma_start3A_33] : memref<2048x16xi32, #tpu.memory_space<hbm>> -> memref<512x16xi32, #tpu.memory_space<hbm>>
        tpu.enqueue_dma source(%dma_start3A_34 : memref<512x16xi32, #tpu.memory_space<hbm>>) target(%arg11 : memref<512x16xi32, #tpu.memory_space<vmem>>) target_semaphore(%run_scoped3A : memref<!tpu.dma_semaphore, #tpu.memory_space<semaphore_mem>>)
        %dma_wait3A = arith.constant 512 : i32
        %dma_wait3A_35 = arith.constant 0 : i32
        %dma_wait3A_36 = tpu.memref_slice %arg4[%dma_wait3A, %dma_wait3A_35] : memref<2048x16xi32, #tpu.memory_space<hbm>> -> memref<512x16xi32, #tpu.memory_space<hbm>>
        %dma_wait3A_37 = arith.constant 512 : i32
        %dma_wait3A_38 = arith.constant 0 : i32
        %dma_wait3A_39 = tpu.memref_slice %arg4[%dma_wait3A_37, %dma_wait3A_38] : memref<2048x16xi32, #tpu.memory_space<hbm>> -> memref<512x16xi32, #tpu.memory_space<hbm>>
        tpu.wait_dma2 semaphore(%run_scoped3A : memref<!tpu.dma_semaphore, #tpu.memory_space<semaphore_mem>>) src(%dma_wait3A_39 : memref<512x16xi32, #tpu.memory_space<hbm>>) dst(%arg11 : memref<512x16xi32, #tpu.memory_space<vmem>>)
        tpu.yield
      }) : () -> ()
      %scan3A_12 = arith.constant 0 : i32
      %scan3A_13 = arith.constant 512 : i32
      %scan3A_14 = arith.addi %scan3A_12, %scan3A_13 : i32
      %scan3A_15 = arith.constant 1 : i32
      %scan3A_16 = scf.for %scan3A_30 = %scan3A_12 to %scan3A_14 step %scan3A_15 iter_args(%scan3A_31 = %scan3A_10) -> (vector<16xi32>)  : i32 {
        %get3A_32 = arith.index_cast %scan3A_30 : i32 to index
        %get3A_33 = arith.constant 0 : index
        %get3A_34 = tpu.vector_load %arg11[%get3A_32, %get3A_33] {strides = array<i32>} : memref<512x16xi32, #tpu.memory_space<vmem>>, vector<16xi32>,
        %mul3A = arith.constant 256 : i32
        %mul3A_35 = vector.broadcast %mul3A : i32 to vector<16xi32>
        %mul3A_36 = arith.muli %get3A_34, %mul3A_35 : vector<16xi32>
        %add3A = arith.addi %mul3A_36, %get3A_4 : vector<16xi32>
        %add3A_37 = arith.addi %add3A, %scan3A_31 : vector<16xi32>
        %gather3A = tpu.vector_load_idx %arg10[%add3A_37] : memref<32768xf32, #tpu.memory_space<vmem>>[vector<16xi32>], vector<16xf32>,
        %gather3A_38 = tpu.vector_load_idx %arg9[%add3A_37] : memref<32768xi32, #tpu.memory_space<vmem>>[vector<16xi32>], vector<16xi32>,
        %swap3A = arith.index_cast %scan3A_30 : i32 to index
        %swap3A_39 = arith.constant 0 : index
        %swap3A_40 = tpu.vector_load %arg12[%swap3A, %swap3A_39] {strides = array<i32>} : memref<512x16xi32, #tpu.memory_space<vmem>>, vector<16xi32>,
        tpu.vector_store %arg12[%swap3A, %swap3A_39], %gather3A_38 {strides = array<i32>} : memref<512x16xi32, #tpu.memory_space<vmem>>, vector<16xi32>,
        %swap3A_41 = arith.index_cast %scan3A_30 : i32 to index
        %swap3A_42 = arith.constant 0 : index
        %swap3A_43 = tpu.vector_load %arg13[%swap3A_41, %swap3A_42] {strides = array<i32>} : memref<512x16xf32, #tpu.memory_space<vmem>>, vector<16xf32>,
        tpu.vector_store %arg13[%swap3A_41, %swap3A_42], %gather3A {strides = array<i32>} : memref<512x16xf32, #tpu.memory_space<vmem>>, vector<16xf32>,
        scf.yield %gather3A_38 : vector<16xi32>
      }
      %scan3A_17 = arith.constant 512 : i32
      "tpu.region"() ({
        %run_scoped3A = tpu.sem_alloc : memref<!tpu.dma_semaphore, #tpu.memory_space<semaphore_mem>>
        %dma_start3A = arith.constant 512 : i32
        %dma_start3A_30 = arith.constant 0 : i32
        %dma_start3A_31 = tpu.memref_slice %arg7[%dma_start3A, %dma_start3A_30] : memref<2048x16xi32, #tpu.memory_space<hbm>> -> memref<512x16xi32, #tpu.memory_space<hbm>>
        %dma_start3A_32 = arith.constant 512 : i32
        %dma_start3A_33 = arith.constant 0 : i32
        %dma_start3A_34 = tpu.memref_slice %arg7[%dma_start3A_32, %dma_start3A_33] : memref<2048x16xi32, #tpu.memory_space<hbm>> -> memref<512x16xi32, #tpu.memory_space<hbm>>
        tpu.enqueue_dma source(%arg12 : memref<512x16xi32, #tpu.memory_space<vmem>>) target(%dma_start3A_34 : memref<512x16xi32, #tpu.memory_space<hbm>>) target_semaphore(%run_scoped3A : memref<!tpu.dma_semaphore, #tpu.memory_space<semaphore_mem>>)
        %dma_wait3A = arith.constant 512 : i32
        %dma_wait3A_35 = arith.constant 0 : i32
        %dma_wait3A_36 = tpu.memref_slice %arg7[%dma_wait3A, %dma_wait3A_35] : memref<2048x16xi32, #tpu.memory_space<hbm>> -> memref<512x16xi32, #tpu.memory_space<hbm>>
        %dma_wait3A_37 = arith.constant 512 : i32
        %dma_wait3A_38 = arith.constant 0 : i32
        %dma_wait3A_39 = tpu.memref_slice %arg7[%dma_wait3A_37, %dma_wait3A_38] : memref<2048x16xi32, #tpu.memory_space<hbm>> -> memref<512x16xi32, #tpu.memory_space<hbm>>
        tpu.wait_dma2 semaphore(%run_scoped3A : memref<!tpu.dma_semaphore, #tpu.memory_space<semaphore_mem>>) src(%arg12 : memref<512x16xi32, #tpu.memory_space<vmem>>) dst(%dma_wait3A_39 : memref<512x16xi32, #tpu.memory_space<hbm>>)
        tpu.yield
      }) : () -> ()
      "tpu.region"() ({
        %run_scoped3A = tpu.sem_alloc : memref<!tpu.dma_semaphore, #tpu.memory_space<semaphore_mem>>
        %dma_start3A = arith.constant 512 : i32
        %dma_start3A_30 = arith.constant 0 : i32
        %dma_start3A_31 = tpu.memref_slice %arg8[%dma_start3A, %dma_start3A_30] : memref<2048x16xf32, #tpu.memory_space<hbm>> -> memref<512x16xf32, #tpu.memory_space<hbm>>
        %dma_start3A_32 = arith.constant 512 : i32
        %dma_start3A_33 = arith.constant 0 : i32
        %dma_start3A_34 = tpu.memref_slice %arg8[%dma_start3A_32, %dma_start3A_33] : memref<2048x16xf32, #tpu.memory_space<hbm>> -> memref<512x16xf32, #tpu.memory_space<hbm>>
        tpu.enqueue_dma source(%arg13 : memref<512x16xf32, #tpu.memory_space<vmem>>) target(%dma_start3A_34 : memref<512x16xf32, #tpu.memory_space<hbm>>) target_semaphore(%run_scoped3A : memref<!tpu.dma_semaphore, #tpu.memory_space<semaphore_mem>>)
        %dma_wait3A = arith.constant 512 : i32
        %dma_wait3A_35 = arith.constant 0 : i32
        %dma_wait3A_36 = tpu.memref_slice %arg8[%dma_wait3A, %dma_wait3A_35] : memref<2048x16xf32, #tpu.memory_space<hbm>> -> memref<512x16xf32, #tpu.memory_space<hbm>>
        %dma_wait3A_37 = arith.constant 512 : i32
        %dma_wait3A_38 = arith.constant 0 : i32
        %dma_wait3A_39 = tpu.memref_slice %arg8[%dma_wait3A_37, %dma_wait3A_38] : memref<2048x16xf32, #tpu.memory_space<hbm>> -> memref<512x16xf32, #tpu.memory_space<hbm>>
        tpu.wait_dma2 semaphore(%run_scoped3A : memref<!tpu.dma_semaphore, #tpu.memory_space<semaphore_mem>>) src(%arg13 : memref<512x16xf32, #tpu.memory_space<vmem>>) dst(%dma_wait3A_39 : memref<512x16xf32, #tpu.memory_space<hbm>>)
        tpu.yield
      }) : () -> ()
      "tpu.region"() ({
        %run_scoped3A = tpu.sem_alloc : memref<!tpu.dma_semaphore, #tpu.memory_space<semaphore_mem>>
        %dma_start3A = arith.constant 1024 : i32
        %dma_start3A_30 = arith.constant 0 : i32
        %dma_start3A_31 = tpu.memref_slice %arg4[%dma_start3A, %dma_start3A_30] : memref<2048x16xi32, #tpu.memory_space<hbm>> -> memref<512x16xi32, #tpu.memory_space<hbm>>
        %dma_start3A_32 = arith.constant 1024 : i32
        %dma_start3A_33 = arith.constant 0 : i32
        %dma_start3A_34 = tpu.memref_slice %arg4[%dma_start3A_32, %dma_start3A_33] : memref<2048x16xi32, #tpu.memory_space<hbm>> -> memref<512x16xi32, #tpu.memory_space<hbm>>
        tpu.enqueue_dma source(%dma_start3A_34 : memref<512x16xi32, #tpu.memory_space<hbm>>) target(%arg11 : memref<512x16xi32, #tpu.memory_space<vmem>>) target_semaphore(%run_scoped3A : memref<!tpu.dma_semaphore, #tpu.memory_space<semaphore_mem>>)
        %dma_wait3A = arith.constant 1024 : i32
        %dma_wait3A_35 = arith.constant 0 : i32
        %dma_wait3A_36 = tpu.memref_slice %arg4[%dma_wait3A, %dma_wait3A_35] : memref<2048x16xi32, #tpu.memory_space<hbm>> -> memref<512x16xi32, #tpu.memory_space<hbm>>
        %dma_wait3A_37 = arith.constant 1024 : i32
        %dma_wait3A_38 = arith.constant 0 : i32
        %dma_wait3A_39 = tpu.memref_slice %arg4[%dma_wait3A_37, %dma_wait3A_38] : memref<2048x16xi32, #tpu.memory_space<hbm>> -> memref<512x16xi32, #tpu.memory_space<hbm>>
        tpu.wait_dma2 semaphore(%run_scoped3A : memref<!tpu.dma_semaphore, #tpu.memory_space<semaphore_mem>>) src(%dma_wait3A_39 : memref<512x16xi32, #tpu.memory_space<hbm>>) dst(%arg11 : memref<512x16xi32, #tpu.memory_space<vmem>>)
        tpu.yield
      }) : () -> ()
      %scan3A_18 = arith.constant 0 : i32
      %scan3A_19 = arith.constant 512 : i32
      %scan3A_20 = arith.addi %scan3A_18, %scan3A_19 : i32
      %scan3A_21 = arith.constant 1 : i32
      %scan3A_22 = scf.for %scan3A_30 = %scan3A_18 to %scan3A_20 step %scan3A_21 iter_args(%scan3A_31 = %scan3A_16) -> (vector<16xi32>)  : i32 {
        %get3A_32 = arith.index_cast %scan3A_30 : i32 to index
        %get3A_33 = arith.constant 0 : index
        %get3A_34 = tpu.vector_load %arg11[%get3A_32, %get3A_33] {strides = array<i32>} : memref<512x16xi32, #tpu.memory_space<vmem>>, vector<16xi32>,
        %mul3A = arith.constant 256 : i32
        %mul3A_35 = vector.broadcast %mul3A : i32 to vector<16xi32>
        %mul3A_36 = arith.muli %get3A_34, %mul3A_35 : vector<16xi32>
        %add3A = arith.addi %mul3A_36, %get3A_4 : vector<16xi32>
        %add3A_37 = arith.addi %add3A, %scan3A_31 : vector<16xi32>
        %gather3A = tpu.vector_load_idx %arg10[%add3A_37] : memref<32768xf32, #tpu.memory_space<vmem>>[vector<16xi32>], vector<16xf32>,
        %gather3A_38 = tpu.vector_load_idx %arg9[%add3A_37] : memref<32768xi32, #tpu.memory_space<vmem>>[vector<16xi32>], vector<16xi32>,
        %swap3A = arith.index_cast %scan3A_30 : i32 to index
        %swap3A_39 = arith.constant 0 : index
        %swap3A_40 = tpu.vector_load %arg12[%swap3A, %swap3A_39] {strides = array<i32>} : memref<512x16xi32, #tpu.memory_space<vmem>>, vector<16xi32>,
        tpu.vector_store %arg12[%swap3A, %swap3A_39], %gather3A_38 {strides = array<i32>} : memref<512x16xi32, #tpu.memory_space<vmem>>, vector<16xi32>,
        %swap3A_41 = arith.index_cast %scan3A_30 : i32 to index
        %swap3A_42 = arith.constant 0 : index
        %swap3A_43 = tpu.vector_load %arg13[%swap3A_41, %swap3A_42] {strides = array<i32>} : memref<512x16xf32, #tpu.memory_space<vmem>>, vector<16xf32>,
        tpu.vector_store %arg13[%swap3A_41, %swap3A_42], %gather3A {strides = array<i32>} : memref<512x16xf32, #tpu.memory_space<vmem>>, vector<16xf32>,
        scf.yield %gather3A_38 : vector<16xi32>
      }
      %scan3A_23 = arith.constant 512 : i32
      "tpu.region"() ({
        %run_scoped3A = tpu.sem_alloc : memref<!tpu.dma_semaphore, #tpu.memory_space<semaphore_mem>>
        %dma_start3A = arith.constant 1024 : i32
        %dma_start3A_30 = arith.constant 0 : i32
        %dma_start3A_31 = tpu.memref_slice %arg7[%dma_start3A, %dma_start3A_30] : memref<2048x16xi32, #tpu.memory_space<hbm>> -> memref<512x16xi32, #tpu.memory_space<hbm>>
        %dma_start3A_32 = arith.constant 1024 : i32
        %dma_start3A_33 = arith.constant 0 : i32
        %dma_start3A_34 = tpu.memref_slice %arg7[%dma_start3A_32, %dma_start3A_33] : memref<2048x16xi32, #tpu.memory_space<hbm>> -> memref<512x16xi32, #tpu.memory_space<hbm>>
        tpu.enqueue_dma source(%arg12 : memref<512x16xi32, #tpu.memory_space<vmem>>) target(%dma_start3A_34 : memref<512x16xi32, #tpu.memory_space<hbm>>) target_semaphore(%run_scoped3A : memref<!tpu.dma_semaphore, #tpu.memory_space<semaphore_mem>>)
        %dma_wait3A = arith.constant 1024 : i32
        %dma_wait3A_35 = arith.constant 0 : i32
        %dma_wait3A_36 = tpu.memref_slice %arg7[%dma_wait3A, %dma_wait3A_35] : memref<2048x16xi32, #tpu.memory_space<hbm>> -> memref<512x16xi32, #tpu.memory_space<hbm>>
        %dma_wait3A_37 = arith.constant 1024 : i32
        %dma_wait3A_38 = arith.constant 0 : i32
        %dma_wait3A_39 = tpu.memref_slice %arg7[%dma_wait3A_37, %dma_wait3A_38] : memref<2048x16xi32, #tpu.memory_space<hbm>> -> memref<512x16xi32, #tpu.memory_space<hbm>>
        tpu.wait_dma2 semaphore(%run_scoped3A : memref<!tpu.dma_semaphore, #tpu.memory_space<semaphore_mem>>) src(%arg12 : memref<512x16xi32, #tpu.memory_space<vmem>>) dst(%dma_wait3A_39 : memref<512x16xi32, #tpu.memory_space<hbm>>)
        tpu.yield
      }) : () -> ()
      "tpu.region"() ({
        %run_scoped3A = tpu.sem_alloc : memref<!tpu.dma_semaphore, #tpu.memory_space<semaphore_mem>>
        %dma_start3A = arith.constant 1024 : i32
        %dma_start3A_30 = arith.constant 0 : i32
        %dma_start3A_31 = tpu.memref_slice %arg8[%dma_start3A, %dma_start3A_30] : memref<2048x16xf32, #tpu.memory_space<hbm>> -> memref<512x16xf32, #tpu.memory_space<hbm>>
        %dma_start3A_32 = arith.constant 1024 : i32
        %dma_start3A_33 = arith.constant 0 : i32
        %dma_start3A_34 = tpu.memref_slice %arg8[%dma_start3A_32, %dma_start3A_33] : memref<2048x16xf32, #tpu.memory_space<hbm>> -> memref<512x16xf32, #tpu.memory_space<hbm>>
        tpu.enqueue_dma source(%arg13 : memref<512x16xf32, #tpu.memory_space<vmem>>) target(%dma_start3A_34 : memref<512x16xf32, #tpu.memory_space<hbm>>) target_semaphore(%run_scoped3A : memref<!tpu.dma_semaphore, #tpu.memory_space<semaphore_mem>>)
        %dma_wait3A = arith.constant 1024 : i32
        %dma_wait3A_35 = arith.constant 0 : i32
        %dma_wait3A_36 = tpu.memref_slice %arg8[%dma_wait3A, %dma_wait3A_35] : memref<2048x16xf32, #tpu.memory_space<hbm>> -> memref<512x16xf32, #tpu.memory_space<hbm>>
        %dma_wait3A_37 = arith.constant 1024 : i32
        %dma_wait3A_38 = arith.constant 0 : i32
        %dma_wait3A_39 = tpu.memref_slice %arg8[%dma_wait3A_37, %dma_wait3A_38] : memref<2048x16xf32, #tpu.memory_space<hbm>> -> memref<512x16xf32, #tpu.memory_space<hbm>>
        tpu.wait_dma2 semaphore(%run_scoped3A : memref<!tpu.dma_semaphore, #tpu.memory_space<semaphore_mem>>) src(%arg13 : memref<512x16xf32, #tpu.memory_space<vmem>>) dst(%dma_wait3A_39 : memref<512x16xf32, #tpu.memory_space<hbm>>)
        tpu.yield
      }) : () -> ()
      "tpu.region"() ({
        %run_scoped3A = tpu.sem_alloc : memref<!tpu.dma_semaphore, #tpu.memory_space<semaphore_mem>>
        %dma_start3A = arith.constant 1536 : i32
        %dma_start3A_30 = arith.constant 0 : i32
        %dma_start3A_31 = tpu.memref_slice %arg4[%dma_start3A, %dma_start3A_30] : memref<2048x16xi32, #tpu.memory_space<hbm>> -> memref<512x16xi32, #tpu.memory_space<hbm>>
        %dma_start3A_32 = arith.constant 1536 : i32
        %dma_start3A_33 = arith.constant 0 : i32
        %dma_start3A_34 = tpu.memref_slice %arg4[%dma_start3A_32, %dma_start3A_33] : memref<2048x16xi32, #tpu.memory_space<hbm>> -> memref<512x16xi32, #tpu.memory_space<hbm>>
        tpu.enqueue_dma source(%dma_start3A_34 : memref<512x16xi32, #tpu.memory_space<hbm>>) target(%arg11 : memref<512x16xi32, #tpu.memory_space<vmem>>) target_semaphore(%run_scoped3A : memref<!tpu.dma_semaphore, #tpu.memory_space<semaphore_mem>>)
        %dma_wait3A = arith.constant 1536 : i32
        %dma_wait3A_35 = arith.constant 0 : i32
        %dma_wait3A_36 = tpu.memref_slice %arg4[%dma_wait3A, %dma_wait3A_35] : memref<2048x16xi32, #tpu.memory_space<hbm>> -> memref<512x16xi32, #tpu.memory_space<hbm>>
        %dma_wait3A_37 = arith.constant 1536 : i32
        %dma_wait3A_38 = arith.constant 0 : i32
        %dma_wait3A_39 = tpu.memref_slice %arg4[%dma_wait3A_37, %dma_wait3A_38] : memref<2048x16xi32, #tpu.memory_space<hbm>> -> memref<512x16xi32, #tpu.memory_space<hbm>>
        tpu.wait_dma2 semaphore(%run_scoped3A : memref<!tpu.dma_semaphore, #tpu.memory_space<semaphore_mem>>) src(%dma_wait3A_39 : memref<512x16xi32, #tpu.memory_space<hbm>>) dst(%arg11 : memref<512x16xi32, #tpu.memory_space<vmem>>)
        tpu.yield
      }) : () -> ()
      %scan3A_24 = arith.constant 0 : i32
      %scan3A_25 = arith.constant 512 : i32
      %scan3A_26 = arith.addi %scan3A_24, %scan3A_25 : i32
      %scan3A_27 = arith.constant 1 : i32
      %scan3A_28 = scf.for %scan3A_30 = %scan3A_24 to %scan3A_26 step %scan3A_27 iter_args(%scan3A_31 = %scan3A_22) -> (vector<16xi32>)  : i32 {
        %get3A_32 = arith.index_cast %scan3A_30 : i32 to index
        %get3A_33 = arith.constant 0 : index
        %get3A_34 = tpu.vector_load %arg11[%get3A_32, %get3A_33] {strides = array<i32>} : memref<512x16xi32, #tpu.memory_space<vmem>>, vector<16xi32>,
        %mul3A = arith.constant 256 : i32
        %mul3A_35 = vector.broadcast %mul3A : i32 to vector<16xi32>
        %mul3A_36 = arith.muli %get3A_34, %mul3A_35 : vector<16xi32>
        %add3A = arith.addi %mul3A_36, %get3A_4 : vector<16xi32>
        %add3A_37 = arith.addi %add3A, %scan3A_31 : vector<16xi32>
        %gather3A = tpu.vector_load_idx %arg10[%add3A_37] : memref<32768xf32, #tpu.memory_space<vmem>>[vector<16xi32>], vector<16xf32>,
        %gather3A_38 = tpu.vector_load_idx %arg9[%add3A_37] : memref<32768xi32, #tpu.memory_space<vmem>>[vector<16xi32>], vector<16xi32>,
        %swap3A = arith.index_cast %scan3A_30 : i32 to index
        %swap3A_39 = arith.constant 0 : index
        %swap3A_40 = tpu.vector_load %arg12[%swap3A, %swap3A_39] {strides = array<i32>} : memref<512x16xi32, #tpu.memory_space<vmem>>, vector<16xi32>,
        tpu.vector_store %arg12[%swap3A, %swap3A_39], %gather3A_38 {strides = array<i32>} : memref<512x16xi32, #tpu.memory_space<vmem>>, vector<16xi32>,
        %swap3A_41 = arith.index_cast %scan3A_30 : i32 to index
        %swap3A_42 = arith.constant 0 : index
        %swap3A_43 = tpu.vector_load %arg13[%swap3A_41, %swap3A_42] {strides = array<i32>} : memref<512x16xf32, #tpu.memory_space<vmem>>, vector<16xf32>,
        tpu.vector_store %arg13[%swap3A_41, %swap3A_42], %gather3A {strides = array<i32>} : memref<512x16xf32, #tpu.memory_space<vmem>>, vector<16xf32>,
        scf.yield %gather3A_38 : vector<16xi32>
      }
      %scan3A_29 = arith.constant 512 : i32
      "tpu.region"() ({
        %run_scoped3A = tpu.sem_alloc : memref<!tpu.dma_semaphore, #tpu.memory_space<semaphore_mem>>
        %dma_start3A = arith.constant 1536 : i32
        %dma_start3A_30 = arith.constant 0 : i32
        %dma_start3A_31 = tpu.memref_slice %arg7[%dma_start3A, %dma_start3A_30] : memref<2048x16xi32, #tpu.memory_space<hbm>> -> memref<512x16xi32, #tpu.memory_space<hbm>>
        %dma_start3A_32 = arith.constant 1536 : i32
        %dma_start3A_33 = arith.constant 0 : i32
        %dma_start3A_34 = tpu.memref_slice %arg7[%dma_start3A_32, %dma_start3A_33] : memref<2048x16xi32, #tpu.memory_space<hbm>> -> memref<512x16xi32, #tpu.memory_space<hbm>>
        tpu.enqueue_dma source(%arg12 : memref<512x16xi32, #tpu.memory_space<vmem>>) target(%dma_start3A_34 : memref<512x16xi32, #tpu.memory_space<hbm>>) target_semaphore(%run_scoped3A : memref<!tpu.dma_semaphore, #tpu.memory_space<semaphore_mem>>)
        %dma_wait3A = arith.constant 1536 : i32
        %dma_wait3A_35 = arith.constant 0 : i32
        %dma_wait3A_36 = tpu.memref_slice %arg7[%dma_wait3A, %dma_wait3A_35] : memref<2048x16xi32, #tpu.memory_space<hbm>> -> memref<512x16xi32, #tpu.memory_space<hbm>>
        %dma_wait3A_37 = arith.constant 1536 : i32
        %dma_wait3A_38 = arith.constant 0 : i32
        %dma_wait3A_39 = tpu.memref_slice %arg7[%dma_wait3A_37, %dma_wait3A_38] : memref<2048x16xi32, #tpu.memory_space<hbm>> -> memref<512x16xi32, #tpu.memory_space<hbm>>
        tpu.wait_dma2 semaphore(%run_scoped3A : memref<!tpu.dma_semaphore, #tpu.memory_space<semaphore_mem>>) src(%arg12 : memref<512x16xi32, #tpu.memory_space<vmem>>) dst(%dma_wait3A_39 : memref<512x16xi32, #tpu.memory_space<hbm>>)
        tpu.yield
      }) : () -> ()
      "tpu.region"() ({
        %run_scoped3A = tpu.sem_alloc : memref<!tpu.dma_semaphore, #tpu.memory_space<semaphore_mem>>
        %dma_start3A = arith.constant 1536 : i32
        %dma_start3A_30 = arith.constant 0 : i32
        %dma_start3A_31 = tpu.memref_slice %arg8[%dma_start3A, %dma_start3A_30] : memref<2048x16xf32, #tpu.memory_space<hbm>> -> memref<512x16xf32, #tpu.memory_space<hbm>>
        %dma_start3A_32 = arith.constant 1536 : i32
        %dma_start3A_33 = arith.constant 0 : i32
        %dma_start3A_34 = tpu.memref_slice %arg8[%dma_start3A_32, %dma_start3A_33] : memref<2048x16xf32, #tpu.memory_space<hbm>> -> memref<512x16xf32, #tpu.memory_space<hbm>>
        tpu.enqueue_dma source(%arg13 : memref<512x16xf32, #tpu.memory_space<vmem>>) target(%dma_start3A_34 : memref<512x16xf32, #tpu.memory_space<hbm>>) target_semaphore(%run_scoped3A : memref<!tpu.dma_semaphore, #tpu.memory_space<semaphore_mem>>)
        %dma_wait3A = arith.constant 1536 : i32
        %dma_wait3A_35 = arith.constant 0 : i32
        %dma_wait3A_36 = tpu.memref_slice %arg8[%dma_wait3A, %dma_wait3A_35] : memref<2048x16xf32, #tpu.memory_space<hbm>> -> memref<512x16xf32, #tpu.memory_space<hbm>>
        %dma_wait3A_37 = arith.constant 1536 : i32
        %dma_wait3A_38 = arith.constant 0 : i32
        %dma_wait3A_39 = tpu.memref_slice %arg8[%dma_wait3A_37, %dma_wait3A_38] : memref<2048x16xf32, #tpu.memory_space<hbm>> -> memref<512x16xf32, #tpu.memory_space<hbm>>
        tpu.wait_dma2 semaphore(%run_scoped3A : memref<!tpu.dma_semaphore, #tpu.memory_space<semaphore_mem>>) src(%arg13 : memref<512x16xf32, #tpu.memory_space<vmem>>) dst(%dma_wait3A_39 : memref<512x16xf32, #tpu.memory_space<hbm>>)
        tpu.yield
      }) : () -> ()
    } else {
    }
    return
  }
}

module attributes {stable_mosaic.version = 14 : i64} {
  func.func @_tree_body(%arg0: i32, %arg1: memref<8x512xf32, #tpu.memory_space<vmem>>, %arg2: memref<8x512xf32, #tpu.memory_space<vmem>>, %arg3: memref<128x512xf32, #tpu.memory_space<vmem>>, %arg4: memref<8x512xf32, #tpu.memory_space<vmem>>, %arg5: memref<8x512xf32, #tpu.memory_space<vmem>>, %arg6: memref<64x1024xf32, #tpu.memory_space<vmem>>, %arg7: memref<8x1024xf32, #tpu.memory_space<vmem>>, %arg8: memref<64x1024xf32, #tpu.memory_space<vmem>>, %arg9: memref<8x512xf32, #tpu.memory_space<vmem>>) attributes {dimension_semantics = [#tpu.dimension_semantics<arbitrary>], iteration_bounds = array<i64: 32>, scalar_prefetch = 0 : i64, scratch_operands = 0 : i64, tpu.core_type = #tpu.core_type<tc>, window_params = [{transform_indices = @transform_0, window_bounds = array<i64: 8, 512>}, {transform_indices = @transform_1, window_bounds = array<i64: 8, 512>}, {transform_indices = @transform_2, window_bounds = array<i64: 128, 512>}, {transform_indices = @transform_3, window_bounds = array<i64: 8, 512>}, {transform_indices = @transform_4, window_bounds = array<i64: 8, 512>}, {pipeline_mode = #tpu.pipeline_mode<synchronous>, transform_indices = @transform_5, window_bounds = array<i64: 64, 1024>}, {pipeline_mode = #tpu.pipeline_mode<synchronous>, transform_indices = @transform_6, window_bounds = array<i64: 8, 1024>}, {pipeline_mode = #tpu.pipeline_mode<synchronous>, transform_indices = @transform_7, window_bounds = array<i64: 64, 1024>}, {transform_indices = @transform_8, window_bounds = array<i64: 8, 512>}]} {
    %get3A = arith.constant 0 : index
    %get3A_0 = arith.constant 0 : index
    %get3A_1 = vector.load %arg1[%get3A, %get3A_0] : memref<8x512xf32, #tpu.memory_space<vmem>>, vector<8x512xf32>
    %mul3A = arith.constant 2.000000e+00 : f32
    %mul3A_2 = vector.broadcast %mul3A : f32 to vector<8x512xf32>
    %mul3A_3 = arith.mulf %mul3A_2, %get3A_1 : vector<8x512xf32>
    %sub3A = arith.constant 1.000000e+00 : f32
    %sub3A_4 = vector.broadcast %sub3A : f32 to vector<8x512xf32>
    %sub3A_5 = arith.subf %mul3A_3, %sub3A_4 : vector<8x512xf32>
    %get3A_6 = arith.constant 0 : index
    %get3A_7 = arith.constant 0 : index
    %get3A_8 = vector.load %arg2[%get3A_6, %get3A_7] : memref<8x512xf32, #tpu.memory_space<vmem>>, vector<8x512xf32>
    %mul3A_9 = arith.mulf %sub3A_5, %get3A_8 : vector<8x512xf32>
    %iota3A = tpu.iota {dimensions = array<i32: 1>} : vector<1x512xi32>
    %mul3A_10 = arith.constant 512 : i32
    %mul3A_11 = arith.muli %arg0, %mul3A_10 : i32
    %add3A = vector.broadcast %mul3A_11 : i32 to vector<1x512xi32>
    %add3A_12 = arith.addi %iota3A, %add3A : vector<1x512xi32>
    %jit3A = arith.constant 4 : i32
    %eq3A = arith.constant 0 : i32
    %eq3A_13 = arith.cmpi eq, %jit3A, %eq3A : i32
    %jit3A_14 = arith.constant 1 : i32
    %select_n3A = arith.select %eq3A_13, %jit3A_14, %jit3A : i32
    %rem3A = vector.broadcast %select_n3A : i32 to vector<1x512xi32>
    %rem3A_15 = arith.remsi %add3A_12, %rem3A : vector<1x512xi32>
    %ne3A = arith.constant 0 : i32
    %ne3A_16 = vector.broadcast %ne3A : i32 to vector<1x512xi32>
    %ne3A_17 = arith.cmpi ne, %rem3A_15, %ne3A_16 : vector<1x512xi32>
    %lt3A = arith.constant 0 : i32
    %lt3A_18 = vector.broadcast %lt3A : i32 to vector<1x512xi32>
    %lt3A_19 = arith.cmpi slt, %rem3A_15, %lt3A_18 : vector<1x512xi32>
    %lt3A_20 = arith.constant 0 : i32
    %lt3A_21 = arith.cmpi slt, %select_n3A, %lt3A_20 : i32
    %ne3A_22 = vector.broadcast %lt3A_21 : i1 to vector<1x512xi1>
    %ne3A_23 = vector.broadcast %ne3A_22 : vector<1x512xi1> to vector<1x512xi1>
    %ne3A_24 = arith.xori %lt3A_19, %ne3A_23 : vector<1x512xi1>
    %and3A = arith.andi %ne3A_24, %ne3A_17 : vector<1x512xi1>
    %add3A_25 = vector.broadcast %select_n3A : i32 to vector<1x512xi32>
    %add3A_26 = arith.addi %rem3A_15, %add3A_25 : vector<1x512xi32>
    %select_n3A_27 = arith.select %and3A, %add3A_26, %rem3A_15 : vector<1x512xi1>, vector<1x512xi32>
    %broadcast_in_dim3A = arith.constant 0 : i32
    %broadcast_in_dim3A_28 = vector.broadcast %broadcast_in_dim3A : i32 to vector<1x512xi32>
    %mul3A_29 = arith.constant 1 : i32
    %mul3A_30 = vector.broadcast %mul3A_29 : i32 to vector<1x512xi32>
    %mul3A_31 = arith.muli %select_n3A_27, %mul3A_30 : vector<1x512xi32>
    %add3A_32 = arith.addi %mul3A_31, %broadcast_in_dim3A_28 : vector<1x512xi32>
    %iota3A_33 = tpu.iota {dimensions = array<i32: 0>} : vector<4x512xi32>
    %eq3A_34 = vector.broadcast %add3A_32 : vector<1x512xi32> to vector<4x512xi32>
    %eq3A_35 = arith.cmpi eq, %iota3A_33, %eq3A_34 : vector<4x512xi32>
    %convert_element_type3A = arith.extui %eq3A_35 : vector<4x512xi1> to vector<4x512xi32>
    %convert_element_type3A_36 = arith.sitofp %convert_element_type3A : vector<4x512xi32> to vector<4x512xf32>
    %get3A_37 = arith.constant 0 : index
    %get3A_38 = arith.constant 0 : index
    %get3A_39 = vector.load %arg6[%get3A_37, %get3A_38] : memref<64x1024xf32, #tpu.memory_space<vmem>>, vector<64x4xf32>
    %slice3A = vector.extract_strided_slice %get3A_39 {offsets = [0, 0], sizes = [16, 4], strides = [1, 1]} : vector<64x4xf32> to vector<16x4xf32>
    %dot_general3A = arith.constant dense<0.000000e+00> : vector<16x512xf32>
    %dot_general3A_40 = tpu.matmul %slice3A, %convert_element_type3A_36, %dot_general3A {dimension_numbers = #tpu.dot_dimension_numbers<[1], [0], [0], [1], [0, 0, 1, 1], [], []>, transpose_lhs_hint = false} : vector<16x4xf32>, vector<4x512xf32>, vector<16x512xf32> -> vector<16x512xf32>
    %convert_element_type3A_41 = arith.fptosi %dot_general3A_40 : vector<16x512xf32> to vector<16x512xi32>
    %shift_left3A = arith.constant 0 : i32
    %shift_left3A_42 = vector.broadcast %shift_left3A : i32 to vector<16x512xi32>
    %shift_left3A_43 = arith.shli %convert_element_type3A_41, %shift_left3A_42 : vector<16x512xi32>
    %slice3A_44 = vector.extract_strided_slice %get3A_39 {offsets = [16, 0], sizes = [16, 4], strides = [1, 1]} : vector<64x4xf32> to vector<16x4xf32>
    %dot_general3A_45 = arith.constant dense<0.000000e+00> : vector<16x512xf32>
    %dot_general3A_46 = tpu.matmul %slice3A_44, %convert_element_type3A_36, %dot_general3A_45 {dimension_numbers = #tpu.dot_dimension_numbers<[1], [0], [0], [1], [0, 0, 1, 1], [], []>, transpose_lhs_hint = false} : vector<16x4xf32>, vector<4x512xf32>, vector<16x512xf32> -> vector<16x512xf32>
    %convert_element_type3A_47 = arith.fptosi %dot_general3A_46 : vector<16x512xf32> to vector<16x512xi32>
    %shift_left3A_48 = arith.constant 8 : i32
    %shift_left3A_49 = vector.broadcast %shift_left3A_48 : i32 to vector<16x512xi32>
    %shift_left3A_50 = arith.shli %convert_element_type3A_47, %shift_left3A_49 : vector<16x512xi32>
    %or3A = arith.ori %shift_left3A_43, %shift_left3A_50 : vector<16x512xi32>
    %slice3A_51 = vector.extract_strided_slice %get3A_39 {offsets = [32, 0], sizes = [16, 4], strides = [1, 1]} : vector<64x4xf32> to vector<16x4xf32>
    %dot_general3A_52 = arith.constant dense<0.000000e+00> : vector<16x512xf32>
    %dot_general3A_53 = tpu.matmul %slice3A_51, %convert_element_type3A_36, %dot_general3A_52 {dimension_numbers = #tpu.dot_dimension_numbers<[1], [0], [0], [1], [0, 0, 1, 1], [], []>, transpose_lhs_hint = false} : vector<16x4xf32>, vector<4x512xf32>, vector<16x512xf32> -> vector<16x512xf32>
    %convert_element_type3A_54 = arith.fptosi %dot_general3A_53 : vector<16x512xf32> to vector<16x512xi32>
    %shift_left3A_55 = arith.constant 16 : i32
    %shift_left3A_56 = vector.broadcast %shift_left3A_55 : i32 to vector<16x512xi32>
    %shift_left3A_57 = arith.shli %convert_element_type3A_54, %shift_left3A_56 : vector<16x512xi32>
    %or3A_58 = arith.ori %or3A, %shift_left3A_57 : vector<16x512xi32>
    %slice3A_59 = vector.extract_strided_slice %get3A_39 {offsets = [48, 0], sizes = [16, 4], strides = [1, 1]} : vector<64x4xf32> to vector<16x4xf32>
    %dot_general3A_60 = arith.constant dense<0.000000e+00> : vector<16x512xf32>
    %dot_general3A_61 = tpu.matmul %slice3A_59, %convert_element_type3A_36, %dot_general3A_60 {dimension_numbers = #tpu.dot_dimension_numbers<[1], [0], [0], [1], [0, 0, 1, 1], [], []>, transpose_lhs_hint = false} : vector<16x4xf32>, vector<4x512xf32>, vector<16x512xf32> -> vector<16x512xf32>
    %convert_element_type3A_62 = arith.fptosi %dot_general3A_61 : vector<16x512xf32> to vector<16x512xi32>
    %shift_left3A_63 = arith.constant 24 : i32
    %shift_left3A_64 = vector.broadcast %shift_left3A_63 : i32 to vector<16x512xi32>
    %shift_left3A_65 = arith.shli %convert_element_type3A_62, %shift_left3A_64 : vector<16x512xi32>
    %or3A_66 = arith.ori %or3A_58, %shift_left3A_65 : vector<16x512xi32>
    %bitcast_convert_type3A = tpu.bitcast %or3A_66 : vector<16x512xi32> -> vector<16x512xf32>
    %get3A_67 = arith.constant 0 : index
    %get3A_68 = arith.constant 0 : index
    %get3A_69 = vector.load %arg3[%get3A_67, %get3A_68] : memref<128x512xf32, #tpu.memory_space<vmem>>, vector<16x512xf32>
    %lt3A_70 = arith.cmpf olt, %get3A_69, %bitcast_convert_type3A : vector<16x512xf32>
    %convert_element_type3A_71 = arith.extui %lt3A_70 : vector<16x512xi1> to vector<16x512xi32>
    %convert_element_type3A_72 = arith.sitofp %convert_element_type3A_71 : vector<16x512xi32> to vector<16x512xf32>
    %slice3A_73 = vector.extract_strided_slice %convert_element_type3A_72 {offsets = [0, 0], sizes = [8, 512], strides = [1, 1]} : vector<16x512xf32> to vector<8x512xf32>
    %slice3A_74 = vector.extract_strided_slice %convert_element_type3A_72 {offsets = [8, 0], sizes = [8, 512], strides = [1, 1]} : vector<16x512xf32> to vector<8x512xf32>
    %neg3A = arith.constant 0.000000e+00 : f32
    %neg3A_75 = vector.broadcast %neg3A : f32 to vector<8x512xf32>
    %neg3A_76 = arith.subf %neg3A_75, %slice3A_73 : vector<8x512xf32>
    %max3A = arith.maximumf %neg3A_76, %mul3A_9 : vector<8x512xf32>
    %sub3A_77 = arith.subf %neg3A_76, %mul3A_9 : vector<8x512xf32>
    %ne3A_78 = arith.cmpf one, %sub3A_77, %sub3A_77 : vector<8x512xf32>
    %add3A_79 = arith.addf %neg3A_76, %mul3A_9 : vector<8x512xf32>
    %abs3A = math.absf %sub3A_77 : vector<8x512xf32>
    %neg3A_80 = arith.constant 0.000000e+00 : f32
    %neg3A_81 = vector.broadcast %neg3A_80 : f32 to vector<8x512xf32>
    %neg3A_82 = arith.subf %neg3A_81, %abs3A : vector<8x512xf32>
    %exp3A = math.exp %neg3A_82 : vector<8x512xf32>
    %log1p3A = math.log1p %exp3A : vector<8x512xf32>
    %add3A_83 = arith.addf %max3A, %log1p3A : vector<8x512xf32>
    %select_n3A_84 = arith.select %ne3A_78, %add3A_79, %add3A_83 : vector<8x512xi1>, vector<8x512xf32>
    %neg3A_85 = arith.constant 0.000000e+00 : f32
    %neg3A_86 = vector.broadcast %neg3A_85 : f32 to vector<8x512xf32>
    %neg3A_87 = arith.subf %neg3A_86, %select_n3A_84 : vector<8x512xf32>
    %neg3A_88 = arith.constant 0.000000e+00 : f32
    %neg3A_89 = vector.broadcast %neg3A_88 : f32 to vector<8x512xf32>
    %neg3A_90 = arith.subf %neg3A_89, %slice3A_74 : vector<8x512xf32>
    %neg3A_91 = arith.constant 0.000000e+00 : f32
    %neg3A_92 = vector.broadcast %neg3A_91 : f32 to vector<8x512xf32>
    %neg3A_93 = arith.subf %neg3A_92, %mul3A_9 : vector<8x512xf32>
    %max3A_94 = arith.maximumf %neg3A_90, %neg3A_93 : vector<8x512xf32>
    %sub3A_95 = arith.subf %neg3A_90, %neg3A_93 : vector<8x512xf32>
    %ne3A_96 = arith.cmpf one, %sub3A_95, %sub3A_95 : vector<8x512xf32>
    %add3A_97 = arith.addf %neg3A_90, %neg3A_93 : vector<8x512xf32>
    %abs3A_98 = math.absf %sub3A_95 : vector<8x512xf32>
    %neg3A_99 = arith.constant 0.000000e+00 : f32
    %neg3A_100 = vector.broadcast %neg3A_99 : f32 to vector<8x512xf32>
    %neg3A_101 = arith.subf %neg3A_100, %abs3A_98 : vector<8x512xf32>
    %exp3A_102 = math.exp %neg3A_101 : vector<8x512xf32>
    %log1p3A_103 = math.log1p %exp3A_102 : vector<8x512xf32>
    %add3A_104 = arith.addf %max3A_94, %log1p3A_103 : vector<8x512xf32>
    %select_n3A_105 = arith.select %ne3A_96, %add3A_97, %add3A_104 : vector<8x512xi1>, vector<8x512xf32>
    %neg3A_106 = arith.constant 0.000000e+00 : f32
    %neg3A_107 = vector.broadcast %neg3A_106 : f32 to vector<8x512xf32>
    %neg3A_108 = arith.subf %neg3A_107, %select_n3A_105 : vector<8x512xf32>
    %max3A_109 = arith.maximumf %neg3A_87, %neg3A_108 : vector<8x512xf32>
    %sub3A_110 = arith.subf %neg3A_87, %neg3A_108 : vector<8x512xf32>
    %ne3A_111 = arith.cmpf one, %sub3A_110, %sub3A_110 : vector<8x512xf32>
    %add3A_112 = arith.addf %neg3A_87, %neg3A_108 : vector<8x512xf32>
    %abs3A_113 = math.absf %sub3A_110 : vector<8x512xf32>
    %neg3A_114 = arith.constant 0.000000e+00 : f32
    %neg3A_115 = vector.broadcast %neg3A_114 : f32 to vector<8x512xf32>
    %neg3A_116 = arith.subf %neg3A_115, %abs3A_113 : vector<8x512xf32>
    %exp3A_117 = math.exp %neg3A_116 : vector<8x512xf32>
    %log1p3A_118 = math.log1p %exp3A_117 : vector<8x512xf32>
    %add3A_119 = arith.addf %max3A_109, %log1p3A_118 : vector<8x512xf32>
    %select_n3A_120 = arith.select %ne3A_111, %add3A_112, %add3A_119 : vector<8x512xi1>, vector<8x512xf32>
    %neg3A_121 = arith.constant 0.000000e+00 : f32
    %neg3A_122 = vector.broadcast %neg3A_121 : f32 to vector<8x512xf32>
    %neg3A_123 = arith.subf %neg3A_122, %select_n3A_120 : vector<8x512xf32>
    %reduce_max3A = arith.constant dense<0xFF800000> : vector<512xf32>
    %reduce_max3A_124 = vector.multi_reduction <maximumf>, %neg3A_123, %reduce_max3A [0] : vector<8x512xf32> to vector<512xf32>
    %broadcast_in_dim3A_125 = vector.shape_cast %reduce_max3A_124 : vector<512xf32> to vector<1x512xf32>
    %sub3A_126 = vector.broadcast %broadcast_in_dim3A_125 : vector<1x512xf32> to vector<8x512xf32>
    %sub3A_127 = arith.subf %neg3A_123, %sub3A_126 : vector<8x512xf32>
    %exp3A_128 = math.exp %sub3A_127 : vector<8x512xf32>
    %reduce_sum3A = arith.constant dense<0.000000e+00> : vector<512xf32>
    %reduce_sum3A_129 = vector.multi_reduction <add>, %exp3A_128, %reduce_sum3A [0] : vector<8x512xf32> to vector<512xf32>
    %broadcast_in_dim3A_130 = vector.shape_cast %reduce_sum3A_129 : vector<512xf32> to vector<1x512xf32>
    %log3A = math.log %broadcast_in_dim3A_130 : vector<1x512xf32>
    %add3A_131 = arith.addf %log3A, %broadcast_in_dim3A_125 : vector<1x512xf32>
    %neg3A_132 = arith.constant 0.000000e+00 : f32
    %neg3A_133 = vector.broadcast %neg3A_132 : f32 to vector<1x512xf32>
    %neg3A_134 = arith.subf %neg3A_133, %add3A_131 : vector<1x512xf32>
    %get3A_135 = arith.constant 0 : index
    %get3A_136 = arith.constant 0 : index
    %get3A_137 = vector.load %arg4[%get3A_135, %get3A_136] : memref<8x512xf32, #tpu.memory_space<vmem>>, vector<1x512xf32>
    %logistic3A = arith.negf %neg3A_134 : vector<1x512xf32>
    %logistic3A_138 = math.exp %logistic3A : vector<1x512xf32>
    %logistic3A_139 = arith.constant 1.000000e+00 : f32
    %logistic3A_140 = vector.broadcast %logistic3A_139 : f32 to vector<1x512xf32>
    %logistic3A_141 = arith.addf %logistic3A_140, %logistic3A_138 : vector<1x512xf32>
    %logistic3A_142 = arith.divf %logistic3A_140, %logistic3A_141 : vector<1x512xf32>
    %lt3A_143 = arith.cmpf olt, %get3A_137, %logistic3A_142 : vector<1x512xf32>
    %convert_element_type3A_144 = arith.extui %lt3A_143 : vector<1x512xi1> to vector<1x512xi32>
    %convert_element_type3A_145 = arith.sitofp %convert_element_type3A_144 : vector<1x512xi32> to vector<1x512xf32>
    %mul3A_146 = arith.constant 2.000000e+00 : f32
    %mul3A_147 = vector.broadcast %mul3A_146 : f32 to vector<1x512xf32>
    %mul3A_148 = arith.mulf %mul3A_147, %convert_element_type3A_145 : vector<1x512xf32>
    %sub3A_149 = arith.constant 1.000000e+00 : f32
    %sub3A_150 = vector.broadcast %sub3A_149 : f32 to vector<1x512xf32>
    %sub3A_151 = arith.subf %mul3A_148, %sub3A_150 : vector<1x512xf32>
    %mul3A_152 = arith.mulf %sub3A_151, %neg3A_134 : vector<1x512xf32>
    %mul3A_153 = arith.constant 2 : i32
    %mul3A_154 = vector.broadcast %mul3A_153 : i32 to vector<1x512xi32>
    %mul3A_155 = arith.muli %mul3A_154, %broadcast_in_dim3A_28 : vector<1x512xi32>
    %convert_element_type3A_156 = arith.extui %lt3A_143 : vector<1x512xi1> to vector<1x512xi32>
    %add3A_157 = arith.addi %mul3A_155, %convert_element_type3A_156 : vector<1x512xi32>
    %mul3A_158 = arith.constant 2 : i32
    %mul3A_159 = vector.broadcast %mul3A_158 : i32 to vector<1x512xi32>
    %mul3A_160 = arith.muli %select_n3A_27, %mul3A_159 : vector<1x512xi32>
    %add3A_161 = arith.addi %mul3A_160, %add3A_157 : vector<1x512xi32>
    %iota3A_162 = tpu.iota {dimensions = array<i32: 0>} : vector<8x512xi32>
    %eq3A_163 = vector.broadcast %add3A_161 : vector<1x512xi32> to vector<8x512xi32>
    %eq3A_164 = arith.cmpi eq, %iota3A_162, %eq3A_163 : vector<8x512xi32>
    %convert_element_type3A_165 = arith.extui %eq3A_164 : vector<8x512xi1> to vector<8x512xi32>
    %convert_element_type3A_166 = arith.sitofp %convert_element_type3A_165 : vector<8x512xi32> to vector<8x512xf32>
    %get3A_167 = arith.constant 0 : index
    %get3A_168 = arith.constant 4 : index
    %get3A_169 = vector.load %arg6[%get3A_167, %get3A_168] : memref<64x1024xf32, #tpu.memory_space<vmem>>, vector<64x8xf32>
    %slice3A_170 = vector.extract_strided_slice %get3A_169 {offsets = [0, 0], sizes = [16, 8], strides = [1, 1]} : vector<64x8xf32> to vector<16x8xf32>
    %dot_general3A_171 = arith.constant dense<0.000000e+00> : vector<16x512xf32>
    %dot_general3A_172 = tpu.matmul %slice3A_170, %convert_element_type3A_166, %dot_general3A_171 {dimension_numbers = #tpu.dot_dimension_numbers<[1], [0], [0], [1], [0, 0, 1, 1], [], []>, transpose_lhs_hint = false} : vector<16x8xf32>, vector<8x512xf32>, vector<16x512xf32> -> vector<16x512xf32>
    %convert_element_type3A_173 = arith.fptosi %dot_general3A_172 : vector<16x512xf32> to vector<16x512xi32>
    %shift_left3A_174 = arith.constant 0 : i32
    %shift_left3A_175 = vector.broadcast %shift_left3A_174 : i32 to vector<16x512xi32>
    %shift_left3A_176 = arith.shli %convert_element_type3A_173, %shift_left3A_175 : vector<16x512xi32>
    %slice3A_177 = vector.extract_strided_slice %get3A_169 {offsets = [16, 0], sizes = [16, 8], strides = [1, 1]} : vector<64x8xf32> to vector<16x8xf32>
    %dot_general3A_178 = arith.constant dense<0.000000e+00> : vector<16x512xf32>
    %dot_general3A_179 = tpu.matmul %slice3A_177, %convert_element_type3A_166, %dot_general3A_178 {dimension_numbers = #tpu.dot_dimension_numbers<[1], [0], [0], [1], [0, 0, 1, 1], [], []>, transpose_lhs_hint = false} : vector<16x8xf32>, vector<8x512xf32>, vector<16x512xf32> -> vector<16x512xf32>
    %convert_element_type3A_180 = arith.fptosi %dot_general3A_179 : vector<16x512xf32> to vector<16x512xi32>
    %shift_left3A_181 = arith.constant 8 : i32
    %shift_left3A_182 = vector.broadcast %shift_left3A_181 : i32 to vector<16x512xi32>
    %shift_left3A_183 = arith.shli %convert_element_type3A_180, %shift_left3A_182 : vector<16x512xi32>
    %or3A_184 = arith.ori %shift_left3A_176, %shift_left3A_183 : vector<16x512xi32>
    %slice3A_185 = vector.extract_strided_slice %get3A_169 {offsets = [32, 0], sizes = [16, 8], strides = [1, 1]} : vector<64x8xf32> to vector<16x8xf32>
    %dot_general3A_186 = arith.constant dense<0.000000e+00> : vector<16x512xf32>
    %dot_general3A_187 = tpu.matmul %slice3A_185, %convert_element_type3A_166, %dot_general3A_186 {dimension_numbers = #tpu.dot_dimension_numbers<[1], [0], [0], [1], [0, 0, 1, 1], [], []>, transpose_lhs_hint = false} : vector<16x8xf32>, vector<8x512xf32>, vector<16x512xf32> -> vector<16x512xf32>
    %convert_element_type3A_188 = arith.fptosi %dot_general3A_187 : vector<16x512xf32> to vector<16x512xi32>
    %shift_left3A_189 = arith.constant 16 : i32
    %shift_left3A_190 = vector.broadcast %shift_left3A_189 : i32 to vector<16x512xi32>
    %shift_left3A_191 = arith.shli %convert_element_type3A_188, %shift_left3A_190 : vector<16x512xi32>
    %or3A_192 = arith.ori %or3A_184, %shift_left3A_191 : vector<16x512xi32>
    %slice3A_193 = vector.extract_strided_slice %get3A_169 {offsets = [48, 0], sizes = [16, 8], strides = [1, 1]} : vector<64x8xf32> to vector<16x8xf32>
    %dot_general3A_194 = arith.constant dense<0.000000e+00> : vector<16x512xf32>
    %dot_general3A_195 = tpu.matmul %slice3A_193, %convert_element_type3A_166, %dot_general3A_194 {dimension_numbers = #tpu.dot_dimension_numbers<[1], [0], [0], [1], [0, 0, 1, 1], [], []>, transpose_lhs_hint = false} : vector<16x8xf32>, vector<8x512xf32>, vector<16x512xf32> -> vector<16x512xf32>
    %convert_element_type3A_196 = arith.fptosi %dot_general3A_195 : vector<16x512xf32> to vector<16x512xi32>
    %shift_left3A_197 = arith.constant 24 : i32
    %shift_left3A_198 = vector.broadcast %shift_left3A_197 : i32 to vector<16x512xi32>
    %shift_left3A_199 = arith.shli %convert_element_type3A_196, %shift_left3A_198 : vector<16x512xi32>
    %or3A_200 = arith.ori %or3A_192, %shift_left3A_199 : vector<16x512xi32>
    %bitcast_convert_type3A_201 = tpu.bitcast %or3A_200 : vector<16x512xi32> -> vector<16x512xf32>
    %get3A_202 = arith.constant 16 : index
    %get3A_203 = arith.constant 0 : index
    %get3A_204 = vector.load %arg3[%get3A_202, %get3A_203] : memref<128x512xf32, #tpu.memory_space<vmem>>, vector<16x512xf32>
    %lt3A_205 = arith.cmpf olt, %get3A_204, %bitcast_convert_type3A_201 : vector<16x512xf32>
    %convert_element_type3A_206 = arith.extui %lt3A_205 : vector<16x512xi1> to vector<16x512xi32>
    %convert_element_type3A_207 = arith.sitofp %convert_element_type3A_206 : vector<16x512xi32> to vector<16x512xf32>
    %slice3A_208 = vector.extract_strided_slice %convert_element_type3A_207 {offsets = [0, 0], sizes = [8, 512], strides = [1, 1]} : vector<16x512xf32> to vector<8x512xf32>
    %slice3A_209 = vector.extract_strided_slice %convert_element_type3A_207 {offsets = [8, 0], sizes = [8, 512], strides = [1, 1]} : vector<16x512xf32> to vector<8x512xf32>
    %neg3A_210 = arith.constant 0.000000e+00 : f32
    %neg3A_211 = vector.broadcast %neg3A_210 : f32 to vector<8x512xf32>
    %neg3A_212 = arith.subf %neg3A_211, %slice3A_208 : vector<8x512xf32>
    %max3A_213 = arith.maximumf %neg3A_212, %mul3A_9 : vector<8x512xf32>
    %sub3A_214 = arith.subf %neg3A_212, %mul3A_9 : vector<8x512xf32>
    %ne3A_215 = arith.cmpf one, %sub3A_214, %sub3A_214 : vector<8x512xf32>
    %add3A_216 = arith.addf %neg3A_212, %mul3A_9 : vector<8x512xf32>
    %abs3A_217 = math.absf %sub3A_214 : vector<8x512xf32>
    %neg3A_218 = arith.constant 0.000000e+00 : f32
    %neg3A_219 = vector.broadcast %neg3A_218 : f32 to vector<8x512xf32>
    %neg3A_220 = arith.subf %neg3A_219, %abs3A_217 : vector<8x512xf32>
    %exp3A_221 = math.exp %neg3A_220 : vector<8x512xf32>
    %log1p3A_222 = math.log1p %exp3A_221 : vector<8x512xf32>
    %add3A_223 = arith.addf %max3A_213, %log1p3A_222 : vector<8x512xf32>
    %select_n3A_224 = arith.select %ne3A_215, %add3A_216, %add3A_223 : vector<8x512xi1>, vector<8x512xf32>
    %neg3A_225 = arith.constant 0.000000e+00 : f32
    %neg3A_226 = vector.broadcast %neg3A_225 : f32 to vector<8x512xf32>
    %neg3A_227 = arith.subf %neg3A_226, %select_n3A_224 : vector<8x512xf32>
    %neg3A_228 = arith.constant 0.000000e+00 : f32
    %neg3A_229 = vector.broadcast %neg3A_228 : f32 to vector<8x512xf32>
    %neg3A_230 = arith.subf %neg3A_229, %slice3A_209 : vector<8x512xf32>
    %neg3A_231 = arith.constant 0.000000e+00 : f32
    %neg3A_232 = vector.broadcast %neg3A_231 : f32 to vector<8x512xf32>
    %neg3A_233 = arith.subf %neg3A_232, %mul3A_9 : vector<8x512xf32>
    %max3A_234 = arith.maximumf %neg3A_230, %neg3A_233 : vector<8x512xf32>
    %sub3A_235 = arith.subf %neg3A_230, %neg3A_233 : vector<8x512xf32>
    %ne3A_236 = arith.cmpf one, %sub3A_235, %sub3A_235 : vector<8x512xf32>
    %add3A_237 = arith.addf %neg3A_230, %neg3A_233 : vector<8x512xf32>
    %abs3A_238 = math.absf %sub3A_235 : vector<8x512xf32>
    %neg3A_239 = arith.constant 0.000000e+00 : f32
    %neg3A_240 = vector.broadcast %neg3A_239 : f32 to vector<8x512xf32>
    %neg3A_241 = arith.subf %neg3A_240, %abs3A_238 : vector<8x512xf32>
    %exp3A_242 = math.exp %neg3A_241 : vector<8x512xf32>
    %log1p3A_243 = math.log1p %exp3A_242 : vector<8x512xf32>
    %add3A_244 = arith.addf %max3A_234, %log1p3A_243 : vector<8x512xf32>
    %select_n3A_245 = arith.select %ne3A_236, %add3A_237, %add3A_244 : vector<8x512xi1>, vector<8x512xf32>
    %neg3A_246 = arith.constant 0.000000e+00 : f32
    %neg3A_247 = vector.broadcast %neg3A_246 : f32 to vector<8x512xf32>
    %neg3A_248 = arith.subf %neg3A_247, %select_n3A_245 : vector<8x512xf32>
    %max3A_249 = arith.maximumf %neg3A_227, %neg3A_248 : vector<8x512xf32>
    %sub3A_250 = arith.subf %neg3A_227, %neg3A_248 : vector<8x512xf32>
    %ne3A_251 = arith.cmpf one, %sub3A_250, %sub3A_250 : vector<8x512xf32>
    %add3A_252 = arith.addf %neg3A_227, %neg3A_248 : vector<8x512xf32>
    %abs3A_253 = math.absf %sub3A_250 : vector<8x512xf32>
    %neg3A_254 = arith.constant 0.000000e+00 : f32
    %neg3A_255 = vector.broadcast %neg3A_254 : f32 to vector<8x512xf32>
    %neg3A_256 = arith.subf %neg3A_255, %abs3A_253 : vector<8x512xf32>
    %exp3A_257 = math.exp %neg3A_256 : vector<8x512xf32>
    %log1p3A_258 = math.log1p %exp3A_257 : vector<8x512xf32>
    %add3A_259 = arith.addf %max3A_249, %log1p3A_258 : vector<8x512xf32>
    %select_n3A_260 = arith.select %ne3A_251, %add3A_252, %add3A_259 : vector<8x512xi1>, vector<8x512xf32>
    %neg3A_261 = arith.constant 0.000000e+00 : f32
    %neg3A_262 = vector.broadcast %neg3A_261 : f32 to vector<8x512xf32>
    %neg3A_263 = arith.subf %neg3A_262, %select_n3A_260 : vector<8x512xf32>
    %reduce_max3A_264 = arith.constant dense<0xFF800000> : vector<512xf32>
    %reduce_max3A_265 = vector.multi_reduction <maximumf>, %neg3A_263, %reduce_max3A_264 [0] : vector<8x512xf32> to vector<512xf32>
    %broadcast_in_dim3A_266 = vector.shape_cast %reduce_max3A_265 : vector<512xf32> to vector<1x512xf32>
    %sub3A_267 = vector.broadcast %broadcast_in_dim3A_266 : vector<1x512xf32> to vector<8x512xf32>
    %sub3A_268 = arith.subf %neg3A_263, %sub3A_267 : vector<8x512xf32>
    %exp3A_269 = math.exp %sub3A_268 : vector<8x512xf32>
    %reduce_sum3A_270 = arith.constant dense<0.000000e+00> : vector<512xf32>
    %reduce_sum3A_271 = vector.multi_reduction <add>, %exp3A_269, %reduce_sum3A_270 [0] : vector<8x512xf32> to vector<512xf32>
    %broadcast_in_dim3A_272 = vector.shape_cast %reduce_sum3A_271 : vector<512xf32> to vector<1x512xf32>
    %log3A_273 = math.log %broadcast_in_dim3A_272 : vector<1x512xf32>
    %add3A_274 = arith.addf %log3A_273, %broadcast_in_dim3A_266 : vector<1x512xf32>
    %neg3A_275 = arith.constant 0.000000e+00 : f32
    %neg3A_276 = vector.broadcast %neg3A_275 : f32 to vector<1x512xf32>
    %neg3A_277 = arith.subf %neg3A_276, %add3A_274 : vector<1x512xf32>
    %get3A_278 = arith.constant 1 : index
    %get3A_279 = arith.constant 0 : index
    %get3A_280 = vector.load %arg4[%get3A_278, %get3A_279] : memref<8x512xf32, #tpu.memory_space<vmem>>, vector<1x512xf32>
    %logistic3A_281 = arith.negf %neg3A_277 : vector<1x512xf32>
    %logistic3A_282 = math.exp %logistic3A_281 : vector<1x512xf32>
    %logistic3A_283 = arith.constant 1.000000e+00 : f32
    %logistic3A_284 = vector.broadcast %logistic3A_283 : f32 to vector<1x512xf32>
    %logistic3A_285 = arith.addf %logistic3A_284, %logistic3A_282 : vector<1x512xf32>
    %logistic3A_286 = arith.divf %logistic3A_284, %logistic3A_285 : vector<1x512xf32>
    %lt3A_287 = arith.cmpf olt, %get3A_280, %logistic3A_286 : vector<1x512xf32>
    %convert_element_type3A_288 = arith.extui %lt3A_287 : vector<1x512xi1> to vector<1x512xi32>
    %convert_element_type3A_289 = arith.sitofp %convert_element_type3A_288 : vector<1x512xi32> to vector<1x512xf32>
    %mul3A_290 = arith.constant 2.000000e+00 : f32
    %mul3A_291 = vector.broadcast %mul3A_290 : f32 to vector<1x512xf32>
    %mul3A_292 = arith.mulf %mul3A_291, %convert_element_type3A_289 : vector<1x512xf32>
    %sub3A_293 = arith.constant 1.000000e+00 : f32
    %sub3A_294 = vector.broadcast %sub3A_293 : f32 to vector<1x512xf32>
    %sub3A_295 = arith.subf %mul3A_292, %sub3A_294 : vector<1x512xf32>
    %mul3A_296 = arith.mulf %sub3A_295, %neg3A_277 : vector<1x512xf32>
    %mul3A_297 = arith.constant 2 : i32
    %mul3A_298 = vector.broadcast %mul3A_297 : i32 to vector<1x512xi32>
    %mul3A_299 = arith.muli %mul3A_298, %add3A_157 : vector<1x512xi32>
    %convert_element_type3A_300 = arith.extui %lt3A_287 : vector<1x512xi1> to vector<1x512xi32>
    %add3A_301 = arith.addi %mul3A_299, %convert_element_type3A_300 : vector<1x512xi32>
    %neg3A_302 = arith.constant 0.000000e+00 : f32
    %neg3A_303 = vector.broadcast %neg3A_302 : f32 to vector<1x512xf32>
    %neg3A_304 = arith.subf %neg3A_303, %mul3A_152 : vector<1x512xf32>
    %neg3A_305 = arith.constant 0.000000e+00 : f32
    %neg3A_306 = vector.broadcast %neg3A_305 : f32 to vector<1x512xf32>
    %neg3A_307 = arith.subf %neg3A_306, %mul3A_296 : vector<1x512xf32>
    %max3A_308 = arith.maximumf %neg3A_304, %neg3A_307 : vector<1x512xf32>
    %sub3A_309 = arith.subf %neg3A_304, %neg3A_307 : vector<1x512xf32>
    %ne3A_310 = arith.cmpf one, %sub3A_309, %sub3A_309 : vector<1x512xf32>
    %add3A_311 = arith.addf %neg3A_304, %neg3A_307 : vector<1x512xf32>
    %abs3A_312 = math.absf %sub3A_309 : vector<1x512xf32>
    %neg3A_313 = arith.constant 0.000000e+00 : f32
    %neg3A_314 = vector.broadcast %neg3A_313 : f32 to vector<1x512xf32>
    %neg3A_315 = arith.subf %neg3A_314, %abs3A_312 : vector<1x512xf32>
    %exp3A_316 = math.exp %neg3A_315 : vector<1x512xf32>
    %log1p3A_317 = math.log1p %exp3A_316 : vector<1x512xf32>
    %add3A_318 = arith.addf %max3A_308, %log1p3A_317 : vector<1x512xf32>
    %select_n3A_319 = arith.select %ne3A_310, %add3A_311, %add3A_318 : vector<1x512xi1>, vector<1x512xf32>
    %neg3A_320 = arith.constant 0.000000e+00 : f32
    %neg3A_321 = vector.broadcast %neg3A_320 : f32 to vector<1x512xf32>
    %neg3A_322 = arith.subf %neg3A_321, %select_n3A_319 : vector<1x512xf32>
    %mul3A_323 = arith.constant 4 : i32
    %mul3A_324 = vector.broadcast %mul3A_323 : i32 to vector<1x512xi32>
    %mul3A_325 = arith.muli %select_n3A_27, %mul3A_324 : vector<1x512xi32>
    %add3A_326 = arith.addi %mul3A_325, %add3A_301 : vector<1x512xi32>
    %iota3A_327 = tpu.iota {dimensions = array<i32: 0>} : vector<16x512xi32>
    %eq3A_328 = vector.broadcast %add3A_326 : vector<1x512xi32> to vector<16x512xi32>
    %eq3A_329 = arith.cmpi eq, %iota3A_327, %eq3A_328 : vector<16x512xi32>
    %convert_element_type3A_330 = arith.extui %eq3A_329 : vector<16x512xi1> to vector<16x512xi32>
    %convert_element_type3A_331 = arith.sitofp %convert_element_type3A_330 : vector<16x512xi32> to vector<16x512xf32>
    %get3A_332 = arith.constant 0 : index
    %get3A_333 = arith.constant 12 : index
    %get3A_334 = vector.load %arg6[%get3A_332, %get3A_333] : memref<64x1024xf32, #tpu.memory_space<vmem>>, vector<64x16xf32>
    %slice3A_335 = vector.extract_strided_slice %get3A_334 {offsets = [0, 0], sizes = [16, 16], strides = [1, 1]} : vector<64x16xf32> to vector<16x16xf32>
    %dot_general3A_336 = arith.constant dense<0.000000e+00> : vector<16x512xf32>
    %dot_general3A_337 = tpu.matmul %slice3A_335, %convert_element_type3A_331, %dot_general3A_336 {dimension_numbers = #tpu.dot_dimension_numbers<[1], [0], [0], [1], [0, 0, 1, 1], [], []>, transpose_lhs_hint = false} : vector<16x16xf32>, vector<16x512xf32>, vector<16x512xf32> -> vector<16x512xf32>
    %convert_element_type3A_338 = arith.fptosi %dot_general3A_337 : vector<16x512xf32> to vector<16x512xi32>
    %shift_left3A_339 = arith.constant 0 : i32
    %shift_left3A_340 = vector.broadcast %shift_left3A_339 : i32 to vector<16x512xi32>
    %shift_left3A_341 = arith.shli %convert_element_type3A_338, %shift_left3A_340 : vector<16x512xi32>
    %slice3A_342 = vector.extract_strided_slice %get3A_334 {offsets = [16, 0], sizes = [16, 16], strides = [1, 1]} : vector<64x16xf32> to vector<16x16xf32>
    %dot_general3A_343 = arith.constant dense<0.000000e+00> : vector<16x512xf32>
    %dot_general3A_344 = tpu.matmul %slice3A_342, %convert_element_type3A_331, %dot_general3A_343 {dimension_numbers = #tpu.dot_dimension_numbers<[1], [0], [0], [1], [0, 0, 1, 1], [], []>, transpose_lhs_hint = false} : vector<16x16xf32>, vector<16x512xf32>, vector<16x512xf32> -> vector<16x512xf32>
    %convert_element_type3A_345 = arith.fptosi %dot_general3A_344 : vector<16x512xf32> to vector<16x512xi32>
    %shift_left3A_346 = arith.constant 8 : i32
    %shift_left3A_347 = vector.broadcast %shift_left3A_346 : i32 to vector<16x512xi32>
    %shift_left3A_348 = arith.shli %convert_element_type3A_345, %shift_left3A_347 : vector<16x512xi32>
    %or3A_349 = arith.ori %shift_left3A_341, %shift_left3A_348 : vector<16x512xi32>
    %slice3A_350 = vector.extract_strided_slice %get3A_334 {offsets = [32, 0], sizes = [16, 16], strides = [1, 1]} : vector<64x16xf32> to vector<16x16xf32>
    %dot_general3A_351 = arith.constant dense<0.000000e+00> : vector<16x512xf32>
    %dot_general3A_352 = tpu.matmul %slice3A_350, %convert_element_type3A_331, %dot_general3A_351 {dimension_numbers = #tpu.dot_dimension_numbers<[1], [0], [0], [1], [0, 0, 1, 1], [], []>, transpose_lhs_hint = false} : vector<16x16xf32>, vector<16x512xf32>, vector<16x512xf32> -> vector<16x512xf32>
    %convert_element_type3A_353 = arith.fptosi %dot_general3A_352 : vector<16x512xf32> to vector<16x512xi32>
    %shift_left3A_354 = arith.constant 16 : i32
    %shift_left3A_355 = vector.broadcast %shift_left3A_354 : i32 to vector<16x512xi32>
    %shift_left3A_356 = arith.shli %convert_element_type3A_353, %shift_left3A_355 : vector<16x512xi32>
    %or3A_357 = arith.ori %or3A_349, %shift_left3A_356 : vector<16x512xi32>
    %slice3A_358 = vector.extract_strided_slice %get3A_334 {offsets = [48, 0], sizes = [16, 16], strides = [1, 1]} : vector<64x16xf32> to vector<16x16xf32>
    %dot_general3A_359 = arith.constant dense<0.000000e+00> : vector<16x512xf32>
    %dot_general3A_360 = tpu.matmul %slice3A_358, %convert_element_type3A_331, %dot_general3A_359 {dimension_numbers = #tpu.dot_dimension_numbers<[1], [0], [0], [1], [0, 0, 1, 1], [], []>, transpose_lhs_hint = false} : vector<16x16xf32>, vector<16x512xf32>, vector<16x512xf32> -> vector<16x512xf32>
    %convert_element_type3A_361 = arith.fptosi %dot_general3A_360 : vector<16x512xf32> to vector<16x512xi32>
    %shift_left3A_362 = arith.constant 24 : i32
    %shift_left3A_363 = vector.broadcast %shift_left3A_362 : i32 to vector<16x512xi32>
    %shift_left3A_364 = arith.shli %convert_element_type3A_361, %shift_left3A_363 : vector<16x512xi32>
    %or3A_365 = arith.ori %or3A_357, %shift_left3A_364 : vector<16x512xi32>
    %bitcast_convert_type3A_366 = tpu.bitcast %or3A_365 : vector<16x512xi32> -> vector<16x512xf32>
    %get3A_367 = arith.constant 32 : index
    %get3A_368 = arith.constant 0 : index
    %get3A_369 = vector.load %arg3[%get3A_367, %get3A_368] : memref<128x512xf32, #tpu.memory_space<vmem>>, vector<16x512xf32>
    %lt3A_370 = arith.cmpf olt, %get3A_369, %bitcast_convert_type3A_366 : vector<16x512xf32>
    %convert_element_type3A_371 = arith.extui %lt3A_370 : vector<16x512xi1> to vector<16x512xi32>
    %convert_element_type3A_372 = arith.sitofp %convert_element_type3A_371 : vector<16x512xi32> to vector<16x512xf32>
    %slice3A_373 = vector.extract_strided_slice %convert_element_type3A_372 {offsets = [0, 0], sizes = [8, 512], strides = [1, 1]} : vector<16x512xf32> to vector<8x512xf32>
    %slice3A_374 = vector.extract_strided_slice %convert_element_type3A_372 {offsets = [8, 0], sizes = [8, 512], strides = [1, 1]} : vector<16x512xf32> to vector<8x512xf32>
    %neg3A_375 = arith.constant 0.000000e+00 : f32
    %neg3A_376 = vector.broadcast %neg3A_375 : f32 to vector<8x512xf32>
    %neg3A_377 = arith.subf %neg3A_376, %slice3A_373 : vector<8x512xf32>
    %max3A_378 = arith.maximumf %neg3A_377, %mul3A_9 : vector<8x512xf32>
    %sub3A_379 = arith.subf %neg3A_377, %mul3A_9 : vector<8x512xf32>
    %ne3A_380 = arith.cmpf one, %sub3A_379, %sub3A_379 : vector<8x512xf32>
    %add3A_381 = arith.addf %neg3A_377, %mul3A_9 : vector<8x512xf32>
    %abs3A_382 = math.absf %sub3A_379 : vector<8x512xf32>
    %neg3A_383 = arith.constant 0.000000e+00 : f32
    %neg3A_384 = vector.broadcast %neg3A_383 : f32 to vector<8x512xf32>
    %neg3A_385 = arith.subf %neg3A_384, %abs3A_382 : vector<8x512xf32>
    %exp3A_386 = math.exp %neg3A_385 : vector<8x512xf32>
    %log1p3A_387 = math.log1p %exp3A_386 : vector<8x512xf32>
    %add3A_388 = arith.addf %max3A_378, %log1p3A_387 : vector<8x512xf32>
    %select_n3A_389 = arith.select %ne3A_380, %add3A_381, %add3A_388 : vector<8x512xi1>, vector<8x512xf32>
    %neg3A_390 = arith.constant 0.000000e+00 : f32
    %neg3A_391 = vector.broadcast %neg3A_390 : f32 to vector<8x512xf32>
    %neg3A_392 = arith.subf %neg3A_391, %select_n3A_389 : vector<8x512xf32>
    %neg3A_393 = arith.constant 0.000000e+00 : f32
    %neg3A_394 = vector.broadcast %neg3A_393 : f32 to vector<8x512xf32>
    %neg3A_395 = arith.subf %neg3A_394, %slice3A_374 : vector<8x512xf32>
    %neg3A_396 = arith.constant 0.000000e+00 : f32
    %neg3A_397 = vector.broadcast %neg3A_396 : f32 to vector<8x512xf32>
    %neg3A_398 = arith.subf %neg3A_397, %mul3A_9 : vector<8x512xf32>
    %max3A_399 = arith.maximumf %neg3A_395, %neg3A_398 : vector<8x512xf32>
    %sub3A_400 = arith.subf %neg3A_395, %neg3A_398 : vector<8x512xf32>
    %ne3A_401 = arith.cmpf one, %sub3A_400, %sub3A_400 : vector<8x512xf32>
    %add3A_402 = arith.addf %neg3A_395, %neg3A_398 : vector<8x512xf32>
    %abs3A_403 = math.absf %sub3A_400 : vector<8x512xf32>
    %neg3A_404 = arith.constant 0.000000e+00 : f32
    %neg3A_405 = vector.broadcast %neg3A_404 : f32 to vector<8x512xf32>
    %neg3A_406 = arith.subf %neg3A_405, %abs3A_403 : vector<8x512xf32>
    %exp3A_407 = math.exp %neg3A_406 : vector<8x512xf32>
    %log1p3A_408 = math.log1p %exp3A_407 : vector<8x512xf32>
    %add3A_409 = arith.addf %max3A_399, %log1p3A_408 : vector<8x512xf32>
    %select_n3A_410 = arith.select %ne3A_401, %add3A_402, %add3A_409 : vector<8x512xi1>, vector<8x512xf32>
    %neg3A_411 = arith.constant 0.000000e+00 : f32
    %neg3A_412 = vector.broadcast %neg3A_411 : f32 to vector<8x512xf32>
    %neg3A_413 = arith.subf %neg3A_412, %select_n3A_410 : vector<8x512xf32>
    %max3A_414 = arith.maximumf %neg3A_392, %neg3A_413 : vector<8x512xf32>
    %sub3A_415 = arith.subf %neg3A_392, %neg3A_413 : vector<8x512xf32>
    %ne3A_416 = arith.cmpf one, %sub3A_415, %sub3A_415 : vector<8x512xf32>
    %add3A_417 = arith.addf %neg3A_392, %neg3A_413 : vector<8x512xf32>
    %abs3A_418 = math.absf %sub3A_415 : vector<8x512xf32>
    %neg3A_419 = arith.constant 0.000000e+00 : f32
    %neg3A_420 = vector.broadcast %neg3A_419 : f32 to vector<8x512xf32>
    %neg3A_421 = arith.subf %neg3A_420, %abs3A_418 : vector<8x512xf32>
    %exp3A_422 = math.exp %neg3A_421 : vector<8x512xf32>
    %log1p3A_423 = math.log1p %exp3A_422 : vector<8x512xf32>
    %add3A_424 = arith.addf %max3A_414, %log1p3A_423 : vector<8x512xf32>
    %select_n3A_425 = arith.select %ne3A_416, %add3A_417, %add3A_424 : vector<8x512xi1>, vector<8x512xf32>
    %neg3A_426 = arith.constant 0.000000e+00 : f32
    %neg3A_427 = vector.broadcast %neg3A_426 : f32 to vector<8x512xf32>
    %neg3A_428 = arith.subf %neg3A_427, %select_n3A_425 : vector<8x512xf32>
    %reduce_max3A_429 = arith.constant dense<0xFF800000> : vector<512xf32>
    %reduce_max3A_430 = vector.multi_reduction <maximumf>, %neg3A_428, %reduce_max3A_429 [0] : vector<8x512xf32> to vector<512xf32>
    %broadcast_in_dim3A_431 = vector.shape_cast %reduce_max3A_430 : vector<512xf32> to vector<1x512xf32>
    %sub3A_432 = vector.broadcast %broadcast_in_dim3A_431 : vector<1x512xf32> to vector<8x512xf32>
    %sub3A_433 = arith.subf %neg3A_428, %sub3A_432 : vector<8x512xf32>
    %exp3A_434 = math.exp %sub3A_433 : vector<8x512xf32>
    %reduce_sum3A_435 = arith.constant dense<0.000000e+00> : vector<512xf32>
    %reduce_sum3A_436 = vector.multi_reduction <add>, %exp3A_434, %reduce_sum3A_435 [0] : vector<8x512xf32> to vector<512xf32>
    %broadcast_in_dim3A_437 = vector.shape_cast %reduce_sum3A_436 : vector<512xf32> to vector<1x512xf32>
    %log3A_438 = math.log %broadcast_in_dim3A_437 : vector<1x512xf32>
    %add3A_439 = arith.addf %log3A_438, %broadcast_in_dim3A_431 : vector<1x512xf32>
    %neg3A_440 = arith.constant 0.000000e+00 : f32
    %neg3A_441 = vector.broadcast %neg3A_440 : f32 to vector<1x512xf32>
    %neg3A_442 = arith.subf %neg3A_441, %add3A_439 : vector<1x512xf32>
    %get3A_443 = arith.constant 2 : index
    %get3A_444 = arith.constant 0 : index
    %get3A_445 = vector.load %arg4[%get3A_443, %get3A_444] : memref<8x512xf32, #tpu.memory_space<vmem>>, vector<1x512xf32>
    %logistic3A_446 = arith.negf %neg3A_442 : vector<1x512xf32>
    %logistic3A_447 = math.exp %logistic3A_446 : vector<1x512xf32>
    %logistic3A_448 = arith.constant 1.000000e+00 : f32
    %logistic3A_449 = vector.broadcast %logistic3A_448 : f32 to vector<1x512xf32>
    %logistic3A_450 = arith.addf %logistic3A_449, %logistic3A_447 : vector<1x512xf32>
    %logistic3A_451 = arith.divf %logistic3A_449, %logistic3A_450 : vector<1x512xf32>
    %lt3A_452 = arith.cmpf olt, %get3A_445, %logistic3A_451 : vector<1x512xf32>
    %convert_element_type3A_453 = arith.extui %lt3A_452 : vector<1x512xi1> to vector<1x512xi32>
    %convert_element_type3A_454 = arith.sitofp %convert_element_type3A_453 : vector<1x512xi32> to vector<1x512xf32>
    %mul3A_455 = arith.constant 2.000000e+00 : f32
    %mul3A_456 = vector.broadcast %mul3A_455 : f32 to vector<1x512xf32>
    %mul3A_457 = arith.mulf %mul3A_456, %convert_element_type3A_454 : vector<1x512xf32>
    %sub3A_458 = arith.constant 1.000000e+00 : f32
    %sub3A_459 = vector.broadcast %sub3A_458 : f32 to vector<1x512xf32>
    %sub3A_460 = arith.subf %mul3A_457, %sub3A_459 : vector<1x512xf32>
    %mul3A_461 = arith.mulf %sub3A_460, %neg3A_442 : vector<1x512xf32>
    %mul3A_462 = arith.constant 2 : i32
    %mul3A_463 = vector.broadcast %mul3A_462 : i32 to vector<1x512xi32>
    %mul3A_464 = arith.muli %mul3A_463, %add3A_301 : vector<1x512xi32>
    %convert_element_type3A_465 = arith.extui %lt3A_452 : vector<1x512xi1> to vector<1x512xi32>
    %add3A_466 = arith.addi %mul3A_464, %convert_element_type3A_465 : vector<1x512xi32>
    %neg3A_467 = arith.constant 0.000000e+00 : f32
    %neg3A_468 = vector.broadcast %neg3A_467 : f32 to vector<1x512xf32>
    %neg3A_469 = arith.subf %neg3A_468, %neg3A_322 : vector<1x512xf32>
    %neg3A_470 = arith.constant 0.000000e+00 : f32
    %neg3A_471 = vector.broadcast %neg3A_470 : f32 to vector<1x512xf32>
    %neg3A_472 = arith.subf %neg3A_471, %mul3A_461 : vector<1x512xf32>
    %max3A_473 = arith.maximumf %neg3A_469, %neg3A_472 : vector<1x512xf32>
    %sub3A_474 = arith.subf %neg3A_469, %neg3A_472 : vector<1x512xf32>
    %ne3A_475 = arith.cmpf one, %sub3A_474, %sub3A_474 : vector<1x512xf32>
    %add3A_476 = arith.addf %neg3A_469, %neg3A_472 : vector<1x512xf32>
    %abs3A_477 = math.absf %sub3A_474 : vector<1x512xf32>
    %neg3A_478 = arith.constant 0.000000e+00 : f32
    %neg3A_479 = vector.broadcast %neg3A_478 : f32 to vector<1x512xf32>
    %neg3A_480 = arith.subf %neg3A_479, %abs3A_477 : vector<1x512xf32>
    %exp3A_481 = math.exp %neg3A_480 : vector<1x512xf32>
    %log1p3A_482 = math.log1p %exp3A_481 : vector<1x512xf32>
    %add3A_483 = arith.addf %max3A_473, %log1p3A_482 : vector<1x512xf32>
    %select_n3A_484 = arith.select %ne3A_475, %add3A_476, %add3A_483 : vector<1x512xi1>, vector<1x512xf32>
    %neg3A_485 = arith.constant 0.000000e+00 : f32
    %neg3A_486 = vector.broadcast %neg3A_485 : f32 to vector<1x512xf32>
    %neg3A_487 = arith.subf %neg3A_486, %select_n3A_484 : vector<1x512xf32>
    %mul3A_488 = arith.constant 8 : i32
    %mul3A_489 = vector.broadcast %mul3A_488 : i32 to vector<1x512xi32>
    %mul3A_490 = arith.muli %select_n3A_27, %mul3A_489 : vector<1x512xi32>
    %add3A_491 = arith.addi %mul3A_490, %add3A_466 : vector<1x512xi32>
    %iota3A_492 = tpu.iota {dimensions = array<i32: 0>} : vector<32x512xi32>
    %eq3A_493 = vector.broadcast %add3A_491 : vector<1x512xi32> to vector<32x512xi32>
    %eq3A_494 = arith.cmpi eq, %iota3A_492, %eq3A_493 : vector<32x512xi32>
    %convert_element_type3A_495 = arith.extui %eq3A_494 : vector<32x512xi1> to vector<32x512xi32>
    %convert_element_type3A_496 = arith.sitofp %convert_element_type3A_495 : vector<32x512xi32> to vector<32x512xf32>
    %get3A_497 = arith.constant 0 : index
    %get3A_498 = arith.constant 28 : index
    %get3A_499 = vector.load %arg6[%get3A_497, %get3A_498] : memref<64x1024xf32, #tpu.memory_space<vmem>>, vector<64x32xf32>
    %slice3A_500 = vector.extract_strided_slice %get3A_499 {offsets = [0, 0], sizes = [16, 32], strides = [1, 1]} : vector<64x32xf32> to vector<16x32xf32>
    %dot_general3A_501 = arith.constant dense<0.000000e+00> : vector<16x512xf32>
    %dot_general3A_502 = tpu.matmul %slice3A_500, %convert_element_type3A_496, %dot_general3A_501 {dimension_numbers = #tpu.dot_dimension_numbers<[1], [0], [0], [1], [0, 0, 1, 1], [], []>, transpose_lhs_hint = false} : vector<16x32xf32>, vector<32x512xf32>, vector<16x512xf32> -> vector<16x512xf32>
    %convert_element_type3A_503 = arith.fptosi %dot_general3A_502 : vector<16x512xf32> to vector<16x512xi32>
    %shift_left3A_504 = arith.constant 0 : i32
    %shift_left3A_505 = vector.broadcast %shift_left3A_504 : i32 to vector<16x512xi32>
    %shift_left3A_506 = arith.shli %convert_element_type3A_503, %shift_left3A_505 : vector<16x512xi32>
    %slice3A_507 = vector.extract_strided_slice %get3A_499 {offsets = [16, 0], sizes = [16, 32], strides = [1, 1]} : vector<64x32xf32> to vector<16x32xf32>
    %dot_general3A_508 = arith.constant dense<0.000000e+00> : vector<16x512xf32>
    %dot_general3A_509 = tpu.matmul %slice3A_507, %convert_element_type3A_496, %dot_general3A_508 {dimension_numbers = #tpu.dot_dimension_numbers<[1], [0], [0], [1], [0, 0, 1, 1], [], []>, transpose_lhs_hint = false} : vector<16x32xf32>, vector<32x512xf32>, vector<16x512xf32> -> vector<16x512xf32>
    %convert_element_type3A_510 = arith.fptosi %dot_general3A_509 : vector<16x512xf32> to vector<16x512xi32>
    %shift_left3A_511 = arith.constant 8 : i32
    %shift_left3A_512 = vector.broadcast %shift_left3A_511 : i32 to vector<16x512xi32>
    %shift_left3A_513 = arith.shli %convert_element_type3A_510, %shift_left3A_512 : vector<16x512xi32>
    %or3A_514 = arith.ori %shift_left3A_506, %shift_left3A_513 : vector<16x512xi32>
    %slice3A_515 = vector.extract_strided_slice %get3A_499 {offsets = [32, 0], sizes = [16, 32], strides = [1, 1]} : vector<64x32xf32> to vector<16x32xf32>
    %dot_general3A_516 = arith.constant dense<0.000000e+00> : vector<16x512xf32>
    %dot_general3A_517 = tpu.matmul %slice3A_515, %convert_element_type3A_496, %dot_general3A_516 {dimension_numbers = #tpu.dot_dimension_numbers<[1], [0], [0], [1], [0, 0, 1, 1], [], []>, transpose_lhs_hint = false} : vector<16x32xf32>, vector<32x512xf32>, vector<16x512xf32> -> vector<16x512xf32>
    %convert_element_type3A_518 = arith.fptosi %dot_general3A_517 : vector<16x512xf32> to vector<16x512xi32>
    %shift_left3A_519 = arith.constant 16 : i32
    %shift_left3A_520 = vector.broadcast %shift_left3A_519 : i32 to vector<16x512xi32>
    %shift_left3A_521 = arith.shli %convert_element_type3A_518, %shift_left3A_520 : vector<16x512xi32>
    %or3A_522 = arith.ori %or3A_514, %shift_left3A_521 : vector<16x512xi32>
    %slice3A_523 = vector.extract_strided_slice %get3A_499 {offsets = [48, 0], sizes = [16, 32], strides = [1, 1]} : vector<64x32xf32> to vector<16x32xf32>
    %dot_general3A_524 = arith.constant dense<0.000000e+00> : vector<16x512xf32>
    %dot_general3A_525 = tpu.matmul %slice3A_523, %convert_element_type3A_496, %dot_general3A_524 {dimension_numbers = #tpu.dot_dimension_numbers<[1], [0], [0], [1], [0, 0, 1, 1], [], []>, transpose_lhs_hint = false} : vector<16x32xf32>, vector<32x512xf32>, vector<16x512xf32> -> vector<16x512xf32>
    %convert_element_type3A_526 = arith.fptosi %dot_general3A_525 : vector<16x512xf32> to vector<16x512xi32>
    %shift_left3A_527 = arith.constant 24 : i32
    %shift_left3A_528 = vector.broadcast %shift_left3A_527 : i32 to vector<16x512xi32>
    %shift_left3A_529 = arith.shli %convert_element_type3A_526, %shift_left3A_528 : vector<16x512xi32>
    %or3A_530 = arith.ori %or3A_522, %shift_left3A_529 : vector<16x512xi32>
    %bitcast_convert_type3A_531 = tpu.bitcast %or3A_530 : vector<16x512xi32> -> vector<16x512xf32>
    %get3A_532 = arith.constant 48 : index
    %get3A_533 = arith.constant 0 : index
    %get3A_534 = vector.load %arg3[%get3A_532, %get3A_533] : memref<128x512xf32, #tpu.memory_space<vmem>>, vector<16x512xf32>
    %lt3A_535 = arith.cmpf olt, %get3A_534, %bitcast_convert_type3A_531 : vector<16x512xf32>
    %convert_element_type3A_536 = arith.extui %lt3A_535 : vector<16x512xi1> to vector<16x512xi32>
    %convert_element_type3A_537 = arith.sitofp %convert_element_type3A_536 : vector<16x512xi32> to vector<16x512xf32>
    %slice3A_538 = vector.extract_strided_slice %convert_element_type3A_537 {offsets = [0, 0], sizes = [8, 512], strides = [1, 1]} : vector<16x512xf32> to vector<8x512xf32>
    %slice3A_539 = vector.extract_strided_slice %convert_element_type3A_537 {offsets = [8, 0], sizes = [8, 512], strides = [1, 1]} : vector<16x512xf32> to vector<8x512xf32>
    %neg3A_540 = arith.constant 0.000000e+00 : f32
    %neg3A_541 = vector.broadcast %neg3A_540 : f32 to vector<8x512xf32>
    %neg3A_542 = arith.subf %neg3A_541, %slice3A_538 : vector<8x512xf32>
    %max3A_543 = arith.maximumf %neg3A_542, %mul3A_9 : vector<8x512xf32>
    %sub3A_544 = arith.subf %neg3A_542, %mul3A_9 : vector<8x512xf32>
    %ne3A_545 = arith.cmpf one, %sub3A_544, %sub3A_544 : vector<8x512xf32>
    %add3A_546 = arith.addf %neg3A_542, %mul3A_9 : vector<8x512xf32>
    %abs3A_547 = math.absf %sub3A_544 : vector<8x512xf32>
    %neg3A_548 = arith.constant 0.000000e+00 : f32
    %neg3A_549 = vector.broadcast %neg3A_548 : f32 to vector<8x512xf32>
    %neg3A_550 = arith.subf %neg3A_549, %abs3A_547 : vector<8x512xf32>
    %exp3A_551 = math.exp %neg3A_550 : vector<8x512xf32>
    %log1p3A_552 = math.log1p %exp3A_551 : vector<8x512xf32>
    %add3A_553 = arith.addf %max3A_543, %log1p3A_552 : vector<8x512xf32>
    %select_n3A_554 = arith.select %ne3A_545, %add3A_546, %add3A_553 : vector<8x512xi1>, vector<8x512xf32>
    %neg3A_555 = arith.constant 0.000000e+00 : f32
    %neg3A_556 = vector.broadcast %neg3A_555 : f32 to vector<8x512xf32>
    %neg3A_557 = arith.subf %neg3A_556, %select_n3A_554 : vector<8x512xf32>
    %neg3A_558 = arith.constant 0.000000e+00 : f32
    %neg3A_559 = vector.broadcast %neg3A_558 : f32 to vector<8x512xf32>
    %neg3A_560 = arith.subf %neg3A_559, %slice3A_539 : vector<8x512xf32>
    %neg3A_561 = arith.constant 0.000000e+00 : f32
    %neg3A_562 = vector.broadcast %neg3A_561 : f32 to vector<8x512xf32>
    %neg3A_563 = arith.subf %neg3A_562, %mul3A_9 : vector<8x512xf32>
    %max3A_564 = arith.maximumf %neg3A_560, %neg3A_563 : vector<8x512xf32>
    %sub3A_565 = arith.subf %neg3A_560, %neg3A_563 : vector<8x512xf32>
    %ne3A_566 = arith.cmpf one, %sub3A_565, %sub3A_565 : vector<8x512xf32>
    %add3A_567 = arith.addf %neg3A_560, %neg3A_563 : vector<8x512xf32>
    %abs3A_568 = math.absf %sub3A_565 : vector<8x512xf32>
    %neg3A_569 = arith.constant 0.000000e+00 : f32
    %neg3A_570 = vector.broadcast %neg3A_569 : f32 to vector<8x512xf32>
    %neg3A_571 = arith.subf %neg3A_570, %abs3A_568 : vector<8x512xf32>
    %exp3A_572 = math.exp %neg3A_571 : vector<8x512xf32>
    %log1p3A_573 = math.log1p %exp3A_572 : vector<8x512xf32>
    %add3A_574 = arith.addf %max3A_564, %log1p3A_573 : vector<8x512xf32>
    %select_n3A_575 = arith.select %ne3A_566, %add3A_567, %add3A_574 : vector<8x512xi1>, vector<8x512xf32>
    %neg3A_576 = arith.constant 0.000000e+00 : f32
    %neg3A_577 = vector.broadcast %neg3A_576 : f32 to vector<8x512xf32>
    %neg3A_578 = arith.subf %neg3A_577, %select_n3A_575 : vector<8x512xf32>
    %max3A_579 = arith.maximumf %neg3A_557, %neg3A_578 : vector<8x512xf32>
    %sub3A_580 = arith.subf %neg3A_557, %neg3A_578 : vector<8x512xf32>
    %ne3A_581 = arith.cmpf one, %sub3A_580, %sub3A_580 : vector<8x512xf32>
    %add3A_582 = arith.addf %neg3A_557, %neg3A_578 : vector<8x512xf32>
    %abs3A_583 = math.absf %sub3A_580 : vector<8x512xf32>
    %neg3A_584 = arith.constant 0.000000e+00 : f32
    %neg3A_585 = vector.broadcast %neg3A_584 : f32 to vector<8x512xf32>
    %neg3A_586 = arith.subf %neg3A_585, %abs3A_583 : vector<8x512xf32>
    %exp3A_587 = math.exp %neg3A_586 : vector<8x512xf32>
    %log1p3A_588 = math.log1p %exp3A_587 : vector<8x512xf32>
    %add3A_589 = arith.addf %max3A_579, %log1p3A_588 : vector<8x512xf32>
    %select_n3A_590 = arith.select %ne3A_581, %add3A_582, %add3A_589 : vector<8x512xi1>, vector<8x512xf32>
    %neg3A_591 = arith.constant 0.000000e+00 : f32
    %neg3A_592 = vector.broadcast %neg3A_591 : f32 to vector<8x512xf32>
    %neg3A_593 = arith.subf %neg3A_592, %select_n3A_590 : vector<8x512xf32>
    %reduce_max3A_594 = arith.constant dense<0xFF800000> : vector<512xf32>
    %reduce_max3A_595 = vector.multi_reduction <maximumf>, %neg3A_593, %reduce_max3A_594 [0] : vector<8x512xf32> to vector<512xf32>
    %broadcast_in_dim3A_596 = vector.shape_cast %reduce_max3A_595 : vector<512xf32> to vector<1x512xf32>
    %sub3A_597 = vector.broadcast %broadcast_in_dim3A_596 : vector<1x512xf32> to vector<8x512xf32>
    %sub3A_598 = arith.subf %neg3A_593, %sub3A_597 : vector<8x512xf32>
    %exp3A_599 = math.exp %sub3A_598 : vector<8x512xf32>
    %reduce_sum3A_600 = arith.constant dense<0.000000e+00> : vector<512xf32>
    %reduce_sum3A_601 = vector.multi_reduction <add>, %exp3A_599, %reduce_sum3A_600 [0] : vector<8x512xf32> to vector<512xf32>
    %broadcast_in_dim3A_602 = vector.shape_cast %reduce_sum3A_601 : vector<512xf32> to vector<1x512xf32>
    %log3A_603 = math.log %broadcast_in_dim3A_602 : vector<1x512xf32>
    %add3A_604 = arith.addf %log3A_603, %broadcast_in_dim3A_596 : vector<1x512xf32>
    %neg3A_605 = arith.constant 0.000000e+00 : f32
    %neg3A_606 = vector.broadcast %neg3A_605 : f32 to vector<1x512xf32>
    %neg3A_607 = arith.subf %neg3A_606, %add3A_604 : vector<1x512xf32>
    %get3A_608 = arith.constant 3 : index
    %get3A_609 = arith.constant 0 : index
    %get3A_610 = vector.load %arg4[%get3A_608, %get3A_609] : memref<8x512xf32, #tpu.memory_space<vmem>>, vector<1x512xf32>
    %logistic3A_611 = arith.negf %neg3A_607 : vector<1x512xf32>
    %logistic3A_612 = math.exp %logistic3A_611 : vector<1x512xf32>
    %logistic3A_613 = arith.constant 1.000000e+00 : f32
    %logistic3A_614 = vector.broadcast %logistic3A_613 : f32 to vector<1x512xf32>
    %logistic3A_615 = arith.addf %logistic3A_614, %logistic3A_612 : vector<1x512xf32>
    %logistic3A_616 = arith.divf %logistic3A_614, %logistic3A_615 : vector<1x512xf32>
    %lt3A_617 = arith.cmpf olt, %get3A_610, %logistic3A_616 : vector<1x512xf32>
    %convert_element_type3A_618 = arith.extui %lt3A_617 : vector<1x512xi1> to vector<1x512xi32>
    %convert_element_type3A_619 = arith.sitofp %convert_element_type3A_618 : vector<1x512xi32> to vector<1x512xf32>
    %mul3A_620 = arith.constant 2.000000e+00 : f32
    %mul3A_621 = vector.broadcast %mul3A_620 : f32 to vector<1x512xf32>
    %mul3A_622 = arith.mulf %mul3A_621, %convert_element_type3A_619 : vector<1x512xf32>
    %sub3A_623 = arith.constant 1.000000e+00 : f32
    %sub3A_624 = vector.broadcast %sub3A_623 : f32 to vector<1x512xf32>
    %sub3A_625 = arith.subf %mul3A_622, %sub3A_624 : vector<1x512xf32>
    %mul3A_626 = arith.mulf %sub3A_625, %neg3A_607 : vector<1x512xf32>
    %mul3A_627 = arith.constant 2 : i32
    %mul3A_628 = vector.broadcast %mul3A_627 : i32 to vector<1x512xi32>
    %mul3A_629 = arith.muli %mul3A_628, %add3A_466 : vector<1x512xi32>
    %convert_element_type3A_630 = arith.extui %lt3A_617 : vector<1x512xi1> to vector<1x512xi32>
    %add3A_631 = arith.addi %mul3A_629, %convert_element_type3A_630 : vector<1x512xi32>
    %neg3A_632 = arith.constant 0.000000e+00 : f32
    %neg3A_633 = vector.broadcast %neg3A_632 : f32 to vector<1x512xf32>
    %neg3A_634 = arith.subf %neg3A_633, %neg3A_487 : vector<1x512xf32>
    %neg3A_635 = arith.constant 0.000000e+00 : f32
    %neg3A_636 = vector.broadcast %neg3A_635 : f32 to vector<1x512xf32>
    %neg3A_637 = arith.subf %neg3A_636, %mul3A_626 : vector<1x512xf32>
    %max3A_638 = arith.maximumf %neg3A_634, %neg3A_637 : vector<1x512xf32>
    %sub3A_639 = arith.subf %neg3A_634, %neg3A_637 : vector<1x512xf32>
    %ne3A_640 = arith.cmpf one, %sub3A_639, %sub3A_639 : vector<1x512xf32>
    %add3A_641 = arith.addf %neg3A_634, %neg3A_637 : vector<1x512xf32>
    %abs3A_642 = math.absf %sub3A_639 : vector<1x512xf32>
    %neg3A_643 = arith.constant 0.000000e+00 : f32
    %neg3A_644 = vector.broadcast %neg3A_643 : f32 to vector<1x512xf32>
    %neg3A_645 = arith.subf %neg3A_644, %abs3A_642 : vector<1x512xf32>
    %exp3A_646 = math.exp %neg3A_645 : vector<1x512xf32>
    %log1p3A_647 = math.log1p %exp3A_646 : vector<1x512xf32>
    %add3A_648 = arith.addf %max3A_638, %log1p3A_647 : vector<1x512xf32>
    %select_n3A_649 = arith.select %ne3A_640, %add3A_641, %add3A_648 : vector<1x512xi1>, vector<1x512xf32>
    %neg3A_650 = arith.constant 0.000000e+00 : f32
    %neg3A_651 = vector.broadcast %neg3A_650 : f32 to vector<1x512xf32>
    %neg3A_652 = arith.subf %neg3A_651, %select_n3A_649 : vector<1x512xf32>
    %mul3A_653 = arith.constant 16 : i32
    %mul3A_654 = vector.broadcast %mul3A_653 : i32 to vector<1x512xi32>
    %mul3A_655 = arith.muli %select_n3A_27, %mul3A_654 : vector<1x512xi32>
    %add3A_656 = arith.addi %mul3A_655, %add3A_631 : vector<1x512xi32>
    %iota3A_657 = tpu.iota {dimensions = array<i32: 0>} : vector<64x512xi32>
    %eq3A_658 = vector.broadcast %add3A_656 : vector<1x512xi32> to vector<64x512xi32>
    %eq3A_659 = arith.cmpi eq, %iota3A_657, %eq3A_658 : vector<64x512xi32>
    %convert_element_type3A_660 = arith.extui %eq3A_659 : vector<64x512xi1> to vector<64x512xi32>
    %convert_element_type3A_661 = arith.sitofp %convert_element_type3A_660 : vector<64x512xi32> to vector<64x512xf32>
    %get3A_662 = arith.constant 0 : index
    %get3A_663 = arith.constant 60 : index
    %get3A_664 = vector.load %arg6[%get3A_662, %get3A_663] : memref<64x1024xf32, #tpu.memory_space<vmem>>, vector<64x64xf32>
    %slice3A_665 = vector.extract_strided_slice %get3A_664 {offsets = [0, 0], sizes = [16, 64], strides = [1, 1]} : vector<64x64xf32> to vector<16x64xf32>
    %dot_general3A_666 = arith.constant dense<0.000000e+00> : vector<16x512xf32>
    %dot_general3A_667 = tpu.matmul %slice3A_665, %convert_element_type3A_661, %dot_general3A_666 {dimension_numbers = #tpu.dot_dimension_numbers<[1], [0], [0], [1], [0, 0, 1, 1], [], []>, transpose_lhs_hint = false} : vector<16x64xf32>, vector<64x512xf32>, vector<16x512xf32> -> vector<16x512xf32>
    %convert_element_type3A_668 = arith.fptosi %dot_general3A_667 : vector<16x512xf32> to vector<16x512xi32>
    %shift_left3A_669 = arith.constant 0 : i32
    %shift_left3A_670 = vector.broadcast %shift_left3A_669 : i32 to vector<16x512xi32>
    %shift_left3A_671 = arith.shli %convert_element_type3A_668, %shift_left3A_670 : vector<16x512xi32>
    %slice3A_672 = vector.extract_strided_slice %get3A_664 {offsets = [16, 0], sizes = [16, 64], strides = [1, 1]} : vector<64x64xf32> to vector<16x64xf32>
    %dot_general3A_673 = arith.constant dense<0.000000e+00> : vector<16x512xf32>
    %dot_general3A_674 = tpu.matmul %slice3A_672, %convert_element_type3A_661, %dot_general3A_673 {dimension_numbers = #tpu.dot_dimension_numbers<[1], [0], [0], [1], [0, 0, 1, 1], [], []>, transpose_lhs_hint = false} : vector<16x64xf32>, vector<64x512xf32>, vector<16x512xf32> -> vector<16x512xf32>
    %convert_element_type3A_675 = arith.fptosi %dot_general3A_674 : vector<16x512xf32> to vector<16x512xi32>
    %shift_left3A_676 = arith.constant 8 : i32
    %shift_left3A_677 = vector.broadcast %shift_left3A_676 : i32 to vector<16x512xi32>
    %shift_left3A_678 = arith.shli %convert_element_type3A_675, %shift_left3A_677 : vector<16x512xi32>
    %or3A_679 = arith.ori %shift_left3A_671, %shift_left3A_678 : vector<16x512xi32>
    %slice3A_680 = vector.extract_strided_slice %get3A_664 {offsets = [32, 0], sizes = [16, 64], strides = [1, 1]} : vector<64x64xf32> to vector<16x64xf32>
    %dot_general3A_681 = arith.constant dense<0.000000e+00> : vector<16x512xf32>
    %dot_general3A_682 = tpu.matmul %slice3A_680, %convert_element_type3A_661, %dot_general3A_681 {dimension_numbers = #tpu.dot_dimension_numbers<[1], [0], [0], [1], [0, 0, 1, 1], [], []>, transpose_lhs_hint = false} : vector<16x64xf32>, vector<64x512xf32>, vector<16x512xf32> -> vector<16x512xf32>
    %convert_element_type3A_683 = arith.fptosi %dot_general3A_682 : vector<16x512xf32> to vector<16x512xi32>
    %shift_left3A_684 = arith.constant 16 : i32
    %shift_left3A_685 = vector.broadcast %shift_left3A_684 : i32 to vector<16x512xi32>
    %shift_left3A_686 = arith.shli %convert_element_type3A_683, %shift_left3A_685 : vector<16x512xi32>
    %or3A_687 = arith.ori %or3A_679, %shift_left3A_686 : vector<16x512xi32>
    %slice3A_688 = vector.extract_strided_slice %get3A_664 {offsets = [48, 0], sizes = [16, 64], strides = [1, 1]} : vector<64x64xf32> to vector<16x64xf32>
    %dot_general3A_689 = arith.constant dense<0.000000e+00> : vector<16x512xf32>
    %dot_general3A_690 = tpu.matmul %slice3A_688, %convert_element_type3A_661, %dot_general3A_689 {dimension_numbers = #tpu.dot_dimension_numbers<[1], [0], [0], [1], [0, 0, 1, 1], [], []>, transpose_lhs_hint = false} : vector<16x64xf32>, vector<64x512xf32>, vector<16x512xf32> -> vector<16x512xf32>
    %convert_element_type3A_691 = arith.fptosi %dot_general3A_690 : vector<16x512xf32> to vector<16x512xi32>
    %shift_left3A_692 = arith.constant 24 : i32
    %shift_left3A_693 = vector.broadcast %shift_left3A_692 : i32 to vector<16x512xi32>
    %shift_left3A_694 = arith.shli %convert_element_type3A_691, %shift_left3A_693 : vector<16x512xi32>
    %or3A_695 = arith.ori %or3A_687, %shift_left3A_694 : vector<16x512xi32>
    %bitcast_convert_type3A_696 = tpu.bitcast %or3A_695 : vector<16x512xi32> -> vector<16x512xf32>
    %get3A_697 = arith.constant 64 : index
    %get3A_698 = arith.constant 0 : index
    %get3A_699 = vector.load %arg3[%get3A_697, %get3A_698] : memref<128x512xf32, #tpu.memory_space<vmem>>, vector<16x512xf32>
    %lt3A_700 = arith.cmpf olt, %get3A_699, %bitcast_convert_type3A_696 : vector<16x512xf32>
    %convert_element_type3A_701 = arith.extui %lt3A_700 : vector<16x512xi1> to vector<16x512xi32>
    %convert_element_type3A_702 = arith.sitofp %convert_element_type3A_701 : vector<16x512xi32> to vector<16x512xf32>
    %slice3A_703 = vector.extract_strided_slice %convert_element_type3A_702 {offsets = [0, 0], sizes = [8, 512], strides = [1, 1]} : vector<16x512xf32> to vector<8x512xf32>
    %slice3A_704 = vector.extract_strided_slice %convert_element_type3A_702 {offsets = [8, 0], sizes = [8, 512], strides = [1, 1]} : vector<16x512xf32> to vector<8x512xf32>
    %neg3A_705 = arith.constant 0.000000e+00 : f32
    %neg3A_706 = vector.broadcast %neg3A_705 : f32 to vector<8x512xf32>
    %neg3A_707 = arith.subf %neg3A_706, %slice3A_703 : vector<8x512xf32>
    %max3A_708 = arith.maximumf %neg3A_707, %mul3A_9 : vector<8x512xf32>
    %sub3A_709 = arith.subf %neg3A_707, %mul3A_9 : vector<8x512xf32>
    %ne3A_710 = arith.cmpf one, %sub3A_709, %sub3A_709 : vector<8x512xf32>
    %add3A_711 = arith.addf %neg3A_707, %mul3A_9 : vector<8x512xf32>
    %abs3A_712 = math.absf %sub3A_709 : vector<8x512xf32>
    %neg3A_713 = arith.constant 0.000000e+00 : f32
    %neg3A_714 = vector.broadcast %neg3A_713 : f32 to vector<8x512xf32>
    %neg3A_715 = arith.subf %neg3A_714, %abs3A_712 : vector<8x512xf32>
    %exp3A_716 = math.exp %neg3A_715 : vector<8x512xf32>
    %log1p3A_717 = math.log1p %exp3A_716 : vector<8x512xf32>
    %add3A_718 = arith.addf %max3A_708, %log1p3A_717 : vector<8x512xf32>
    %select_n3A_719 = arith.select %ne3A_710, %add3A_711, %add3A_718 : vector<8x512xi1>, vector<8x512xf32>
    %neg3A_720 = arith.constant 0.000000e+00 : f32
    %neg3A_721 = vector.broadcast %neg3A_720 : f32 to vector<8x512xf32>
    %neg3A_722 = arith.subf %neg3A_721, %select_n3A_719 : vector<8x512xf32>
    %neg3A_723 = arith.constant 0.000000e+00 : f32
    %neg3A_724 = vector.broadcast %neg3A_723 : f32 to vector<8x512xf32>
    %neg3A_725 = arith.subf %neg3A_724, %slice3A_704 : vector<8x512xf32>
    %neg3A_726 = arith.constant 0.000000e+00 : f32
    %neg3A_727 = vector.broadcast %neg3A_726 : f32 to vector<8x512xf32>
    %neg3A_728 = arith.subf %neg3A_727, %mul3A_9 : vector<8x512xf32>
    %max3A_729 = arith.maximumf %neg3A_725, %neg3A_728 : vector<8x512xf32>
    %sub3A_730 = arith.subf %neg3A_725, %neg3A_728 : vector<8x512xf32>
    %ne3A_731 = arith.cmpf one, %sub3A_730, %sub3A_730 : vector<8x512xf32>
    %add3A_732 = arith.addf %neg3A_725, %neg3A_728 : vector<8x512xf32>
    %abs3A_733 = math.absf %sub3A_730 : vector<8x512xf32>
    %neg3A_734 = arith.constant 0.000000e+00 : f32
    %neg3A_735 = vector.broadcast %neg3A_734 : f32 to vector<8x512xf32>
    %neg3A_736 = arith.subf %neg3A_735, %abs3A_733 : vector<8x512xf32>
    %exp3A_737 = math.exp %neg3A_736 : vector<8x512xf32>
    %log1p3A_738 = math.log1p %exp3A_737 : vector<8x512xf32>
    %add3A_739 = arith.addf %max3A_729, %log1p3A_738 : vector<8x512xf32>
    %select_n3A_740 = arith.select %ne3A_731, %add3A_732, %add3A_739 : vector<8x512xi1>, vector<8x512xf32>
    %neg3A_741 = arith.constant 0.000000e+00 : f32
    %neg3A_742 = vector.broadcast %neg3A_741 : f32 to vector<8x512xf32>
    %neg3A_743 = arith.subf %neg3A_742, %select_n3A_740 : vector<8x512xf32>
    %max3A_744 = arith.maximumf %neg3A_722, %neg3A_743 : vector<8x512xf32>
    %sub3A_745 = arith.subf %neg3A_722, %neg3A_743 : vector<8x512xf32>
    %ne3A_746 = arith.cmpf one, %sub3A_745, %sub3A_745 : vector<8x512xf32>
    %add3A_747 = arith.addf %neg3A_722, %neg3A_743 : vector<8x512xf32>
    %abs3A_748 = math.absf %sub3A_745 : vector<8x512xf32>
    %neg3A_749 = arith.constant 0.000000e+00 : f32
    %neg3A_750 = vector.broadcast %neg3A_749 : f32 to vector<8x512xf32>
    %neg3A_751 = arith.subf %neg3A_750, %abs3A_748 : vector<8x512xf32>
    %exp3A_752 = math.exp %neg3A_751 : vector<8x512xf32>
    %log1p3A_753 = math.log1p %exp3A_752 : vector<8x512xf32>
    %add3A_754 = arith.addf %max3A_744, %log1p3A_753 : vector<8x512xf32>
    %select_n3A_755 = arith.select %ne3A_746, %add3A_747, %add3A_754 : vector<8x512xi1>, vector<8x512xf32>
    %neg3A_756 = arith.constant 0.000000e+00 : f32
    %neg3A_757 = vector.broadcast %neg3A_756 : f32 to vector<8x512xf32>
    %neg3A_758 = arith.subf %neg3A_757, %select_n3A_755 : vector<8x512xf32>
    %reduce_max3A_759 = arith.constant dense<0xFF800000> : vector<512xf32>
    %reduce_max3A_760 = vector.multi_reduction <maximumf>, %neg3A_758, %reduce_max3A_759 [0] : vector<8x512xf32> to vector<512xf32>
    %broadcast_in_dim3A_761 = vector.shape_cast %reduce_max3A_760 : vector<512xf32> to vector<1x512xf32>
    %sub3A_762 = vector.broadcast %broadcast_in_dim3A_761 : vector<1x512xf32> to vector<8x512xf32>
    %sub3A_763 = arith.subf %neg3A_758, %sub3A_762 : vector<8x512xf32>
    %exp3A_764 = math.exp %sub3A_763 : vector<8x512xf32>
    %reduce_sum3A_765 = arith.constant dense<0.000000e+00> : vector<512xf32>
    %reduce_sum3A_766 = vector.multi_reduction <add>, %exp3A_764, %reduce_sum3A_765 [0] : vector<8x512xf32> to vector<512xf32>
    %broadcast_in_dim3A_767 = vector.shape_cast %reduce_sum3A_766 : vector<512xf32> to vector<1x512xf32>
    %log3A_768 = math.log %broadcast_in_dim3A_767 : vector<1x512xf32>
    %add3A_769 = arith.addf %log3A_768, %broadcast_in_dim3A_761 : vector<1x512xf32>
    %neg3A_770 = arith.constant 0.000000e+00 : f32
    %neg3A_771 = vector.broadcast %neg3A_770 : f32 to vector<1x512xf32>
    %neg3A_772 = arith.subf %neg3A_771, %add3A_769 : vector<1x512xf32>
    %get3A_773 = arith.constant 4 : index
    %get3A_774 = arith.constant 0 : index
    %get3A_775 = vector.load %arg4[%get3A_773, %get3A_774] : memref<8x512xf32, #tpu.memory_space<vmem>>, vector<1x512xf32>
    %logistic3A_776 = arith.negf %neg3A_772 : vector<1x512xf32>
    %logistic3A_777 = math.exp %logistic3A_776 : vector<1x512xf32>
    %logistic3A_778 = arith.constant 1.000000e+00 : f32
    %logistic3A_779 = vector.broadcast %logistic3A_778 : f32 to vector<1x512xf32>
    %logistic3A_780 = arith.addf %logistic3A_779, %logistic3A_777 : vector<1x512xf32>
    %logistic3A_781 = arith.divf %logistic3A_779, %logistic3A_780 : vector<1x512xf32>
    %lt3A_782 = arith.cmpf olt, %get3A_775, %logistic3A_781 : vector<1x512xf32>
    %convert_element_type3A_783 = arith.extui %lt3A_782 : vector<1x512xi1> to vector<1x512xi32>
    %convert_element_type3A_784 = arith.sitofp %convert_element_type3A_783 : vector<1x512xi32> to vector<1x512xf32>
    %mul3A_785 = arith.constant 2.000000e+00 : f32
    %mul3A_786 = vector.broadcast %mul3A_785 : f32 to vector<1x512xf32>
    %mul3A_787 = arith.mulf %mul3A_786, %convert_element_type3A_784 : vector<1x512xf32>
    %sub3A_788 = arith.constant 1.000000e+00 : f32
    %sub3A_789 = vector.broadcast %sub3A_788 : f32 to vector<1x512xf32>
    %sub3A_790 = arith.subf %mul3A_787, %sub3A_789 : vector<1x512xf32>
    %mul3A_791 = arith.mulf %sub3A_790, %neg3A_772 : vector<1x512xf32>
    %mul3A_792 = arith.constant 2 : i32
    %mul3A_793 = vector.broadcast %mul3A_792 : i32 to vector<1x512xi32>
    %mul3A_794 = arith.muli %mul3A_793, %add3A_631 : vector<1x512xi32>
    %convert_element_type3A_795 = arith.extui %lt3A_782 : vector<1x512xi1> to vector<1x512xi32>
    %add3A_796 = arith.addi %mul3A_794, %convert_element_type3A_795 : vector<1x512xi32>
    %neg3A_797 = arith.constant 0.000000e+00 : f32
    %neg3A_798 = vector.broadcast %neg3A_797 : f32 to vector<1x512xf32>
    %neg3A_799 = arith.subf %neg3A_798, %neg3A_652 : vector<1x512xf32>
    %neg3A_800 = arith.constant 0.000000e+00 : f32
    %neg3A_801 = vector.broadcast %neg3A_800 : f32 to vector<1x512xf32>
    %neg3A_802 = arith.subf %neg3A_801, %mul3A_791 : vector<1x512xf32>
    %max3A_803 = arith.maximumf %neg3A_799, %neg3A_802 : vector<1x512xf32>
    %sub3A_804 = arith.subf %neg3A_799, %neg3A_802 : vector<1x512xf32>
    %ne3A_805 = arith.cmpf one, %sub3A_804, %sub3A_804 : vector<1x512xf32>
    %add3A_806 = arith.addf %neg3A_799, %neg3A_802 : vector<1x512xf32>
    %abs3A_807 = math.absf %sub3A_804 : vector<1x512xf32>
    %neg3A_808 = arith.constant 0.000000e+00 : f32
    %neg3A_809 = vector.broadcast %neg3A_808 : f32 to vector<1x512xf32>
    %neg3A_810 = arith.subf %neg3A_809, %abs3A_807 : vector<1x512xf32>
    %exp3A_811 = math.exp %neg3A_810 : vector<1x512xf32>
    %log1p3A_812 = math.log1p %exp3A_811 : vector<1x512xf32>
    %add3A_813 = arith.addf %max3A_803, %log1p3A_812 : vector<1x512xf32>
    %select_n3A_814 = arith.select %ne3A_805, %add3A_806, %add3A_813 : vector<1x512xi1>, vector<1x512xf32>
    %neg3A_815 = arith.constant 0.000000e+00 : f32
    %neg3A_816 = vector.broadcast %neg3A_815 : f32 to vector<1x512xf32>
    %neg3A_817 = arith.subf %neg3A_816, %select_n3A_814 : vector<1x512xf32>
    %mul3A_818 = arith.constant 32 : i32
    %mul3A_819 = vector.broadcast %mul3A_818 : i32 to vector<1x512xi32>
    %mul3A_820 = arith.muli %select_n3A_27, %mul3A_819 : vector<1x512xi32>
    %add3A_821 = arith.addi %mul3A_820, %add3A_796 : vector<1x512xi32>
    %iota3A_822 = tpu.iota {dimensions = array<i32: 0>} : vector<128x512xi32>
    %eq3A_823 = vector.broadcast %add3A_821 : vector<1x512xi32> to vector<128x512xi32>
    %eq3A_824 = arith.cmpi eq, %iota3A_822, %eq3A_823 : vector<128x512xi32>
    %convert_element_type3A_825 = arith.extui %eq3A_824 : vector<128x512xi1> to vector<128x512xi32>
    %convert_element_type3A_826 = arith.sitofp %convert_element_type3A_825 : vector<128x512xi32> to vector<128x512xf32>
    %get3A_827 = arith.constant 0 : index
    %get3A_828 = arith.constant 124 : index
    %get3A_829 = vector.load %arg6[%get3A_827, %get3A_828] : memref<64x1024xf32, #tpu.memory_space<vmem>>, vector<64x128xf32>
    %slice3A_830 = vector.extract_strided_slice %get3A_829 {offsets = [0, 0], sizes = [16, 128], strides = [1, 1]} : vector<64x128xf32> to vector<16x128xf32>
    %dot_general3A_831 = arith.constant dense<0.000000e+00> : vector<16x512xf32>
    %dot_general3A_832 = tpu.matmul %slice3A_830, %convert_element_type3A_826, %dot_general3A_831 {dimension_numbers = #tpu.dot_dimension_numbers<[1], [0], [0], [1], [0, 0, 1, 1], [], []>, transpose_lhs_hint = false} : vector<16x128xf32>, vector<128x512xf32>, vector<16x512xf32> -> vector<16x512xf32>
    %convert_element_type3A_833 = arith.fptosi %dot_general3A_832 : vector<16x512xf32> to vector<16x512xi32>
    %shift_left3A_834 = arith.constant 0 : i32
    %shift_left3A_835 = vector.broadcast %shift_left3A_834 : i32 to vector<16x512xi32>
    %shift_left3A_836 = arith.shli %convert_element_type3A_833, %shift_left3A_835 : vector<16x512xi32>
    %slice3A_837 = vector.extract_strided_slice %get3A_829 {offsets = [16, 0], sizes = [16, 128], strides = [1, 1]} : vector<64x128xf32> to vector<16x128xf32>
    %dot_general3A_838 = arith.constant dense<0.000000e+00> : vector<16x512xf32>
    %dot_general3A_839 = tpu.matmul %slice3A_837, %convert_element_type3A_826, %dot_general3A_838 {dimension_numbers = #tpu.dot_dimension_numbers<[1], [0], [0], [1], [0, 0, 1, 1], [], []>, transpose_lhs_hint = false} : vector<16x128xf32>, vector<128x512xf32>, vector<16x512xf32> -> vector<16x512xf32>
    %convert_element_type3A_840 = arith.fptosi %dot_general3A_839 : vector<16x512xf32> to vector<16x512xi32>
    %shift_left3A_841 = arith.constant 8 : i32
    %shift_left3A_842 = vector.broadcast %shift_left3A_841 : i32 to vector<16x512xi32>
    %shift_left3A_843 = arith.shli %convert_element_type3A_840, %shift_left3A_842 : vector<16x512xi32>
    %or3A_844 = arith.ori %shift_left3A_836, %shift_left3A_843 : vector<16x512xi32>
    %slice3A_845 = vector.extract_strided_slice %get3A_829 {offsets = [32, 0], sizes = [16, 128], strides = [1, 1]} : vector<64x128xf32> to vector<16x128xf32>
    %dot_general3A_846 = arith.constant dense<0.000000e+00> : vector<16x512xf32>
    %dot_general3A_847 = tpu.matmul %slice3A_845, %convert_element_type3A_826, %dot_general3A_846 {dimension_numbers = #tpu.dot_dimension_numbers<[1], [0], [0], [1], [0, 0, 1, 1], [], []>, transpose_lhs_hint = false} : vector<16x128xf32>, vector<128x512xf32>, vector<16x512xf32> -> vector<16x512xf32>
    %convert_element_type3A_848 = arith.fptosi %dot_general3A_847 : vector<16x512xf32> to vector<16x512xi32>
    %shift_left3A_849 = arith.constant 16 : i32
    %shift_left3A_850 = vector.broadcast %shift_left3A_849 : i32 to vector<16x512xi32>
    %shift_left3A_851 = arith.shli %convert_element_type3A_848, %shift_left3A_850 : vector<16x512xi32>
    %or3A_852 = arith.ori %or3A_844, %shift_left3A_851 : vector<16x512xi32>
    %slice3A_853 = vector.extract_strided_slice %get3A_829 {offsets = [48, 0], sizes = [16, 128], strides = [1, 1]} : vector<64x128xf32> to vector<16x128xf32>
    %dot_general3A_854 = arith.constant dense<0.000000e+00> : vector<16x512xf32>
    %dot_general3A_855 = tpu.matmul %slice3A_853, %convert_element_type3A_826, %dot_general3A_854 {dimension_numbers = #tpu.dot_dimension_numbers<[1], [0], [0], [1], [0, 0, 1, 1], [], []>, transpose_lhs_hint = false} : vector<16x128xf32>, vector<128x512xf32>, vector<16x512xf32> -> vector<16x512xf32>
    %convert_element_type3A_856 = arith.fptosi %dot_general3A_855 : vector<16x512xf32> to vector<16x512xi32>
    %shift_left3A_857 = arith.constant 24 : i32
    %shift_left3A_858 = vector.broadcast %shift_left3A_857 : i32 to vector<16x512xi32>
    %shift_left3A_859 = arith.shli %convert_element_type3A_856, %shift_left3A_858 : vector<16x512xi32>
    %or3A_860 = arith.ori %or3A_852, %shift_left3A_859 : vector<16x512xi32>
    %bitcast_convert_type3A_861 = tpu.bitcast %or3A_860 : vector<16x512xi32> -> vector<16x512xf32>
    %get3A_862 = arith.constant 80 : index
    %get3A_863 = arith.constant 0 : index
    %get3A_864 = vector.load %arg3[%get3A_862, %get3A_863] : memref<128x512xf32, #tpu.memory_space<vmem>>, vector<16x512xf32>
    %lt3A_865 = arith.cmpf olt, %get3A_864, %bitcast_convert_type3A_861 : vector<16x512xf32>
    %convert_element_type3A_866 = arith.extui %lt3A_865 : vector<16x512xi1> to vector<16x512xi32>
    %convert_element_type3A_867 = arith.sitofp %convert_element_type3A_866 : vector<16x512xi32> to vector<16x512xf32>
    %slice3A_868 = vector.extract_strided_slice %convert_element_type3A_867 {offsets = [0, 0], sizes = [8, 512], strides = [1, 1]} : vector<16x512xf32> to vector<8x512xf32>
    %slice3A_869 = vector.extract_strided_slice %convert_element_type3A_867 {offsets = [8, 0], sizes = [8, 512], strides = [1, 1]} : vector<16x512xf32> to vector<8x512xf32>
    %neg3A_870 = arith.constant 0.000000e+00 : f32
    %neg3A_871 = vector.broadcast %neg3A_870 : f32 to vector<8x512xf32>
    %neg3A_872 = arith.subf %neg3A_871, %slice3A_868 : vector<8x512xf32>
    %max3A_873 = arith.maximumf %neg3A_872, %mul3A_9 : vector<8x512xf32>
    %sub3A_874 = arith.subf %neg3A_872, %mul3A_9 : vector<8x512xf32>
    %ne3A_875 = arith.cmpf one, %sub3A_874, %sub3A_874 : vector<8x512xf32>
    %add3A_876 = arith.addf %neg3A_872, %mul3A_9 : vector<8x512xf32>
    %abs3A_877 = math.absf %sub3A_874 : vector<8x512xf32>
    %neg3A_878 = arith.constant 0.000000e+00 : f32
    %neg3A_879 = vector.broadcast %neg3A_878 : f32 to vector<8x512xf32>
    %neg3A_880 = arith.subf %neg3A_879, %abs3A_877 : vector<8x512xf32>
    %exp3A_881 = math.exp %neg3A_880 : vector<8x512xf32>
    %log1p3A_882 = math.log1p %exp3A_881 : vector<8x512xf32>
    %add3A_883 = arith.addf %max3A_873, %log1p3A_882 : vector<8x512xf32>
    %select_n3A_884 = arith.select %ne3A_875, %add3A_876, %add3A_883 : vector<8x512xi1>, vector<8x512xf32>
    %neg3A_885 = arith.constant 0.000000e+00 : f32
    %neg3A_886 = vector.broadcast %neg3A_885 : f32 to vector<8x512xf32>
    %neg3A_887 = arith.subf %neg3A_886, %select_n3A_884 : vector<8x512xf32>
    %neg3A_888 = arith.constant 0.000000e+00 : f32
    %neg3A_889 = vector.broadcast %neg3A_888 : f32 to vector<8x512xf32>
    %neg3A_890 = arith.subf %neg3A_889, %slice3A_869 : vector<8x512xf32>
    %neg3A_891 = arith.constant 0.000000e+00 : f32
    %neg3A_892 = vector.broadcast %neg3A_891 : f32 to vector<8x512xf32>
    %neg3A_893 = arith.subf %neg3A_892, %mul3A_9 : vector<8x512xf32>
    %max3A_894 = arith.maximumf %neg3A_890, %neg3A_893 : vector<8x512xf32>
    %sub3A_895 = arith.subf %neg3A_890, %neg3A_893 : vector<8x512xf32>
    %ne3A_896 = arith.cmpf one, %sub3A_895, %sub3A_895 : vector<8x512xf32>
    %add3A_897 = arith.addf %neg3A_890, %neg3A_893 : vector<8x512xf32>
    %abs3A_898 = math.absf %sub3A_895 : vector<8x512xf32>
    %neg3A_899 = arith.constant 0.000000e+00 : f32
    %neg3A_900 = vector.broadcast %neg3A_899 : f32 to vector<8x512xf32>
    %neg3A_901 = arith.subf %neg3A_900, %abs3A_898 : vector<8x512xf32>
    %exp3A_902 = math.exp %neg3A_901 : vector<8x512xf32>
    %log1p3A_903 = math.log1p %exp3A_902 : vector<8x512xf32>
    %add3A_904 = arith.addf %max3A_894, %log1p3A_903 : vector<8x512xf32>
    %select_n3A_905 = arith.select %ne3A_896, %add3A_897, %add3A_904 : vector<8x512xi1>, vector<8x512xf32>
    %neg3A_906 = arith.constant 0.000000e+00 : f32
    %neg3A_907 = vector.broadcast %neg3A_906 : f32 to vector<8x512xf32>
    %neg3A_908 = arith.subf %neg3A_907, %select_n3A_905 : vector<8x512xf32>
    %max3A_909 = arith.maximumf %neg3A_887, %neg3A_908 : vector<8x512xf32>
    %sub3A_910 = arith.subf %neg3A_887, %neg3A_908 : vector<8x512xf32>
    %ne3A_911 = arith.cmpf one, %sub3A_910, %sub3A_910 : vector<8x512xf32>
    %add3A_912 = arith.addf %neg3A_887, %neg3A_908 : vector<8x512xf32>
    %abs3A_913 = math.absf %sub3A_910 : vector<8x512xf32>
    %neg3A_914 = arith.constant 0.000000e+00 : f32
    %neg3A_915 = vector.broadcast %neg3A_914 : f32 to vector<8x512xf32>
    %neg3A_916 = arith.subf %neg3A_915, %abs3A_913 : vector<8x512xf32>
    %exp3A_917 = math.exp %neg3A_916 : vector<8x512xf32>
    %log1p3A_918 = math.log1p %exp3A_917 : vector<8x512xf32>
    %add3A_919 = arith.addf %max3A_909, %log1p3A_918 : vector<8x512xf32>
    %select_n3A_920 = arith.select %ne3A_911, %add3A_912, %add3A_919 : vector<8x512xi1>, vector<8x512xf32>
    %neg3A_921 = arith.constant 0.000000e+00 : f32
    %neg3A_922 = vector.broadcast %neg3A_921 : f32 to vector<8x512xf32>
    %neg3A_923 = arith.subf %neg3A_922, %select_n3A_920 : vector<8x512xf32>
    %reduce_max3A_924 = arith.constant dense<0xFF800000> : vector<512xf32>
    %reduce_max3A_925 = vector.multi_reduction <maximumf>, %neg3A_923, %reduce_max3A_924 [0] : vector<8x512xf32> to vector<512xf32>
    %broadcast_in_dim3A_926 = vector.shape_cast %reduce_max3A_925 : vector<512xf32> to vector<1x512xf32>
    %sub3A_927 = vector.broadcast %broadcast_in_dim3A_926 : vector<1x512xf32> to vector<8x512xf32>
    %sub3A_928 = arith.subf %neg3A_923, %sub3A_927 : vector<8x512xf32>
    %exp3A_929 = math.exp %sub3A_928 : vector<8x512xf32>
    %reduce_sum3A_930 = arith.constant dense<0.000000e+00> : vector<512xf32>
    %reduce_sum3A_931 = vector.multi_reduction <add>, %exp3A_929, %reduce_sum3A_930 [0] : vector<8x512xf32> to vector<512xf32>
    %broadcast_in_dim3A_932 = vector.shape_cast %reduce_sum3A_931 : vector<512xf32> to vector<1x512xf32>
    %log3A_933 = math.log %broadcast_in_dim3A_932 : vector<1x512xf32>
    %add3A_934 = arith.addf %log3A_933, %broadcast_in_dim3A_926 : vector<1x512xf32>
    %neg3A_935 = arith.constant 0.000000e+00 : f32
    %neg3A_936 = vector.broadcast %neg3A_935 : f32 to vector<1x512xf32>
    %neg3A_937 = arith.subf %neg3A_936, %add3A_934 : vector<1x512xf32>
    %get3A_938 = arith.constant 5 : index
    %get3A_939 = arith.constant 0 : index
    %get3A_940 = vector.load %arg4[%get3A_938, %get3A_939] : memref<8x512xf32, #tpu.memory_space<vmem>>, vector<1x512xf32>
    %logistic3A_941 = arith.negf %neg3A_937 : vector<1x512xf32>
    %logistic3A_942 = math.exp %logistic3A_941 : vector<1x512xf32>
    %logistic3A_943 = arith.constant 1.000000e+00 : f32
    %logistic3A_944 = vector.broadcast %logistic3A_943 : f32 to vector<1x512xf32>
    %logistic3A_945 = arith.addf %logistic3A_944, %logistic3A_942 : vector<1x512xf32>
    %logistic3A_946 = arith.divf %logistic3A_944, %logistic3A_945 : vector<1x512xf32>
    %lt3A_947 = arith.cmpf olt, %get3A_940, %logistic3A_946 : vector<1x512xf32>
    %convert_element_type3A_948 = arith.extui %lt3A_947 : vector<1x512xi1> to vector<1x512xi32>
    %convert_element_type3A_949 = arith.sitofp %convert_element_type3A_948 : vector<1x512xi32> to vector<1x512xf32>
    %mul3A_950 = arith.constant 2.000000e+00 : f32
    %mul3A_951 = vector.broadcast %mul3A_950 : f32 to vector<1x512xf32>
    %mul3A_952 = arith.mulf %mul3A_951, %convert_element_type3A_949 : vector<1x512xf32>
    %sub3A_953 = arith.constant 1.000000e+00 : f32
    %sub3A_954 = vector.broadcast %sub3A_953 : f32 to vector<1x512xf32>
    %sub3A_955 = arith.subf %mul3A_952, %sub3A_954 : vector<1x512xf32>
    %mul3A_956 = arith.mulf %sub3A_955, %neg3A_937 : vector<1x512xf32>
    %mul3A_957 = arith.constant 2 : i32
    %mul3A_958 = vector.broadcast %mul3A_957 : i32 to vector<1x512xi32>
    %mul3A_959 = arith.muli %mul3A_958, %add3A_796 : vector<1x512xi32>
    %convert_element_type3A_960 = arith.extui %lt3A_947 : vector<1x512xi1> to vector<1x512xi32>
    %add3A_961 = arith.addi %mul3A_959, %convert_element_type3A_960 : vector<1x512xi32>
    %neg3A_962 = arith.constant 0.000000e+00 : f32
    %neg3A_963 = vector.broadcast %neg3A_962 : f32 to vector<1x512xf32>
    %neg3A_964 = arith.subf %neg3A_963, %neg3A_817 : vector<1x512xf32>
    %neg3A_965 = arith.constant 0.000000e+00 : f32
    %neg3A_966 = vector.broadcast %neg3A_965 : f32 to vector<1x512xf32>
    %neg3A_967 = arith.subf %neg3A_966, %mul3A_956 : vector<1x512xf32>
    %max3A_968 = arith.maximumf %neg3A_964, %neg3A_967 : vector<1x512xf32>
    %sub3A_969 = arith.subf %neg3A_964, %neg3A_967 : vector<1x512xf32>
    %ne3A_970 = arith.cmpf one, %sub3A_969, %sub3A_969 : vector<1x512xf32>
    %add3A_971 = arith.addf %neg3A_964, %neg3A_967 : vector<1x512xf32>
    %abs3A_972 = math.absf %sub3A_969 : vector<1x512xf32>
    %neg3A_973 = arith.constant 0.000000e+00 : f32
    %neg3A_974 = vector.broadcast %neg3A_973 : f32 to vector<1x512xf32>
    %neg3A_975 = arith.subf %neg3A_974, %abs3A_972 : vector<1x512xf32>
    %exp3A_976 = math.exp %neg3A_975 : vector<1x512xf32>
    %log1p3A_977 = math.log1p %exp3A_976 : vector<1x512xf32>
    %add3A_978 = arith.addf %max3A_968, %log1p3A_977 : vector<1x512xf32>
    %select_n3A_979 = arith.select %ne3A_970, %add3A_971, %add3A_978 : vector<1x512xi1>, vector<1x512xf32>
    %neg3A_980 = arith.constant 0.000000e+00 : f32
    %neg3A_981 = vector.broadcast %neg3A_980 : f32 to vector<1x512xf32>
    %neg3A_982 = arith.subf %neg3A_981, %select_n3A_979 : vector<1x512xf32>
    %mul3A_983 = arith.constant 64 : i32
    %mul3A_984 = vector.broadcast %mul3A_983 : i32 to vector<1x512xi32>
    %mul3A_985 = arith.muli %select_n3A_27, %mul3A_984 : vector<1x512xi32>
    %add3A_986 = arith.addi %mul3A_985, %add3A_961 : vector<1x512xi32>
    %iota3A_987 = tpu.iota {dimensions = array<i32: 0>} : vector<256x512xi32>
    %eq3A_988 = vector.broadcast %add3A_986 : vector<1x512xi32> to vector<256x512xi32>
    %eq3A_989 = arith.cmpi eq, %iota3A_987, %eq3A_988 : vector<256x512xi32>
    %convert_element_type3A_990 = arith.extui %eq3A_989 : vector<256x512xi1> to vector<256x512xi32>
    %convert_element_type3A_991 = arith.sitofp %convert_element_type3A_990 : vector<256x512xi32> to vector<256x512xf32>
    %get3A_992 = arith.constant 0 : index
    %get3A_993 = arith.constant 252 : index
    %get3A_994 = vector.load %arg6[%get3A_992, %get3A_993] : memref<64x1024xf32, #tpu.memory_space<vmem>>, vector<64x256xf32>
    %slice3A_995 = vector.extract_strided_slice %get3A_994 {offsets = [0, 0], sizes = [16, 256], strides = [1, 1]} : vector<64x256xf32> to vector<16x256xf32>
    %dot_general3A_996 = arith.constant dense<0.000000e+00> : vector<16x512xf32>
    %dot_general3A_997 = tpu.matmul %slice3A_995, %convert_element_type3A_991, %dot_general3A_996 {dimension_numbers = #tpu.dot_dimension_numbers<[1], [0], [0], [1], [0, 0, 1, 1], [], []>, transpose_lhs_hint = false} : vector<16x256xf32>, vector<256x512xf32>, vector<16x512xf32> -> vector<16x512xf32>
    %convert_element_type3A_998 = arith.fptosi %dot_general3A_997 : vector<16x512xf32> to vector<16x512xi32>
    %shift_left3A_999 = arith.constant 0 : i32
    %shift_left3A_1000 = vector.broadcast %shift_left3A_999 : i32 to vector<16x512xi32>
    %shift_left3A_1001 = arith.shli %convert_element_type3A_998, %shift_left3A_1000 : vector<16x512xi32>
    %slice3A_1002 = vector.extract_strided_slice %get3A_994 {offsets = [16, 0], sizes = [16, 256], strides = [1, 1]} : vector<64x256xf32> to vector<16x256xf32>
    %dot_general3A_1003 = arith.constant dense<0.000000e+00> : vector<16x512xf32>
    %dot_general3A_1004 = tpu.matmul %slice3A_1002, %convert_element_type3A_991, %dot_general3A_1003 {dimension_numbers = #tpu.dot_dimension_numbers<[1], [0], [0], [1], [0, 0, 1, 1], [], []>, transpose_lhs_hint = false} : vector<16x256xf32>, vector<256x512xf32>, vector<16x512xf32> -> vector<16x512xf32>
    %convert_element_type3A_1005 = arith.fptosi %dot_general3A_1004 : vector<16x512xf32> to vector<16x512xi32>
    %shift_left3A_1006 = arith.constant 8 : i32
    %shift_left3A_1007 = vector.broadcast %shift_left3A_1006 : i32 to vector<16x512xi32>
    %shift_left3A_1008 = arith.shli %convert_element_type3A_1005, %shift_left3A_1007 : vector<16x512xi32>
    %or3A_1009 = arith.ori %shift_left3A_1001, %shift_left3A_1008 : vector<16x512xi32>
    %slice3A_1010 = vector.extract_strided_slice %get3A_994 {offsets = [32, 0], sizes = [16, 256], strides = [1, 1]} : vector<64x256xf32> to vector<16x256xf32>
    %dot_general3A_1011 = arith.constant dense<0.000000e+00> : vector<16x512xf32>
    %dot_general3A_1012 = tpu.matmul %slice3A_1010, %convert_element_type3A_991, %dot_general3A_1011 {dimension_numbers = #tpu.dot_dimension_numbers<[1], [0], [0], [1], [0, 0, 1, 1], [], []>, transpose_lhs_hint = false} : vector<16x256xf32>, vector<256x512xf32>, vector<16x512xf32> -> vector<16x512xf32>
    %convert_element_type3A_1013 = arith.fptosi %dot_general3A_1012 : vector<16x512xf32> to vector<16x512xi32>
    %shift_left3A_1014 = arith.constant 16 : i32
    %shift_left3A_1015 = vector.broadcast %shift_left3A_1014 : i32 to vector<16x512xi32>
    %shift_left3A_1016 = arith.shli %convert_element_type3A_1013, %shift_left3A_1015 : vector<16x512xi32>
    %or3A_1017 = arith.ori %or3A_1009, %shift_left3A_1016 : vector<16x512xi32>
    %slice3A_1018 = vector.extract_strided_slice %get3A_994 {offsets = [48, 0], sizes = [16, 256], strides = [1, 1]} : vector<64x256xf32> to vector<16x256xf32>
    %dot_general3A_1019 = arith.constant dense<0.000000e+00> : vector<16x512xf32>
    %dot_general3A_1020 = tpu.matmul %slice3A_1018, %convert_element_type3A_991, %dot_general3A_1019 {dimension_numbers = #tpu.dot_dimension_numbers<[1], [0], [0], [1], [0, 0, 1, 1], [], []>, transpose_lhs_hint = false} : vector<16x256xf32>, vector<256x512xf32>, vector<16x512xf32> -> vector<16x512xf32>
    %convert_element_type3A_1021 = arith.fptosi %dot_general3A_1020 : vector<16x512xf32> to vector<16x512xi32>
    %shift_left3A_1022 = arith.constant 24 : i32
    %shift_left3A_1023 = vector.broadcast %shift_left3A_1022 : i32 to vector<16x512xi32>
    %shift_left3A_1024 = arith.shli %convert_element_type3A_1021, %shift_left3A_1023 : vector<16x512xi32>
    %or3A_1025 = arith.ori %or3A_1017, %shift_left3A_1024 : vector<16x512xi32>
    %bitcast_convert_type3A_1026 = tpu.bitcast %or3A_1025 : vector<16x512xi32> -> vector<16x512xf32>
    %get3A_1027 = arith.constant 96 : index
    %get3A_1028 = arith.constant 0 : index
    %get3A_1029 = vector.load %arg3[%get3A_1027, %get3A_1028] : memref<128x512xf32, #tpu.memory_space<vmem>>, vector<16x512xf32>
    %lt3A_1030 = arith.cmpf olt, %get3A_1029, %bitcast_convert_type3A_1026 : vector<16x512xf32>
    %convert_element_type3A_1031 = arith.extui %lt3A_1030 : vector<16x512xi1> to vector<16x512xi32>
    %convert_element_type3A_1032 = arith.sitofp %convert_element_type3A_1031 : vector<16x512xi32> to vector<16x512xf32>
    %slice3A_1033 = vector.extract_strided_slice %convert_element_type3A_1032 {offsets = [0, 0], sizes = [8, 512], strides = [1, 1]} : vector<16x512xf32> to vector<8x512xf32>
    %slice3A_1034 = vector.extract_strided_slice %convert_element_type3A_1032 {offsets = [8, 0], sizes = [8, 512], strides = [1, 1]} : vector<16x512xf32> to vector<8x512xf32>
    %neg3A_1035 = arith.constant 0.000000e+00 : f32
    %neg3A_1036 = vector.broadcast %neg3A_1035 : f32 to vector<8x512xf32>
    %neg3A_1037 = arith.subf %neg3A_1036, %slice3A_1033 : vector<8x512xf32>
    %max3A_1038 = arith.maximumf %neg3A_1037, %mul3A_9 : vector<8x512xf32>
    %sub3A_1039 = arith.subf %neg3A_1037, %mul3A_9 : vector<8x512xf32>
    %ne3A_1040 = arith.cmpf one, %sub3A_1039, %sub3A_1039 : vector<8x512xf32>
    %add3A_1041 = arith.addf %neg3A_1037, %mul3A_9 : vector<8x512xf32>
    %abs3A_1042 = math.absf %sub3A_1039 : vector<8x512xf32>
    %neg3A_1043 = arith.constant 0.000000e+00 : f32
    %neg3A_1044 = vector.broadcast %neg3A_1043 : f32 to vector<8x512xf32>
    %neg3A_1045 = arith.subf %neg3A_1044, %abs3A_1042 : vector<8x512xf32>
    %exp3A_1046 = math.exp %neg3A_1045 : vector<8x512xf32>
    %log1p3A_1047 = math.log1p %exp3A_1046 : vector<8x512xf32>
    %add3A_1048 = arith.addf %max3A_1038, %log1p3A_1047 : vector<8x512xf32>
    %select_n3A_1049 = arith.select %ne3A_1040, %add3A_1041, %add3A_1048 : vector<8x512xi1>, vector<8x512xf32>
    %neg3A_1050 = arith.constant 0.000000e+00 : f32
    %neg3A_1051 = vector.broadcast %neg3A_1050 : f32 to vector<8x512xf32>
    %neg3A_1052 = arith.subf %neg3A_1051, %select_n3A_1049 : vector<8x512xf32>
    %neg3A_1053 = arith.constant 0.000000e+00 : f32
    %neg3A_1054 = vector.broadcast %neg3A_1053 : f32 to vector<8x512xf32>
    %neg3A_1055 = arith.subf %neg3A_1054, %slice3A_1034 : vector<8x512xf32>
    %neg3A_1056 = arith.constant 0.000000e+00 : f32
    %neg3A_1057 = vector.broadcast %neg3A_1056 : f32 to vector<8x512xf32>
    %neg3A_1058 = arith.subf %neg3A_1057, %mul3A_9 : vector<8x512xf32>
    %max3A_1059 = arith.maximumf %neg3A_1055, %neg3A_1058 : vector<8x512xf32>
    %sub3A_1060 = arith.subf %neg3A_1055, %neg3A_1058 : vector<8x512xf32>
    %ne3A_1061 = arith.cmpf one, %sub3A_1060, %sub3A_1060 : vector<8x512xf32>
    %add3A_1062 = arith.addf %neg3A_1055, %neg3A_1058 : vector<8x512xf32>
    %abs3A_1063 = math.absf %sub3A_1060 : vector<8x512xf32>
    %neg3A_1064 = arith.constant 0.000000e+00 : f32
    %neg3A_1065 = vector.broadcast %neg3A_1064 : f32 to vector<8x512xf32>
    %neg3A_1066 = arith.subf %neg3A_1065, %abs3A_1063 : vector<8x512xf32>
    %exp3A_1067 = math.exp %neg3A_1066 : vector<8x512xf32>
    %log1p3A_1068 = math.log1p %exp3A_1067 : vector<8x512xf32>
    %add3A_1069 = arith.addf %max3A_1059, %log1p3A_1068 : vector<8x512xf32>
    %select_n3A_1070 = arith.select %ne3A_1061, %add3A_1062, %add3A_1069 : vector<8x512xi1>, vector<8x512xf32>
    %neg3A_1071 = arith.constant 0.000000e+00 : f32
    %neg3A_1072 = vector.broadcast %neg3A_1071 : f32 to vector<8x512xf32>
    %neg3A_1073 = arith.subf %neg3A_1072, %select_n3A_1070 : vector<8x512xf32>
    %max3A_1074 = arith.maximumf %neg3A_1052, %neg3A_1073 : vector<8x512xf32>
    %sub3A_1075 = arith.subf %neg3A_1052, %neg3A_1073 : vector<8x512xf32>
    %ne3A_1076 = arith.cmpf one, %sub3A_1075, %sub3A_1075 : vector<8x512xf32>
    %add3A_1077 = arith.addf %neg3A_1052, %neg3A_1073 : vector<8x512xf32>
    %abs3A_1078 = math.absf %sub3A_1075 : vector<8x512xf32>
    %neg3A_1079 = arith.constant 0.000000e+00 : f32
    %neg3A_1080 = vector.broadcast %neg3A_1079 : f32 to vector<8x512xf32>
    %neg3A_1081 = arith.subf %neg3A_1080, %abs3A_1078 : vector<8x512xf32>
    %exp3A_1082 = math.exp %neg3A_1081 : vector<8x512xf32>
    %log1p3A_1083 = math.log1p %exp3A_1082 : vector<8x512xf32>
    %add3A_1084 = arith.addf %max3A_1074, %log1p3A_1083 : vector<8x512xf32>
    %select_n3A_1085 = arith.select %ne3A_1076, %add3A_1077, %add3A_1084 : vector<8x512xi1>, vector<8x512xf32>
    %neg3A_1086 = arith.constant 0.000000e+00 : f32
    %neg3A_1087 = vector.broadcast %neg3A_1086 : f32 to vector<8x512xf32>
    %neg3A_1088 = arith.subf %neg3A_1087, %select_n3A_1085 : vector<8x512xf32>
    %reduce_max3A_1089 = arith.constant dense<0xFF800000> : vector<512xf32>
    %reduce_max3A_1090 = vector.multi_reduction <maximumf>, %neg3A_1088, %reduce_max3A_1089 [0] : vector<8x512xf32> to vector<512xf32>
    %broadcast_in_dim3A_1091 = vector.shape_cast %reduce_max3A_1090 : vector<512xf32> to vector<1x512xf32>
    %sub3A_1092 = vector.broadcast %broadcast_in_dim3A_1091 : vector<1x512xf32> to vector<8x512xf32>
    %sub3A_1093 = arith.subf %neg3A_1088, %sub3A_1092 : vector<8x512xf32>
    %exp3A_1094 = math.exp %sub3A_1093 : vector<8x512xf32>
    %reduce_sum3A_1095 = arith.constant dense<0.000000e+00> : vector<512xf32>
    %reduce_sum3A_1096 = vector.multi_reduction <add>, %exp3A_1094, %reduce_sum3A_1095 [0] : vector<8x512xf32> to vector<512xf32>
    %broadcast_in_dim3A_1097 = vector.shape_cast %reduce_sum3A_1096 : vector<512xf32> to vector<1x512xf32>
    %log3A_1098 = math.log %broadcast_in_dim3A_1097 : vector<1x512xf32>
    %add3A_1099 = arith.addf %log3A_1098, %broadcast_in_dim3A_1091 : vector<1x512xf32>
    %neg3A_1100 = arith.constant 0.000000e+00 : f32
    %neg3A_1101 = vector.broadcast %neg3A_1100 : f32 to vector<1x512xf32>
    %neg3A_1102 = arith.subf %neg3A_1101, %add3A_1099 : vector<1x512xf32>
    %get3A_1103 = arith.constant 6 : index
    %get3A_1104 = arith.constant 0 : index
    %get3A_1105 = vector.load %arg4[%get3A_1103, %get3A_1104] : memref<8x512xf32, #tpu.memory_space<vmem>>, vector<1x512xf32>
    %logistic3A_1106 = arith.negf %neg3A_1102 : vector<1x512xf32>
    %logistic3A_1107 = math.exp %logistic3A_1106 : vector<1x512xf32>
    %logistic3A_1108 = arith.constant 1.000000e+00 : f32
    %logistic3A_1109 = vector.broadcast %logistic3A_1108 : f32 to vector<1x512xf32>
    %logistic3A_1110 = arith.addf %logistic3A_1109, %logistic3A_1107 : vector<1x512xf32>
    %logistic3A_1111 = arith.divf %logistic3A_1109, %logistic3A_1110 : vector<1x512xf32>
    %lt3A_1112 = arith.cmpf olt, %get3A_1105, %logistic3A_1111 : vector<1x512xf32>
    %convert_element_type3A_1113 = arith.extui %lt3A_1112 : vector<1x512xi1> to vector<1x512xi32>
    %convert_element_type3A_1114 = arith.sitofp %convert_element_type3A_1113 : vector<1x512xi32> to vector<1x512xf32>
    %mul3A_1115 = arith.constant 2.000000e+00 : f32
    %mul3A_1116 = vector.broadcast %mul3A_1115 : f32 to vector<1x512xf32>
    %mul3A_1117 = arith.mulf %mul3A_1116, %convert_element_type3A_1114 : vector<1x512xf32>
    %sub3A_1118 = arith.constant 1.000000e+00 : f32
    %sub3A_1119 = vector.broadcast %sub3A_1118 : f32 to vector<1x512xf32>
    %sub3A_1120 = arith.subf %mul3A_1117, %sub3A_1119 : vector<1x512xf32>
    %mul3A_1121 = arith.mulf %sub3A_1120, %neg3A_1102 : vector<1x512xf32>
    %mul3A_1122 = arith.constant 2 : i32
    %mul3A_1123 = vector.broadcast %mul3A_1122 : i32 to vector<1x512xi32>
    %mul3A_1124 = arith.muli %mul3A_1123, %add3A_961 : vector<1x512xi32>
    %convert_element_type3A_1125 = arith.extui %lt3A_1112 : vector<1x512xi1> to vector<1x512xi32>
    %add3A_1126 = arith.addi %mul3A_1124, %convert_element_type3A_1125 : vector<1x512xi32>
    %neg3A_1127 = arith.constant 0.000000e+00 : f32
    %neg3A_1128 = vector.broadcast %neg3A_1127 : f32 to vector<1x512xf32>
    %neg3A_1129 = arith.subf %neg3A_1128, %neg3A_982 : vector<1x512xf32>
    %neg3A_1130 = arith.constant 0.000000e+00 : f32
    %neg3A_1131 = vector.broadcast %neg3A_1130 : f32 to vector<1x512xf32>
    %neg3A_1132 = arith.subf %neg3A_1131, %mul3A_1121 : vector<1x512xf32>
    %max3A_1133 = arith.maximumf %neg3A_1129, %neg3A_1132 : vector<1x512xf32>
    %sub3A_1134 = arith.subf %neg3A_1129, %neg3A_1132 : vector<1x512xf32>
    %ne3A_1135 = arith.cmpf one, %sub3A_1134, %sub3A_1134 : vector<1x512xf32>
    %add3A_1136 = arith.addf %neg3A_1129, %neg3A_1132 : vector<1x512xf32>
    %abs3A_1137 = math.absf %sub3A_1134 : vector<1x512xf32>
    %neg3A_1138 = arith.constant 0.000000e+00 : f32
    %neg3A_1139 = vector.broadcast %neg3A_1138 : f32 to vector<1x512xf32>
    %neg3A_1140 = arith.subf %neg3A_1139, %abs3A_1137 : vector<1x512xf32>
    %exp3A_1141 = math.exp %neg3A_1140 : vector<1x512xf32>
    %log1p3A_1142 = math.log1p %exp3A_1141 : vector<1x512xf32>
    %add3A_1143 = arith.addf %max3A_1133, %log1p3A_1142 : vector<1x512xf32>
    %select_n3A_1144 = arith.select %ne3A_1135, %add3A_1136, %add3A_1143 : vector<1x512xi1>, vector<1x512xf32>
    %neg3A_1145 = arith.constant 0.000000e+00 : f32
    %neg3A_1146 = vector.broadcast %neg3A_1145 : f32 to vector<1x512xf32>
    %neg3A_1147 = arith.subf %neg3A_1146, %select_n3A_1144 : vector<1x512xf32>
    %mul3A_1148 = arith.constant 128 : i32
    %mul3A_1149 = vector.broadcast %mul3A_1148 : i32 to vector<1x512xi32>
    %mul3A_1150 = arith.muli %select_n3A_27, %mul3A_1149 : vector<1x512xi32>
    %add3A_1151 = arith.addi %mul3A_1150, %add3A_1126 : vector<1x512xi32>
    %iota3A_1152 = tpu.iota {dimensions = array<i32: 0>} : vector<512x512xi32>
    %eq3A_1153 = vector.broadcast %add3A_1151 : vector<1x512xi32> to vector<512x512xi32>
    %eq3A_1154 = arith.cmpi eq, %iota3A_1152, %eq3A_1153 : vector<512x512xi32>
    %convert_element_type3A_1155 = arith.extui %eq3A_1154 : vector<512x512xi1> to vector<512x512xi32>
    %convert_element_type3A_1156 = arith.sitofp %convert_element_type3A_1155 : vector<512x512xi32> to vector<512x512xf32>
    %get3A_1157 = arith.constant 0 : index
    %get3A_1158 = arith.constant 508 : index
    %get3A_1159 = vector.load %arg6[%get3A_1157, %get3A_1158] : memref<64x1024xf32, #tpu.memory_space<vmem>>, vector<64x512xf32>
    %slice3A_1160 = vector.extract_strided_slice %get3A_1159 {offsets = [0, 0], sizes = [16, 512], strides = [1, 1]} : vector<64x512xf32> to vector<16x512xf32>
    %dot_general3A_1161 = arith.constant dense<0.000000e+00> : vector<16x512xf32>
    %dot_general3A_1162 = tpu.matmul %slice3A_1160, %convert_element_type3A_1156, %dot_general3A_1161 {dimension_numbers = #tpu.dot_dimension_numbers<[1], [0], [0], [1], [0, 0, 1, 1], [], []>, transpose_lhs_hint = false} : vector<16x512xf32>, vector<512x512xf32>, vector<16x512xf32> -> vector<16x512xf32>
    %convert_element_type3A_1163 = arith.fptosi %dot_general3A_1162 : vector<16x512xf32> to vector<16x512xi32>
    %shift_left3A_1164 = arith.constant 0 : i32
    %shift_left3A_1165 = vector.broadcast %shift_left3A_1164 : i32 to vector<16x512xi32>
    %shift_left3A_1166 = arith.shli %convert_element_type3A_1163, %shift_left3A_1165 : vector<16x512xi32>
    %slice3A_1167 = vector.extract_strided_slice %get3A_1159 {offsets = [16, 0], sizes = [16, 512], strides = [1, 1]} : vector<64x512xf32> to vector<16x512xf32>
    %dot_general3A_1168 = arith.constant dense<0.000000e+00> : vector<16x512xf32>
    %dot_general3A_1169 = tpu.matmul %slice3A_1167, %convert_element_type3A_1156, %dot_general3A_1168 {dimension_numbers = #tpu.dot_dimension_numbers<[1], [0], [0], [1], [0, 0, 1, 1], [], []>, transpose_lhs_hint = false} : vector<16x512xf32>, vector<512x512xf32>, vector<16x512xf32> -> vector<16x512xf32>
    %convert_element_type3A_1170 = arith.fptosi %dot_general3A_1169 : vector<16x512xf32> to vector<16x512xi32>
    %shift_left3A_1171 = arith.constant 8 : i32
    %shift_left3A_1172 = vector.broadcast %shift_left3A_1171 : i32 to vector<16x512xi32>
    %shift_left3A_1173 = arith.shli %convert_element_type3A_1170, %shift_left3A_1172 : vector<16x512xi32>
    %or3A_1174 = arith.ori %shift_left3A_1166, %shift_left3A_1173 : vector<16x512xi32>
    %slice3A_1175 = vector.extract_strided_slice %get3A_1159 {offsets = [32, 0], sizes = [16, 512], strides = [1, 1]} : vector<64x512xf32> to vector<16x512xf32>
    %dot_general3A_1176 = arith.constant dense<0.000000e+00> : vector<16x512xf32>
    %dot_general3A_1177 = tpu.matmul %slice3A_1175, %convert_element_type3A_1156, %dot_general3A_1176 {dimension_numbers = #tpu.dot_dimension_numbers<[1], [0], [0], [1], [0, 0, 1, 1], [], []>, transpose_lhs_hint = false} : vector<16x512xf32>, vector<512x512xf32>, vector<16x512xf32> -> vector<16x512xf32>
    %convert_element_type3A_1178 = arith.fptosi %dot_general3A_1177 : vector<16x512xf32> to vector<16x512xi32>
    %shift_left3A_1179 = arith.constant 16 : i32
    %shift_left3A_1180 = vector.broadcast %shift_left3A_1179 : i32 to vector<16x512xi32>
    %shift_left3A_1181 = arith.shli %convert_element_type3A_1178, %shift_left3A_1180 : vector<16x512xi32>
    %or3A_1182 = arith.ori %or3A_1174, %shift_left3A_1181 : vector<16x512xi32>
    %slice3A_1183 = vector.extract_strided_slice %get3A_1159 {offsets = [48, 0], sizes = [16, 512], strides = [1, 1]} : vector<64x512xf32> to vector<16x512xf32>
    %dot_general3A_1184 = arith.constant dense<0.000000e+00> : vector<16x512xf32>
    %dot_general3A_1185 = tpu.matmul %slice3A_1183, %convert_element_type3A_1156, %dot_general3A_1184 {dimension_numbers = #tpu.dot_dimension_numbers<[1], [0], [0], [1], [0, 0, 1, 1], [], []>, transpose_lhs_hint = false} : vector<16x512xf32>, vector<512x512xf32>, vector<16x512xf32> -> vector<16x512xf32>
    %convert_element_type3A_1186 = arith.fptosi %dot_general3A_1185 : vector<16x512xf32> to vector<16x512xi32>
    %shift_left3A_1187 = arith.constant 24 : i32
    %shift_left3A_1188 = vector.broadcast %shift_left3A_1187 : i32 to vector<16x512xi32>
    %shift_left3A_1189 = arith.shli %convert_element_type3A_1186, %shift_left3A_1188 : vector<16x512xi32>
    %or3A_1190 = arith.ori %or3A_1182, %shift_left3A_1189 : vector<16x512xi32>
    %bitcast_convert_type3A_1191 = tpu.bitcast %or3A_1190 : vector<16x512xi32> -> vector<16x512xf32>
    %get3A_1192 = arith.constant 112 : index
    %get3A_1193 = arith.constant 0 : index
    %get3A_1194 = vector.load %arg3[%get3A_1192, %get3A_1193] : memref<128x512xf32, #tpu.memory_space<vmem>>, vector<16x512xf32>
    %lt3A_1195 = arith.cmpf olt, %get3A_1194, %bitcast_convert_type3A_1191 : vector<16x512xf32>
    %convert_element_type3A_1196 = arith.extui %lt3A_1195 : vector<16x512xi1> to vector<16x512xi32>
    %convert_element_type3A_1197 = arith.sitofp %convert_element_type3A_1196 : vector<16x512xi32> to vector<16x512xf32>
    %slice3A_1198 = vector.extract_strided_slice %convert_element_type3A_1197 {offsets = [0, 0], sizes = [8, 512], strides = [1, 1]} : vector<16x512xf32> to vector<8x512xf32>
    %slice3A_1199 = vector.extract_strided_slice %convert_element_type3A_1197 {offsets = [8, 0], sizes = [8, 512], strides = [1, 1]} : vector<16x512xf32> to vector<8x512xf32>
    %neg3A_1200 = arith.constant 0.000000e+00 : f32
    %neg3A_1201 = vector.broadcast %neg3A_1200 : f32 to vector<8x512xf32>
    %neg3A_1202 = arith.subf %neg3A_1201, %slice3A_1198 : vector<8x512xf32>
    %max3A_1203 = arith.maximumf %neg3A_1202, %mul3A_9 : vector<8x512xf32>
    %sub3A_1204 = arith.subf %neg3A_1202, %mul3A_9 : vector<8x512xf32>
    %ne3A_1205 = arith.cmpf one, %sub3A_1204, %sub3A_1204 : vector<8x512xf32>
    %add3A_1206 = arith.addf %neg3A_1202, %mul3A_9 : vector<8x512xf32>
    %abs3A_1207 = math.absf %sub3A_1204 : vector<8x512xf32>
    %neg3A_1208 = arith.constant 0.000000e+00 : f32
    %neg3A_1209 = vector.broadcast %neg3A_1208 : f32 to vector<8x512xf32>
    %neg3A_1210 = arith.subf %neg3A_1209, %abs3A_1207 : vector<8x512xf32>
    %exp3A_1211 = math.exp %neg3A_1210 : vector<8x512xf32>
    %log1p3A_1212 = math.log1p %exp3A_1211 : vector<8x512xf32>
    %add3A_1213 = arith.addf %max3A_1203, %log1p3A_1212 : vector<8x512xf32>
    %select_n3A_1214 = arith.select %ne3A_1205, %add3A_1206, %add3A_1213 : vector<8x512xi1>, vector<8x512xf32>
    %neg3A_1215 = arith.constant 0.000000e+00 : f32
    %neg3A_1216 = vector.broadcast %neg3A_1215 : f32 to vector<8x512xf32>
    %neg3A_1217 = arith.subf %neg3A_1216, %select_n3A_1214 : vector<8x512xf32>
    %neg3A_1218 = arith.constant 0.000000e+00 : f32
    %neg3A_1219 = vector.broadcast %neg3A_1218 : f32 to vector<8x512xf32>
    %neg3A_1220 = arith.subf %neg3A_1219, %slice3A_1199 : vector<8x512xf32>
    %neg3A_1221 = arith.constant 0.000000e+00 : f32
    %neg3A_1222 = vector.broadcast %neg3A_1221 : f32 to vector<8x512xf32>
    %neg3A_1223 = arith.subf %neg3A_1222, %mul3A_9 : vector<8x512xf32>
    %max3A_1224 = arith.maximumf %neg3A_1220, %neg3A_1223 : vector<8x512xf32>
    %sub3A_1225 = arith.subf %neg3A_1220, %neg3A_1223 : vector<8x512xf32>
    %ne3A_1226 = arith.cmpf one, %sub3A_1225, %sub3A_1225 : vector<8x512xf32>
    %add3A_1227 = arith.addf %neg3A_1220, %neg3A_1223 : vector<8x512xf32>
    %abs3A_1228 = math.absf %sub3A_1225 : vector<8x512xf32>
    %neg3A_1229 = arith.constant 0.000000e+00 : f32
    %neg3A_1230 = vector.broadcast %neg3A_1229 : f32 to vector<8x512xf32>
    %neg3A_1231 = arith.subf %neg3A_1230, %abs3A_1228 : vector<8x512xf32>
    %exp3A_1232 = math.exp %neg3A_1231 : vector<8x512xf32>
    %log1p3A_1233 = math.log1p %exp3A_1232 : vector<8x512xf32>
    %add3A_1234 = arith.addf %max3A_1224, %log1p3A_1233 : vector<8x512xf32>
    %select_n3A_1235 = arith.select %ne3A_1226, %add3A_1227, %add3A_1234 : vector<8x512xi1>, vector<8x512xf32>
    %neg3A_1236 = arith.constant 0.000000e+00 : f32
    %neg3A_1237 = vector.broadcast %neg3A_1236 : f32 to vector<8x512xf32>
    %neg3A_1238 = arith.subf %neg3A_1237, %select_n3A_1235 : vector<8x512xf32>
    %max3A_1239 = arith.maximumf %neg3A_1217, %neg3A_1238 : vector<8x512xf32>
    %sub3A_1240 = arith.subf %neg3A_1217, %neg3A_1238 : vector<8x512xf32>
    %ne3A_1241 = arith.cmpf one, %sub3A_1240, %sub3A_1240 : vector<8x512xf32>
    %add3A_1242 = arith.addf %neg3A_1217, %neg3A_1238 : vector<8x512xf32>
    %abs3A_1243 = math.absf %sub3A_1240 : vector<8x512xf32>
    %neg3A_1244 = arith.constant 0.000000e+00 : f32
    %neg3A_1245 = vector.broadcast %neg3A_1244 : f32 to vector<8x512xf32>
    %neg3A_1246 = arith.subf %neg3A_1245, %abs3A_1243 : vector<8x512xf32>
    %exp3A_1247 = math.exp %neg3A_1246 : vector<8x512xf32>
    %log1p3A_1248 = math.log1p %exp3A_1247 : vector<8x512xf32>
    %add3A_1249 = arith.addf %max3A_1239, %log1p3A_1248 : vector<8x512xf32>
    %select_n3A_1250 = arith.select %ne3A_1241, %add3A_1242, %add3A_1249 : vector<8x512xi1>, vector<8x512xf32>
    %neg3A_1251 = arith.constant 0.000000e+00 : f32
    %neg3A_1252 = vector.broadcast %neg3A_1251 : f32 to vector<8x512xf32>
    %neg3A_1253 = arith.subf %neg3A_1252, %select_n3A_1250 : vector<8x512xf32>
    %reduce_max3A_1254 = arith.constant dense<0xFF800000> : vector<512xf32>
    %reduce_max3A_1255 = vector.multi_reduction <maximumf>, %neg3A_1253, %reduce_max3A_1254 [0] : vector<8x512xf32> to vector<512xf32>
    %broadcast_in_dim3A_1256 = vector.shape_cast %reduce_max3A_1255 : vector<512xf32> to vector<1x512xf32>
    %sub3A_1257 = vector.broadcast %broadcast_in_dim3A_1256 : vector<1x512xf32> to vector<8x512xf32>
    %sub3A_1258 = arith.subf %neg3A_1253, %sub3A_1257 : vector<8x512xf32>
    %exp3A_1259 = math.exp %sub3A_1258 : vector<8x512xf32>
    %reduce_sum3A_1260 = arith.constant dense<0.000000e+00> : vector<512xf32>
    %reduce_sum3A_1261 = vector.multi_reduction <add>, %exp3A_1259, %reduce_sum3A_1260 [0] : vector<8x512xf32> to vector<512xf32>
    %broadcast_in_dim3A_1262 = vector.shape_cast %reduce_sum3A_1261 : vector<512xf32> to vector<1x512xf32>
    %log3A_1263 = math.log %broadcast_in_dim3A_1262 : vector<1x512xf32>
    %add3A_1264 = arith.addf %log3A_1263, %broadcast_in_dim3A_1256 : vector<1x512xf32>
    %neg3A_1265 = arith.constant 0.000000e+00 : f32
    %neg3A_1266 = vector.broadcast %neg3A_1265 : f32 to vector<1x512xf32>
    %neg3A_1267 = arith.subf %neg3A_1266, %add3A_1264 : vector<1x512xf32>
    %get3A_1268 = arith.constant 7 : index
    %get3A_1269 = arith.constant 0 : index
    %get3A_1270 = vector.load %arg4[%get3A_1268, %get3A_1269] : memref<8x512xf32, #tpu.memory_space<vmem>>, vector<1x512xf32>
    %logistic3A_1271 = arith.negf %neg3A_1267 : vector<1x512xf32>
    %logistic3A_1272 = math.exp %logistic3A_1271 : vector<1x512xf32>
    %logistic3A_1273 = arith.constant 1.000000e+00 : f32
    %logistic3A_1274 = vector.broadcast %logistic3A_1273 : f32 to vector<1x512xf32>
    %logistic3A_1275 = arith.addf %logistic3A_1274, %logistic3A_1272 : vector<1x512xf32>
    %logistic3A_1276 = arith.divf %logistic3A_1274, %logistic3A_1275 : vector<1x512xf32>
    %lt3A_1277 = arith.cmpf olt, %get3A_1270, %logistic3A_1276 : vector<1x512xf32>
    %convert_element_type3A_1278 = arith.extui %lt3A_1277 : vector<1x512xi1> to vector<1x512xi32>
    %convert_element_type3A_1279 = arith.sitofp %convert_element_type3A_1278 : vector<1x512xi32> to vector<1x512xf32>
    %mul3A_1280 = arith.constant 2.000000e+00 : f32
    %mul3A_1281 = vector.broadcast %mul3A_1280 : f32 to vector<1x512xf32>
    %mul3A_1282 = arith.mulf %mul3A_1281, %convert_element_type3A_1279 : vector<1x512xf32>
    %sub3A_1283 = arith.constant 1.000000e+00 : f32
    %sub3A_1284 = vector.broadcast %sub3A_1283 : f32 to vector<1x512xf32>
    %sub3A_1285 = arith.subf %mul3A_1282, %sub3A_1284 : vector<1x512xf32>
    %mul3A_1286 = arith.mulf %sub3A_1285, %neg3A_1267 : vector<1x512xf32>
    %mul3A_1287 = arith.constant 2 : i32
    %mul3A_1288 = vector.broadcast %mul3A_1287 : i32 to vector<1x512xi32>
    %mul3A_1289 = arith.muli %mul3A_1288, %add3A_1126 : vector<1x512xi32>
    %convert_element_type3A_1290 = arith.extui %lt3A_1277 : vector<1x512xi1> to vector<1x512xi32>
    %add3A_1291 = arith.addi %mul3A_1289, %convert_element_type3A_1290 : vector<1x512xi32>
    %neg3A_1292 = arith.constant 0.000000e+00 : f32
    %neg3A_1293 = vector.broadcast %neg3A_1292 : f32 to vector<1x512xf32>
    %neg3A_1294 = arith.subf %neg3A_1293, %neg3A_1147 : vector<1x512xf32>
    %neg3A_1295 = arith.constant 0.000000e+00 : f32
    %neg3A_1296 = vector.broadcast %neg3A_1295 : f32 to vector<1x512xf32>
    %neg3A_1297 = arith.subf %neg3A_1296, %mul3A_1286 : vector<1x512xf32>
    %max3A_1298 = arith.maximumf %neg3A_1294, %neg3A_1297 : vector<1x512xf32>
    %sub3A_1299 = arith.subf %neg3A_1294, %neg3A_1297 : vector<1x512xf32>
    %ne3A_1300 = arith.cmpf one, %sub3A_1299, %sub3A_1299 : vector<1x512xf32>
    %add3A_1301 = arith.addf %neg3A_1294, %neg3A_1297 : vector<1x512xf32>
    %abs3A_1302 = math.absf %sub3A_1299 : vector<1x512xf32>
    %neg3A_1303 = arith.constant 0.000000e+00 : f32
    %neg3A_1304 = vector.broadcast %neg3A_1303 : f32 to vector<1x512xf32>
    %neg3A_1305 = arith.subf %neg3A_1304, %abs3A_1302 : vector<1x512xf32>
    %exp3A_1306 = math.exp %neg3A_1305 : vector<1x512xf32>
    %log1p3A_1307 = math.log1p %exp3A_1306 : vector<1x512xf32>
    %add3A_1308 = arith.addf %max3A_1298, %log1p3A_1307 : vector<1x512xf32>
    %select_n3A_1309 = arith.select %ne3A_1300, %add3A_1301, %add3A_1308 : vector<1x512xi1>, vector<1x512xf32>
    %neg3A_1310 = arith.constant 0.000000e+00 : f32
    %neg3A_1311 = vector.broadcast %neg3A_1310 : f32 to vector<1x512xf32>
    %neg3A_1312 = arith.subf %neg3A_1311, %select_n3A_1309 : vector<1x512xf32>
    %mul3A_1313 = arith.constant 256 : i32
    %mul3A_1314 = vector.broadcast %mul3A_1313 : i32 to vector<1x512xi32>
    %mul3A_1315 = arith.muli %select_n3A_27, %mul3A_1314 : vector<1x512xi32>
    %add3A_1316 = arith.addi %mul3A_1315, %add3A_1291 : vector<1x512xi32>
    %iota3A_1317 = tpu.iota {dimensions = array<i32: 0>} : vector<1024x512xi32>
    %eq3A_1318 = vector.broadcast %add3A_1316 : vector<1x512xi32> to vector<1024x512xi32>
    %eq3A_1319 = arith.cmpi eq, %iota3A_1317, %eq3A_1318 : vector<1024x512xi32>
    %convert_element_type3A_1320 = arith.extui %eq3A_1319 : vector<1024x512xi1> to vector<1024x512xi32>
    %convert_element_type3A_1321 = arith.sitofp %convert_element_type3A_1320 : vector<1024x512xi32> to vector<1024x512xf32>
    %get3A_1322 = arith.constant 0 : index
    %get3A_1323 = arith.constant 0 : index
    %get3A_1324 = vector.load %arg7[%get3A_1322, %get3A_1323] : memref<8x1024xf32, #tpu.memory_space<vmem>>, vector<8x1024xf32>
    %dot_general3A_1325 = arith.constant dense<0.000000e+00> : vector<8x512xf32>
    %dot_general3A_1326 = tpu.matmul %get3A_1324, %convert_element_type3A_1321, %dot_general3A_1325 {dimension_numbers = #tpu.dot_dimension_numbers<[1], [0], [0], [1], [0, 0, 1, 1], [], []>, transpose_lhs_hint = false} : vector<8x1024xf32>, vector<1024x512xf32>, vector<8x512xf32> -> vector<8x512xf32>
    %get3A_1327 = arith.constant 0 : index
    %get3A_1328 = arith.constant 0 : index
    %get3A_1329 = vector.load %arg8[%get3A_1327, %get3A_1328] : memref<64x1024xf32, #tpu.memory_space<vmem>>, vector<64x1024xf32>
    %slice3A_1330 = vector.extract_strided_slice %get3A_1329 {offsets = [0, 0], sizes = [16, 1024], strides = [1, 1]} : vector<64x1024xf32> to vector<16x1024xf32>
    %dot_general3A_1331 = arith.constant dense<0.000000e+00> : vector<16x512xf32>
    %dot_general3A_1332 = tpu.matmul %slice3A_1330, %convert_element_type3A_1321, %dot_general3A_1331 {dimension_numbers = #tpu.dot_dimension_numbers<[1], [0], [0], [1], [0, 0, 1, 1], [], []>, transpose_lhs_hint = false} : vector<16x1024xf32>, vector<1024x512xf32>, vector<16x512xf32> -> vector<16x512xf32>
    %convert_element_type3A_1333 = arith.fptosi %dot_general3A_1332 : vector<16x512xf32> to vector<16x512xi32>
    %shift_left3A_1334 = arith.constant 0 : i32
    %shift_left3A_1335 = vector.broadcast %shift_left3A_1334 : i32 to vector<16x512xi32>
    %shift_left3A_1336 = arith.shli %convert_element_type3A_1333, %shift_left3A_1335 : vector<16x512xi32>
    %slice3A_1337 = vector.extract_strided_slice %get3A_1329 {offsets = [16, 0], sizes = [16, 1024], strides = [1, 1]} : vector<64x1024xf32> to vector<16x1024xf32>
    %dot_general3A_1338 = arith.constant dense<0.000000e+00> : vector<16x512xf32>
    %dot_general3A_1339 = tpu.matmul %slice3A_1337, %convert_element_type3A_1321, %dot_general3A_1338 {dimension_numbers = #tpu.dot_dimension_numbers<[1], [0], [0], [1], [0, 0, 1, 1], [], []>, transpose_lhs_hint = false} : vector<16x1024xf32>, vector<1024x512xf32>, vector<16x512xf32> -> vector<16x512xf32>
    %convert_element_type3A_1340 = arith.fptosi %dot_general3A_1339 : vector<16x512xf32> to vector<16x512xi32>
    %shift_left3A_1341 = arith.constant 8 : i32
    %shift_left3A_1342 = vector.broadcast %shift_left3A_1341 : i32 to vector<16x512xi32>
    %shift_left3A_1343 = arith.shli %convert_element_type3A_1340, %shift_left3A_1342 : vector<16x512xi32>
    %or3A_1344 = arith.ori %shift_left3A_1336, %shift_left3A_1343 : vector<16x512xi32>
    %slice3A_1345 = vector.extract_strided_slice %get3A_1329 {offsets = [32, 0], sizes = [16, 1024], strides = [1, 1]} : vector<64x1024xf32> to vector<16x1024xf32>
    %dot_general3A_1346 = arith.constant dense<0.000000e+00> : vector<16x512xf32>
    %dot_general3A_1347 = tpu.matmul %slice3A_1345, %convert_element_type3A_1321, %dot_general3A_1346 {dimension_numbers = #tpu.dot_dimension_numbers<[1], [0], [0], [1], [0, 0, 1, 1], [], []>, transpose_lhs_hint = false} : vector<16x1024xf32>, vector<1024x512xf32>, vector<16x512xf32> -> vector<16x512xf32>
    %convert_element_type3A_1348 = arith.fptosi %dot_general3A_1347 : vector<16x512xf32> to vector<16x512xi32>
    %shift_left3A_1349 = arith.constant 16 : i32
    %shift_left3A_1350 = vector.broadcast %shift_left3A_1349 : i32 to vector<16x512xi32>
    %shift_left3A_1351 = arith.shli %convert_element_type3A_1348, %shift_left3A_1350 : vector<16x512xi32>
    %or3A_1352 = arith.ori %or3A_1344, %shift_left3A_1351 : vector<16x512xi32>
    %slice3A_1353 = vector.extract_strided_slice %get3A_1329 {offsets = [48, 0], sizes = [16, 1024], strides = [1, 1]} : vector<64x1024xf32> to vector<16x1024xf32>
    %dot_general3A_1354 = arith.constant dense<0.000000e+00> : vector<16x512xf32>
    %dot_general3A_1355 = tpu.matmul %slice3A_1353, %convert_element_type3A_1321, %dot_general3A_1354 {dimension_numbers = #tpu.dot_dimension_numbers<[1], [0], [0], [1], [0, 0, 1, 1], [], []>, transpose_lhs_hint = false} : vector<16x1024xf32>, vector<1024x512xf32>, vector<16x512xf32> -> vector<16x512xf32>
    %convert_element_type3A_1356 = arith.fptosi %dot_general3A_1355 : vector<16x512xf32> to vector<16x512xi32>
    %shift_left3A_1357 = arith.constant 24 : i32
    %shift_left3A_1358 = vector.broadcast %shift_left3A_1357 : i32 to vector<16x512xi32>
    %shift_left3A_1359 = arith.shli %convert_element_type3A_1356, %shift_left3A_1358 : vector<16x512xi32>
    %or3A_1360 = arith.ori %or3A_1352, %shift_left3A_1359 : vector<16x512xi32>
    %bitcast_convert_type3A_1361 = tpu.bitcast %or3A_1360 : vector<16x512xi32> -> vector<16x512xf32>
    %get3A_1362 = arith.constant 0 : index
    %get3A_1363 = arith.constant 0 : index
    %get3A_1364 = vector.load %arg5[%get3A_1362, %get3A_1363] : memref<8x512xf32, #tpu.memory_space<vmem>>, vector<4x512xf32>
    %slice3A_1365 = vector.extract_strided_slice %bitcast_convert_type3A_1361 {offsets = [0, 0], sizes = [4, 512], strides = [1, 1]} : vector<16x512xf32> to vector<4x512xf32>
    %lt3A_1366 = arith.cmpf olt, %get3A_1364, %slice3A_1365 : vector<4x512xf32>
    %convert_element_type3A_1367 = arith.extui %lt3A_1366 : vector<4x512xi1> to vector<4x512xi32>
    %convert_element_type3A_1368 = arith.sitofp %convert_element_type3A_1367 : vector<4x512xi32> to vector<4x512xf32>
    %mul3A_1369 = arith.constant 2.000000e+00 : f32
    %mul3A_1370 = vector.broadcast %mul3A_1369 : f32 to vector<4x512xf32>
    %mul3A_1371 = arith.mulf %mul3A_1370, %convert_element_type3A_1368 : vector<4x512xf32>
    %sub3A_1372 = arith.constant 1.000000e+00 : f32
    %sub3A_1373 = vector.broadcast %sub3A_1372 : f32 to vector<4x512xf32>
    %sub3A_1374 = arith.subf %mul3A_1371, %sub3A_1373 : vector<4x512xf32>
    %slice3A_1375 = vector.extract_strided_slice %dot_general3A_1326 {offsets = [0, 0], sizes = [4, 512], strides = [1, 1]} : vector<8x512xf32> to vector<4x512xf32>
    %mul3A_1376 = arith.mulf %sub3A_1374, %slice3A_1375 : vector<4x512xf32>
    %neg3A_1377 = arith.constant 0.000000e+00 : f32
    %neg3A_1378 = vector.broadcast %neg3A_1377 : f32 to vector<4x512xf32>
    %neg3A_1379 = arith.subf %neg3A_1378, %mul3A_1376 : vector<4x512xf32>
    %neg3A_1380 = arith.constant 0.000000e+00 : f32
    %neg3A_1381 = vector.broadcast %neg3A_1380 : f32 to vector<1x512xf32>
    %neg3A_1382 = arith.subf %neg3A_1381, %neg3A_1312 : vector<1x512xf32>
    %max3A_1383 = vector.broadcast %neg3A_1382 : vector<1x512xf32> to vector<4x512xf32>
    %max3A_1384 = arith.maximumf %neg3A_1379, %max3A_1383 : vector<4x512xf32>
    %sub3A_1385 = vector.broadcast %neg3A_1382 : vector<1x512xf32> to vector<4x512xf32>
    %sub3A_1386 = arith.subf %neg3A_1379, %sub3A_1385 : vector<4x512xf32>
    %ne3A_1387 = arith.cmpf one, %sub3A_1386, %sub3A_1386 : vector<4x512xf32>
    %add3A_1388 = vector.broadcast %neg3A_1382 : vector<1x512xf32> to vector<4x512xf32>
    %add3A_1389 = arith.addf %neg3A_1379, %add3A_1388 : vector<4x512xf32>
    %abs3A_1390 = math.absf %sub3A_1386 : vector<4x512xf32>
    %neg3A_1391 = arith.constant 0.000000e+00 : f32
    %neg3A_1392 = vector.broadcast %neg3A_1391 : f32 to vector<4x512xf32>
    %neg3A_1393 = arith.subf %neg3A_1392, %abs3A_1390 : vector<4x512xf32>
    %exp3A_1394 = math.exp %neg3A_1393 : vector<4x512xf32>
    %log1p3A_1395 = math.log1p %exp3A_1394 : vector<4x512xf32>
    %add3A_1396 = arith.addf %max3A_1384, %log1p3A_1395 : vector<4x512xf32>
    %select_n3A_1397 = arith.select %ne3A_1387, %add3A_1389, %add3A_1396 : vector<4x512xi1>, vector<4x512xf32>
    %neg3A_1398 = arith.constant 0.000000e+00 : f32
    %neg3A_1399 = vector.broadcast %neg3A_1398 : f32 to vector<4x512xf32>
    %neg3A_1400 = arith.subf %neg3A_1399, %select_n3A_1397 : vector<4x512xf32>
    %neg3A_1401 = arith.constant 0.000000e+00 : f32
    %neg3A_1402 = vector.broadcast %neg3A_1401 : f32 to vector<4x512xf32>
    %neg3A_1403 = arith.subf %neg3A_1402, %neg3A_1400 : vector<4x512xf32>
    %reduce_max3A_1404 = arith.constant dense<0xFF800000> : vector<512xf32>
    %reduce_max3A_1405 = vector.multi_reduction <maximumf>, %neg3A_1403, %reduce_max3A_1404 [0] : vector<4x512xf32> to vector<512xf32>
    %broadcast_in_dim3A_1406 = vector.shape_cast %reduce_max3A_1405 : vector<512xf32> to vector<1x512xf32>
    %sub3A_1407 = vector.broadcast %broadcast_in_dim3A_1406 : vector<1x512xf32> to vector<4x512xf32>
    %sub3A_1408 = arith.subf %neg3A_1403, %sub3A_1407 : vector<4x512xf32>
    %exp3A_1409 = math.exp %sub3A_1408 : vector<4x512xf32>
    %reduce_sum3A_1410 = arith.constant dense<0.000000e+00> : vector<512xf32>
    %reduce_sum3A_1411 = vector.multi_reduction <add>, %exp3A_1409, %reduce_sum3A_1410 [0] : vector<4x512xf32> to vector<512xf32>
    %broadcast_in_dim3A_1412 = vector.shape_cast %reduce_sum3A_1411 : vector<512xf32> to vector<1x512xf32>
    %log3A_1413 = math.log %broadcast_in_dim3A_1412 : vector<1x512xf32>
    %add3A_1414 = arith.addf %log3A_1413, %broadcast_in_dim3A_1406 : vector<1x512xf32>
    %neg3A_1415 = arith.constant 0.000000e+00 : f32
    %neg3A_1416 = vector.broadcast %neg3A_1415 : f32 to vector<1x512xf32>
    %neg3A_1417 = arith.subf %neg3A_1416, %add3A_1414 : vector<1x512xf32>
    %slice3A_1418 = vector.extract_strided_slice %convert_element_type3A_1368 {offsets = [0, 0], sizes = [1, 512], strides = [1, 1]} : vector<4x512xf32> to vector<1x512xf32>
    %mul3A_1419 = arith.constant 8.000000e+00 : f32
    %mul3A_1420 = vector.broadcast %mul3A_1419 : f32 to vector<1x512xf32>
    %mul3A_1421 = arith.mulf %mul3A_1420, %slice3A_1418 : vector<1x512xf32>
    %slice3A_1422 = vector.extract_strided_slice %convert_element_type3A_1368 {offsets = [1, 0], sizes = [1, 512], strides = [1, 1]} : vector<4x512xf32> to vector<1x512xf32>
    %mul3A_1423 = arith.constant 4.000000e+00 : f32
    %mul3A_1424 = vector.broadcast %mul3A_1423 : f32 to vector<1x512xf32>
    %mul3A_1425 = arith.mulf %mul3A_1424, %slice3A_1422 : vector<1x512xf32>
    %add3A_1426 = arith.addf %mul3A_1421, %mul3A_1425 : vector<1x512xf32>
    %slice3A_1427 = vector.extract_strided_slice %convert_element_type3A_1368 {offsets = [2, 0], sizes = [1, 512], strides = [1, 1]} : vector<4x512xf32> to vector<1x512xf32>
    %mul3A_1428 = arith.constant 2.000000e+00 : f32
    %mul3A_1429 = vector.broadcast %mul3A_1428 : f32 to vector<1x512xf32>
    %mul3A_1430 = arith.mulf %mul3A_1429, %slice3A_1427 : vector<1x512xf32>
    %add3A_1431 = arith.addf %add3A_1426, %mul3A_1430 : vector<1x512xf32>
    %slice3A_1432 = vector.extract_strided_slice %convert_element_type3A_1368 {offsets = [3, 0], sizes = [1, 512], strides = [1, 1]} : vector<4x512xf32> to vector<1x512xf32>
    %mul3A_1433 = arith.constant 1.000000e+00 : f32
    %mul3A_1434 = vector.broadcast %mul3A_1433 : f32 to vector<1x512xf32>
    %mul3A_1435 = arith.mulf %mul3A_1434, %slice3A_1432 : vector<1x512xf32>
    %add3A_1436 = arith.addf %add3A_1431, %mul3A_1435 : vector<1x512xf32>
    %broadcast_in_dim3A_1437 = arith.constant 0.000000e+00 : f32
    %broadcast_in_dim3A_1438 = vector.broadcast %broadcast_in_dim3A_1437 : f32 to vector<6x512xf32>
    %concatenate3A = tpu.concatenate %add3A_1436, %neg3A_1417, %broadcast_in_dim3A_1438 in 0 : vector<1x512xf32>, vector<1x512xf32>, vector<6x512xf32> -> vector<8x512xf32>
    %swap3A = arith.constant 0 : index
    %swap3A_1439 = arith.constant 0 : index
    %swap3A_1440 = vector.load %arg9[%swap3A, %swap3A_1439] : memref<8x512xf32, #tpu.memory_space<vmem>>, vector<8x512xf32>
    tpu.vector_store %arg9[%swap3A, %swap3A_1439], %concatenate3A {strides = array<i32>} : memref<8x512xf32, #tpu.memory_space<vmem>>, vector<8x512xf32>,
    return
  }
  func.func @transform_0(%arg0: i32) -> (i32, i32) {
    %c0_i32 = arith.constant 0 : i32
    %c0_i32_0 = arith.constant 0 : i32
    return %c0_i32, %arg0 : i32, i32
  }
  func.func @transform_1(%arg0: i32) -> (i32, i32) {
    %c0_i32 = arith.constant 0 : i32
    %c0_i32_0 = arith.constant 0 : i32
    return %c0_i32, %arg0 : i32, i32
  }
  func.func @transform_2(%arg0: i32) -> (i32, i32) {
    %c0_i32 = arith.constant 0 : i32
    %c0_i32_0 = arith.constant 0 : i32
    return %c0_i32, %arg0 : i32, i32
  }
  func.func @transform_3(%arg0: i32) -> (i32, i32) {
    %c0_i32 = arith.constant 0 : i32
    %c0_i32_0 = arith.constant 0 : i32
    return %c0_i32, %arg0 : i32, i32
  }
  func.func @transform_4(%arg0: i32) -> (i32, i32) {
    %c0_i32 = arith.constant 0 : i32
    %c0_i32_0 = arith.constant 0 : i32
    return %c0_i32, %arg0 : i32, i32
  }
  func.func @transform_5(%arg0: i32) -> (i32, i32) {
    %c0_i32 = arith.constant 0 : i32
    %c0_i32_0 = arith.constant 0 : i32
    %c0_i32_1 = arith.constant 0 : i32
    return %c0_i32, %c0_i32_0 : i32, i32
  }
  func.func @transform_6(%arg0: i32) -> (i32, i32) {
    %c0_i32 = arith.constant 0 : i32
    %c0_i32_0 = arith.constant 0 : i32
    %c0_i32_1 = arith.constant 0 : i32
    return %c0_i32, %c0_i32_0 : i32, i32
  }
  func.func @transform_7(%arg0: i32) -> (i32, i32) {
    %c0_i32 = arith.constant 0 : i32
    %c0_i32_0 = arith.constant 0 : i32
    %c0_i32_1 = arith.constant 0 : i32
    return %c0_i32, %c0_i32_0 : i32, i32
  }
  func.func @transform_8(%arg0: i32) -> (i32, i32) {
    %c0_i32 = arith.constant 0 : i32
    %c0_i32_0 = arith.constant 0 : i32
    return %c0_i32, %arg0 : i32, i32
  }
}

module attributes {stable_mosaic.version = 14 : i64} {
  func.func @_table_body(%arg0: i32, %arg1: memref<8x2048xf32, #tpu.memory_space<vmem>>, %arg2: memref<8x2048xf32, #tpu.memory_space<vmem>>, %arg3: memref<16x2048xf32, #tpu.memory_space<vmem>>, %arg4: memref<8x2048xf32, #tpu.memory_space<vmem>>) attributes {dimension_semantics = [#tpu.dimension_semantics<arbitrary>], iteration_bounds = array<i64: 8>, scalar_prefetch = 0 : i64, scratch_operands = 0 : i64, tpu.core_type = #tpu.core_type<tc>, window_params = [{transform_indices = @transform_0, window_bounds = array<i64: 8, 2048>}, {transform_indices = @transform_1, window_bounds = array<i64: 8, 2048>}, {transform_indices = @transform_2, window_bounds = array<i64: 16, 2048>}, {transform_indices = @transform_3, window_bounds = array<i64: 8, 2048>}]} {
    %get3A = arith.constant 0 : index
    %get3A_0 = arith.constant 0 : index
    %get3A_1 = vector.load %arg1[%get3A, %get3A_0] : memref<8x2048xf32, #tpu.memory_space<vmem>>, vector<8x2048xf32>
    %get3A_2 = arith.constant 0 : index
    %get3A_3 = arith.constant 0 : index
    %get3A_4 = vector.load %arg2[%get3A_2, %get3A_3] : memref<8x2048xf32, #tpu.memory_space<vmem>>, vector<8x2048xf32>
    %get3A_5 = arith.constant 0 : index
    %get3A_6 = arith.constant 0 : index
    %get3A_7 = vector.load %arg3[%get3A_5, %get3A_6] : memref<16x2048xf32, #tpu.memory_space<vmem>>, vector<8x2048xf32>
    %lt3A = arith.cmpf olt, %get3A_7, %get3A_4 : vector<8x2048xf32>
    %convert_element_type3A = arith.extui %lt3A : vector<8x2048xi1> to vector<8x2048xi32>
    %convert_element_type3A_8 = arith.sitofp %convert_element_type3A : vector<8x2048xi32> to vector<8x2048xf32>
    %mul3A = arith.constant 2.000000e+00 : f32
    %mul3A_9 = vector.broadcast %mul3A : f32 to vector<8x2048xf32>
    %mul3A_10 = arith.mulf %mul3A_9, %convert_element_type3A_8 : vector<8x2048xf32>
    %sub3A = arith.constant 1.000000e+00 : f32
    %sub3A_11 = vector.broadcast %sub3A : f32 to vector<8x2048xf32>
    %sub3A_12 = arith.subf %mul3A_10, %sub3A_11 : vector<8x2048xf32>
    %mul3A_13 = arith.mulf %get3A_1, %sub3A_12 : vector<8x2048xf32>
    %slice3A = vector.extract_strided_slice %convert_element_type3A_8 {offsets = [0, 0], sizes = [1, 2048], strides = [1, 1]} : vector<8x2048xf32> to vector<1x2048xf32>
    %mul3A_14 = arith.constant 1.280000e+02 : f32
    %mul3A_15 = vector.broadcast %mul3A_14 : f32 to vector<1x2048xf32>
    %mul3A_16 = arith.mulf %mul3A_15, %slice3A : vector<1x2048xf32>
    %add3A = arith.constant 0.000000e+00 : f32
    %add3A_17 = vector.broadcast %add3A : f32 to vector<1x2048xf32>
    %add3A_18 = arith.addf %add3A_17, %mul3A_16 : vector<1x2048xf32>
    %slice3A_19 = vector.extract_strided_slice %convert_element_type3A_8 {offsets = [1, 0], sizes = [1, 2048], strides = [1, 1]} : vector<8x2048xf32> to vector<1x2048xf32>
    %mul3A_20 = arith.constant 6.400000e+01 : f32
    %mul3A_21 = vector.broadcast %mul3A_20 : f32 to vector<1x2048xf32>
    %mul3A_22 = arith.mulf %mul3A_21, %slice3A_19 : vector<1x2048xf32>
    %add3A_23 = arith.addf %add3A_18, %mul3A_22 : vector<1x2048xf32>
    %slice3A_24 = vector.extract_strided_slice %convert_element_type3A_8 {offsets = [2, 0], sizes = [1, 2048], strides = [1, 1]} : vector<8x2048xf32> to vector<1x2048xf32>
    %mul3A_25 = arith.constant 3.200000e+01 : f32
    %mul3A_26 = vector.broadcast %mul3A_25 : f32 to vector<1x2048xf32>
    %mul3A_27 = arith.mulf %mul3A_26, %slice3A_24 : vector<1x2048xf32>
    %add3A_28 = arith.addf %add3A_23, %mul3A_27 : vector<1x2048xf32>
    %slice3A_29 = vector.extract_strided_slice %convert_element_type3A_8 {offsets = [3, 0], sizes = [1, 2048], strides = [1, 1]} : vector<8x2048xf32> to vector<1x2048xf32>
    %mul3A_30 = arith.constant 1.600000e+01 : f32
    %mul3A_31 = vector.broadcast %mul3A_30 : f32 to vector<1x2048xf32>
    %mul3A_32 = arith.mulf %mul3A_31, %slice3A_29 : vector<1x2048xf32>
    %add3A_33 = arith.addf %add3A_28, %mul3A_32 : vector<1x2048xf32>
    %slice3A_34 = vector.extract_strided_slice %convert_element_type3A_8 {offsets = [4, 0], sizes = [1, 2048], strides = [1, 1]} : vector<8x2048xf32> to vector<1x2048xf32>
    %mul3A_35 = arith.constant 8.000000e+00 : f32
    %mul3A_36 = vector.broadcast %mul3A_35 : f32 to vector<1x2048xf32>
    %mul3A_37 = arith.mulf %mul3A_36, %slice3A_34 : vector<1x2048xf32>
    %add3A_38 = arith.addf %add3A_33, %mul3A_37 : vector<1x2048xf32>
    %slice3A_39 = vector.extract_strided_slice %convert_element_type3A_8 {offsets = [5, 0], sizes = [1, 2048], strides = [1, 1]} : vector<8x2048xf32> to vector<1x2048xf32>
    %mul3A_40 = arith.constant 4.000000e+00 : f32
    %mul3A_41 = vector.broadcast %mul3A_40 : f32 to vector<1x2048xf32>
    %mul3A_42 = arith.mulf %mul3A_41, %slice3A_39 : vector<1x2048xf32>
    %add3A_43 = arith.addf %add3A_38, %mul3A_42 : vector<1x2048xf32>
    %slice3A_44 = vector.extract_strided_slice %convert_element_type3A_8 {offsets = [6, 0], sizes = [1, 2048], strides = [1, 1]} : vector<8x2048xf32> to vector<1x2048xf32>
    %mul3A_45 = arith.constant 2.000000e+00 : f32
    %mul3A_46 = vector.broadcast %mul3A_45 : f32 to vector<1x2048xf32>
    %mul3A_47 = arith.mulf %mul3A_46, %slice3A_44 : vector<1x2048xf32>
    %add3A_48 = arith.addf %add3A_43, %mul3A_47 : vector<1x2048xf32>
    %slice3A_49 = vector.extract_strided_slice %convert_element_type3A_8 {offsets = [7, 0], sizes = [1, 2048], strides = [1, 1]} : vector<8x2048xf32> to vector<1x2048xf32>
    %mul3A_50 = arith.constant 1.000000e+00 : f32
    %mul3A_51 = vector.broadcast %mul3A_50 : f32 to vector<1x2048xf32>
    %mul3A_52 = arith.mulf %mul3A_51, %slice3A_49 : vector<1x2048xf32>
    %add3A_53 = arith.addf %add3A_48, %mul3A_52 : vector<1x2048xf32>
    %neg3A = arith.constant 0.000000e+00 : f32
    %neg3A_54 = vector.broadcast %neg3A : f32 to vector<8x2048xf32>
    %neg3A_55 = arith.subf %neg3A_54, %mul3A_13 : vector<8x2048xf32>
    %reduce_max3A = arith.constant dense<0xFF800000> : vector<2048xf32>
    %reduce_max3A_56 = vector.multi_reduction <maximumf>, %neg3A_55, %reduce_max3A [0] : vector<8x2048xf32> to vector<2048xf32>
    %broadcast_in_dim3A = vector.shape_cast %reduce_max3A_56 : vector<2048xf32> to vector<1x2048xf32>
    %sub3A_57 = vector.broadcast %broadcast_in_dim3A : vector<1x2048xf32> to vector<8x2048xf32>
    %sub3A_58 = arith.subf %neg3A_55, %sub3A_57 : vector<8x2048xf32>
    %exp3A = math.exp %sub3A_58 : vector<8x2048xf32>
    %reduce_sum3A = arith.constant dense<0.000000e+00> : vector<2048xf32>
    %reduce_sum3A_59 = vector.multi_reduction <add>, %exp3A, %reduce_sum3A [0] : vector<8x2048xf32> to vector<2048xf32>
    %broadcast_in_dim3A_60 = vector.shape_cast %reduce_sum3A_59 : vector<2048xf32> to vector<1x2048xf32>
    %log3A = math.log %broadcast_in_dim3A_60 : vector<1x2048xf32>
    %add3A_61 = arith.addf %log3A, %broadcast_in_dim3A : vector<1x2048xf32>
    %neg3A_62 = arith.constant 0.000000e+00 : f32
    %neg3A_63 = vector.broadcast %neg3A_62 : f32 to vector<1x2048xf32>
    %neg3A_64 = arith.subf %neg3A_63, %add3A_61 : vector<1x2048xf32>
    %get3A_65 = arith.constant 8 : index
    %get3A_66 = arith.constant 0 : index
    %get3A_67 = vector.load %arg3[%get3A_65, %get3A_66] : memref<16x2048xf32, #tpu.memory_space<vmem>>, vector<8x2048xf32>
    %lt3A_68 = arith.cmpf olt, %get3A_67, %get3A_4 : vector<8x2048xf32>
    %convert_element_type3A_69 = arith.extui %lt3A_68 : vector<8x2048xi1> to vector<8x2048xi32>
    %convert_element_type3A_70 = arith.sitofp %convert_element_type3A_69 : vector<8x2048xi32> to vector<8x2048xf32>
    %mul3A_71 = arith.constant 2.000000e+00 : f32
    %mul3A_72 = vector.broadcast %mul3A_71 : f32 to vector<8x2048xf32>
    %mul3A_73 = arith.mulf %mul3A_72, %convert_element_type3A_70 : vector<8x2048xf32>
    %sub3A_74 = arith.constant 1.000000e+00 : f32
    %sub3A_75 = vector.broadcast %sub3A_74 : f32 to vector<8x2048xf32>
    %sub3A_76 = arith.subf %mul3A_73, %sub3A_75 : vector<8x2048xf32>
    %mul3A_77 = arith.mulf %get3A_1, %sub3A_76 : vector<8x2048xf32>
    %slice3A_78 = vector.extract_strided_slice %convert_element_type3A_70 {offsets = [0, 0], sizes = [1, 2048], strides = [1, 1]} : vector<8x2048xf32> to vector<1x2048xf32>
    %mul3A_79 = arith.constant 1.280000e+02 : f32
    %mul3A_80 = vector.broadcast %mul3A_79 : f32 to vector<1x2048xf32>
    %mul3A_81 = arith.mulf %mul3A_80, %slice3A_78 : vector<1x2048xf32>
    %add3A_82 = arith.constant 0.000000e+00 : f32
    %add3A_83 = vector.broadcast %add3A_82 : f32 to vector<1x2048xf32>
    %add3A_84 = arith.addf %add3A_83, %mul3A_81 : vector<1x2048xf32>
    %slice3A_85 = vector.extract_strided_slice %convert_element_type3A_70 {offsets = [1, 0], sizes = [1, 2048], strides = [1, 1]} : vector<8x2048xf32> to vector<1x2048xf32>
    %mul3A_86 = arith.constant 6.400000e+01 : f32
    %mul3A_87 = vector.broadcast %mul3A_86 : f32 to vector<1x2048xf32>
    %mul3A_88 = arith.mulf %mul3A_87, %slice3A_85 : vector<1x2048xf32>
    %add3A_89 = arith.addf %add3A_84, %mul3A_88 : vector<1x2048xf32>
    %slice3A_90 = vector.extract_strided_slice %convert_element_type3A_70 {offsets = [2, 0], sizes = [1, 2048], strides = [1, 1]} : vector<8x2048xf32> to vector<1x2048xf32>
    %mul3A_91 = arith.constant 3.200000e+01 : f32
    %mul3A_92 = vector.broadcast %mul3A_91 : f32 to vector<1x2048xf32>
    %mul3A_93 = arith.mulf %mul3A_92, %slice3A_90 : vector<1x2048xf32>
    %add3A_94 = arith.addf %add3A_89, %mul3A_93 : vector<1x2048xf32>
    %slice3A_95 = vector.extract_strided_slice %convert_element_type3A_70 {offsets = [3, 0], sizes = [1, 2048], strides = [1, 1]} : vector<8x2048xf32> to vector<1x2048xf32>
    %mul3A_96 = arith.constant 1.600000e+01 : f32
    %mul3A_97 = vector.broadcast %mul3A_96 : f32 to vector<1x2048xf32>
    %mul3A_98 = arith.mulf %mul3A_97, %slice3A_95 : vector<1x2048xf32>
    %add3A_99 = arith.addf %add3A_94, %mul3A_98 : vector<1x2048xf32>
    %slice3A_100 = vector.extract_strided_slice %convert_element_type3A_70 {offsets = [4, 0], sizes = [1, 2048], strides = [1, 1]} : vector<8x2048xf32> to vector<1x2048xf32>
    %mul3A_101 = arith.constant 8.000000e+00 : f32
    %mul3A_102 = vector.broadcast %mul3A_101 : f32 to vector<1x2048xf32>
    %mul3A_103 = arith.mulf %mul3A_102, %slice3A_100 : vector<1x2048xf32>
    %add3A_104 = arith.addf %add3A_99, %mul3A_103 : vector<1x2048xf32>
    %slice3A_105 = vector.extract_strided_slice %convert_element_type3A_70 {offsets = [5, 0], sizes = [1, 2048], strides = [1, 1]} : vector<8x2048xf32> to vector<1x2048xf32>
    %mul3A_106 = arith.constant 4.000000e+00 : f32
    %mul3A_107 = vector.broadcast %mul3A_106 : f32 to vector<1x2048xf32>
    %mul3A_108 = arith.mulf %mul3A_107, %slice3A_105 : vector<1x2048xf32>
    %add3A_109 = arith.addf %add3A_104, %mul3A_108 : vector<1x2048xf32>
    %slice3A_110 = vector.extract_strided_slice %convert_element_type3A_70 {offsets = [6, 0], sizes = [1, 2048], strides = [1, 1]} : vector<8x2048xf32> to vector<1x2048xf32>
    %mul3A_111 = arith.constant 2.000000e+00 : f32
    %mul3A_112 = vector.broadcast %mul3A_111 : f32 to vector<1x2048xf32>
    %mul3A_113 = arith.mulf %mul3A_112, %slice3A_110 : vector<1x2048xf32>
    %add3A_114 = arith.addf %add3A_109, %mul3A_113 : vector<1x2048xf32>
    %slice3A_115 = vector.extract_strided_slice %convert_element_type3A_70 {offsets = [7, 0], sizes = [1, 2048], strides = [1, 1]} : vector<8x2048xf32> to vector<1x2048xf32>
    %mul3A_116 = arith.constant 1.000000e+00 : f32
    %mul3A_117 = vector.broadcast %mul3A_116 : f32 to vector<1x2048xf32>
    %mul3A_118 = arith.mulf %mul3A_117, %slice3A_115 : vector<1x2048xf32>
    %add3A_119 = arith.addf %add3A_114, %mul3A_118 : vector<1x2048xf32>
    %neg3A_120 = arith.constant 0.000000e+00 : f32
    %neg3A_121 = vector.broadcast %neg3A_120 : f32 to vector<8x2048xf32>
    %neg3A_122 = arith.subf %neg3A_121, %mul3A_77 : vector<8x2048xf32>
    %reduce_max3A_123 = arith.constant dense<0xFF800000> : vector<2048xf32>
    %reduce_max3A_124 = vector.multi_reduction <maximumf>, %neg3A_122, %reduce_max3A_123 [0] : vector<8x2048xf32> to vector<2048xf32>
    %broadcast_in_dim3A_125 = vector.shape_cast %reduce_max3A_124 : vector<2048xf32> to vector<1x2048xf32>
    %sub3A_126 = vector.broadcast %broadcast_in_dim3A_125 : vector<1x2048xf32> to vector<8x2048xf32>
    %sub3A_127 = arith.subf %neg3A_122, %sub3A_126 : vector<8x2048xf32>
    %exp3A_128 = math.exp %sub3A_127 : vector<8x2048xf32>
    %reduce_sum3A_129 = arith.constant dense<0.000000e+00> : vector<2048xf32>
    %reduce_sum3A_130 = vector.multi_reduction <add>, %exp3A_128, %reduce_sum3A_129 [0] : vector<8x2048xf32> to vector<2048xf32>
    %broadcast_in_dim3A_131 = vector.shape_cast %reduce_sum3A_130 : vector<2048xf32> to vector<1x2048xf32>
    %log3A_132 = math.log %broadcast_in_dim3A_131 : vector<1x2048xf32>
    %add3A_133 = arith.addf %log3A_132, %broadcast_in_dim3A_125 : vector<1x2048xf32>
    %neg3A_134 = arith.constant 0.000000e+00 : f32
    %neg3A_135 = vector.broadcast %neg3A_134 : f32 to vector<1x2048xf32>
    %neg3A_136 = arith.subf %neg3A_135, %add3A_133 : vector<1x2048xf32>
    %broadcast_in_dim3A_137 = arith.constant 0.000000e+00 : f32
    %broadcast_in_dim3A_138 = vector.broadcast %broadcast_in_dim3A_137 : f32 to vector<4x2048xf32>
    %concatenate3A = tpu.concatenate %add3A_53, %add3A_119, %neg3A_64, %neg3A_136, %broadcast_in_dim3A_138 in 0 : vector<1x2048xf32>, vector<1x2048xf32>, vector<1x2048xf32>, vector<1x2048xf32>, vector<4x2048xf32> -> vector<8x2048xf32>
    %swap3A = arith.constant 0 : index
    %swap3A_139 = arith.constant 0 : index
    %swap3A_140 = vector.load %arg4[%swap3A, %swap3A_139] : memref<8x2048xf32, #tpu.memory_space<vmem>>, vector<8x2048xf32>
    tpu.vector_store %arg4[%swap3A, %swap3A_139], %concatenate3A {strides = array<i32>} : memref<8x2048xf32, #tpu.memory_space<vmem>>, vector<8x2048xf32>,
    return
  }
  func.func @transform_0(%arg0: i32) -> (i32, i32) {
    %c0_i32 = arith.constant 0 : i32
    %c0_i32_0 = arith.constant 0 : i32
    return %c0_i32, %arg0 : i32, i32
  }
  func.func @transform_1(%arg0: i32) -> (i32, i32) {
    %c0_i32 = arith.constant 0 : i32
    %c0_i32_0 = arith.constant 0 : i32
    return %c0_i32, %arg0 : i32, i32
  }
  func.func @transform_2(%arg0: i32) -> (i32, i32) {
    %c0_i32 = arith.constant 0 : i32
    %c0_i32_0 = arith.constant 0 : i32
    return %c0_i32, %arg0 : i32, i32
  }
  func.func @transform_3(%arg0: i32) -> (i32, i32) {
    %c0_i32 = arith.constant 0 : i32
    %c0_i32_0 = arith.constant 0 : i32
    return %c0_i32, %arg0 : i32, i32
  }
}

module attributes {stable_mosaic.version = 14 : i64} {
  func.func @_scan_body(%arg0: memref<16x2048xi32, #tpu.memory_space<vmem>>, %arg1: memref<16x2048xf32, #tpu.memory_space<vmem>>, %arg2: memref<16x2048xf32, #tpu.memory_space<vmem>>, %arg3: memref<16x2048xf32, #tpu.memory_space<vmem>>, %arg4: memref<128x2048xf32, #tpu.memory_space<vmem>>, %arg5: memref<16x2048xf32, #tpu.memory_space<vmem>>) attributes {dimension_semantics = [], scalar_prefetch = 0 : i64, scratch_operands = 0 : i64, tpu.core_type = #tpu.core_type<tc>} {
    %get3A = arith.constant 0 : index
    %get3A_0 = arith.constant 0 : index
    %get3A_1 = vector.load %arg0[%get3A, %get3A_0] : memref<16x2048xi32, #tpu.memory_space<vmem>>, vector<16x2048xi32>
    %get3A_2 = arith.constant 0 : index
    %get3A_3 = arith.constant 0 : index
    %get3A_4 = vector.load %arg1[%get3A_2, %get3A_3] : memref<16x2048xf32, #tpu.memory_space<vmem>>, vector<16x2048xf32>
    %neg3A = arith.constant 0.000000e+00 : f32
    %neg3A_5 = vector.broadcast %neg3A : f32 to vector<16x2048xf32>
    %neg3A_6 = arith.subf %neg3A_5, %get3A_4 : vector<16x2048xf32>
    %get3A_7 = arith.constant 0 : index
    %get3A_8 = arith.constant 0 : index
    %get3A_9 = vector.load %arg2[%get3A_7, %get3A_8] : memref<16x2048xf32, #tpu.memory_space<vmem>>, vector<16x2048xf32>
    %neg3A_10 = arith.constant 0.000000e+00 : f32
    %neg3A_11 = vector.broadcast %neg3A_10 : f32 to vector<16x2048xf32>
    %neg3A_12 = arith.subf %neg3A_11, %get3A_9 : vector<16x2048xf32>
    %max3A = arith.maximumf %neg3A_6, %neg3A_12 : vector<16x2048xf32>
    %sub3A = arith.subf %neg3A_6, %neg3A_12 : vector<16x2048xf32>
    %ne3A = arith.cmpf one, %sub3A, %sub3A : vector<16x2048xf32>
    %add3A = arith.addf %neg3A_6, %neg3A_12 : vector<16x2048xf32>
    %abs3A = math.absf %sub3A : vector<16x2048xf32>
    %neg3A_13 = arith.constant 0.000000e+00 : f32
    %neg3A_14 = vector.broadcast %neg3A_13 : f32 to vector<16x2048xf32>
    %neg3A_15 = arith.subf %neg3A_14, %abs3A : vector<16x2048xf32>
    %exp3A = math.exp %neg3A_15 : vector<16x2048xf32>
    %log1p3A = math.log1p %exp3A : vector<16x2048xf32>
    %add3A_16 = arith.addf %max3A, %log1p3A : vector<16x2048xf32>
    %select_n3A = arith.select %ne3A, %add3A, %add3A_16 : vector<16x2048xi1>, vector<16x2048xf32>
    %neg3A_17 = arith.constant 0.000000e+00 : f32
    %neg3A_18 = vector.broadcast %neg3A_17 : f32 to vector<16x2048xf32>
    %neg3A_19 = arith.subf %neg3A_18, %select_n3A : vector<16x2048xf32>
    %broadcast_in_dim3A = arith.constant 1.000000e+30 : f32
    %broadcast_in_dim3A_20 = vector.broadcast %broadcast_in_dim3A : f32 to vector<16x1xf32>
    %slice3A = vector.extract_strided_slice %neg3A_19 {offsets = [0, 0], sizes = [16, 2047], strides = [1, 1]} : vector<16x2048xf32> to vector<16x2047xf32>
    %concatenate3A = tpu.concatenate %broadcast_in_dim3A_20, %slice3A in 1 : vector<16x1xf32>, vector<16x2047xf32> -> vector<16x2048xf32>
    %neg3A_21 = arith.constant 0.000000e+00 : f32
    %neg3A_22 = vector.broadcast %neg3A_21 : f32 to vector<16x2048xf32>
    %neg3A_23 = arith.subf %neg3A_22, %neg3A_19 : vector<16x2048xf32>
    %neg3A_24 = arith.constant 0.000000e+00 : f32
    %neg3A_25 = vector.broadcast %neg3A_24 : f32 to vector<16x2048xf32>
    %neg3A_26 = arith.subf %neg3A_25, %concatenate3A : vector<16x2048xf32>
    %max3A_27 = arith.maximumf %neg3A_23, %neg3A_26 : vector<16x2048xf32>
    %sub3A_28 = arith.subf %neg3A_23, %neg3A_26 : vector<16x2048xf32>
    %ne3A_29 = arith.cmpf one, %sub3A_28, %sub3A_28 : vector<16x2048xf32>
    %add3A_30 = arith.addf %neg3A_23, %neg3A_26 : vector<16x2048xf32>
    %abs3A_31 = math.absf %sub3A_28 : vector<16x2048xf32>
    %neg3A_32 = arith.constant 0.000000e+00 : f32
    %neg3A_33 = vector.broadcast %neg3A_32 : f32 to vector<16x2048xf32>
    %neg3A_34 = arith.subf %neg3A_33, %abs3A_31 : vector<16x2048xf32>
    %exp3A_35 = math.exp %neg3A_34 : vector<16x2048xf32>
    %log1p3A_36 = math.log1p %exp3A_35 : vector<16x2048xf32>
    %add3A_37 = arith.addf %max3A_27, %log1p3A_36 : vector<16x2048xf32>
    %select_n3A_38 = arith.select %ne3A_29, %add3A_30, %add3A_37 : vector<16x2048xi1>, vector<16x2048xf32>
    %neg3A_39 = arith.constant 0.000000e+00 : f32
    %neg3A_40 = vector.broadcast %neg3A_39 : f32 to vector<16x2048xf32>
    %neg3A_41 = arith.subf %neg3A_40, %select_n3A_38 : vector<16x2048xf32>
    %broadcast_in_dim3A_42 = arith.constant 1.000000e+30 : f32
    %broadcast_in_dim3A_43 = vector.broadcast %broadcast_in_dim3A_42 : f32 to vector<16x2xf32>
    %slice3A_44 = vector.extract_strided_slice %neg3A_41 {offsets = [0, 0], sizes = [16, 2046], strides = [1, 1]} : vector<16x2048xf32> to vector<16x2046xf32>
    %concatenate3A_45 = tpu.concatenate %broadcast_in_dim3A_43, %slice3A_44 in 1 : vector<16x2xf32>, vector<16x2046xf32> -> vector<16x2048xf32>
    %neg3A_46 = arith.constant 0.000000e+00 : f32
    %neg3A_47 = vector.broadcast %neg3A_46 : f32 to vector<16x2048xf32>
    %neg3A_48 = arith.subf %neg3A_47, %neg3A_41 : vector<16x2048xf32>
    %neg3A_49 = arith.constant 0.000000e+00 : f32
    %neg3A_50 = vector.broadcast %neg3A_49 : f32 to vector<16x2048xf32>
    %neg3A_51 = arith.subf %neg3A_50, %concatenate3A_45 : vector<16x2048xf32>
    %max3A_52 = arith.maximumf %neg3A_48, %neg3A_51 : vector<16x2048xf32>
    %sub3A_53 = arith.subf %neg3A_48, %neg3A_51 : vector<16x2048xf32>
    %ne3A_54 = arith.cmpf one, %sub3A_53, %sub3A_53 : vector<16x2048xf32>
    %add3A_55 = arith.addf %neg3A_48, %neg3A_51 : vector<16x2048xf32>
    %abs3A_56 = math.absf %sub3A_53 : vector<16x2048xf32>
    %neg3A_57 = arith.constant 0.000000e+00 : f32
    %neg3A_58 = vector.broadcast %neg3A_57 : f32 to vector<16x2048xf32>
    %neg3A_59 = arith.subf %neg3A_58, %abs3A_56 : vector<16x2048xf32>
    %exp3A_60 = math.exp %neg3A_59 : vector<16x2048xf32>
    %log1p3A_61 = math.log1p %exp3A_60 : vector<16x2048xf32>
    %add3A_62 = arith.addf %max3A_52, %log1p3A_61 : vector<16x2048xf32>
    %select_n3A_63 = arith.select %ne3A_54, %add3A_55, %add3A_62 : vector<16x2048xi1>, vector<16x2048xf32>
    %neg3A_64 = arith.constant 0.000000e+00 : f32
    %neg3A_65 = vector.broadcast %neg3A_64 : f32 to vector<16x2048xf32>
    %neg3A_66 = arith.subf %neg3A_65, %select_n3A_63 : vector<16x2048xf32>
    %broadcast_in_dim3A_67 = arith.constant 1.000000e+30 : f32
    %broadcast_in_dim3A_68 = vector.broadcast %broadcast_in_dim3A_67 : f32 to vector<16x4xf32>
    %slice3A_69 = vector.extract_strided_slice %neg3A_66 {offsets = [0, 0], sizes = [16, 2044], strides = [1, 1]} : vector<16x2048xf32> to vector<16x2044xf32>
    %concatenate3A_70 = tpu.concatenate %broadcast_in_dim3A_68, %slice3A_69 in 1 : vector<16x4xf32>, vector<16x2044xf32> -> vector<16x2048xf32>
    %neg3A_71 = arith.constant 0.000000e+00 : f32
    %neg3A_72 = vector.broadcast %neg3A_71 : f32 to vector<16x2048xf32>
    %neg3A_73 = arith.subf %neg3A_72, %neg3A_66 : vector<16x2048xf32>
    %neg3A_74 = arith.constant 0.000000e+00 : f32
    %neg3A_75 = vector.broadcast %neg3A_74 : f32 to vector<16x2048xf32>
    %neg3A_76 = arith.subf %neg3A_75, %concatenate3A_70 : vector<16x2048xf32>
    %max3A_77 = arith.maximumf %neg3A_73, %neg3A_76 : vector<16x2048xf32>
    %sub3A_78 = arith.subf %neg3A_73, %neg3A_76 : vector<16x2048xf32>
    %ne3A_79 = arith.cmpf one, %sub3A_78, %sub3A_78 : vector<16x2048xf32>
    %add3A_80 = arith.addf %neg3A_73, %neg3A_76 : vector<16x2048xf32>
    %abs3A_81 = math.absf %sub3A_78 : vector<16x2048xf32>
    %neg3A_82 = arith.constant 0.000000e+00 : f32
    %neg3A_83 = vector.broadcast %neg3A_82 : f32 to vector<16x2048xf32>
    %neg3A_84 = arith.subf %neg3A_83, %abs3A_81 : vector<16x2048xf32>
    %exp3A_85 = math.exp %neg3A_84 : vector<16x2048xf32>
    %log1p3A_86 = math.log1p %exp3A_85 : vector<16x2048xf32>
    %add3A_87 = arith.addf %max3A_77, %log1p3A_86 : vector<16x2048xf32>
    %select_n3A_88 = arith.select %ne3A_79, %add3A_80, %add3A_87 : vector<16x2048xi1>, vector<16x2048xf32>
    %neg3A_89 = arith.constant 0.000000e+00 : f32
    %neg3A_90 = vector.broadcast %neg3A_89 : f32 to vector<16x2048xf32>
    %neg3A_91 = arith.subf %neg3A_90, %select_n3A_88 : vector<16x2048xf32>
    %broadcast_in_dim3A_92 = arith.constant 1.000000e+30 : f32
    %broadcast_in_dim3A_93 = vector.broadcast %broadcast_in_dim3A_92 : f32 to vector<16x8xf32>
    %slice3A_94 = vector.extract_strided_slice %neg3A_91 {offsets = [0, 0], sizes = [16, 2040], strides = [1, 1]} : vector<16x2048xf32> to vector<16x2040xf32>
    %concatenate3A_95 = tpu.concatenate %broadcast_in_dim3A_93, %slice3A_94 in 1 : vector<16x8xf32>, vector<16x2040xf32> -> vector<16x2048xf32>
    %neg3A_96 = arith.constant 0.000000e+00 : f32
    %neg3A_97 = vector.broadcast %neg3A_96 : f32 to vector<16x2048xf32>
    %neg3A_98 = arith.subf %neg3A_97, %neg3A_91 : vector<16x2048xf32>
    %neg3A_99 = arith.constant 0.000000e+00 : f32
    %neg3A_100 = vector.broadcast %neg3A_99 : f32 to vector<16x2048xf32>
    %neg3A_101 = arith.subf %neg3A_100, %concatenate3A_95 : vector<16x2048xf32>
    %max3A_102 = arith.maximumf %neg3A_98, %neg3A_101 : vector<16x2048xf32>
    %sub3A_103 = arith.subf %neg3A_98, %neg3A_101 : vector<16x2048xf32>
    %ne3A_104 = arith.cmpf one, %sub3A_103, %sub3A_103 : vector<16x2048xf32>
    %add3A_105 = arith.addf %neg3A_98, %neg3A_101 : vector<16x2048xf32>
    %abs3A_106 = math.absf %sub3A_103 : vector<16x2048xf32>
    %neg3A_107 = arith.constant 0.000000e+00 : f32
    %neg3A_108 = vector.broadcast %neg3A_107 : f32 to vector<16x2048xf32>
    %neg3A_109 = arith.subf %neg3A_108, %abs3A_106 : vector<16x2048xf32>
    %exp3A_110 = math.exp %neg3A_109 : vector<16x2048xf32>
    %log1p3A_111 = math.log1p %exp3A_110 : vector<16x2048xf32>
    %add3A_112 = arith.addf %max3A_102, %log1p3A_111 : vector<16x2048xf32>
    %select_n3A_113 = arith.select %ne3A_104, %add3A_105, %add3A_112 : vector<16x2048xi1>, vector<16x2048xf32>
    %neg3A_114 = arith.constant 0.000000e+00 : f32
    %neg3A_115 = vector.broadcast %neg3A_114 : f32 to vector<16x2048xf32>
    %neg3A_116 = arith.subf %neg3A_115, %select_n3A_113 : vector<16x2048xf32>
    %broadcast_in_dim3A_117 = arith.constant 1.000000e+30 : f32
    %broadcast_in_dim3A_118 = vector.broadcast %broadcast_in_dim3A_117 : f32 to vector<16x16xf32>
    %slice3A_119 = vector.extract_strided_slice %neg3A_116 {offsets = [0, 0], sizes = [16, 2032], strides = [1, 1]} : vector<16x2048xf32> to vector<16x2032xf32>
    %concatenate3A_120 = tpu.concatenate %broadcast_in_dim3A_118, %slice3A_119 in 1 : vector<16x16xf32>, vector<16x2032xf32> -> vector<16x2048xf32>
    %neg3A_121 = arith.constant 0.000000e+00 : f32
    %neg3A_122 = vector.broadcast %neg3A_121 : f32 to vector<16x2048xf32>
    %neg3A_123 = arith.subf %neg3A_122, %neg3A_116 : vector<16x2048xf32>
    %neg3A_124 = arith.constant 0.000000e+00 : f32
    %neg3A_125 = vector.broadcast %neg3A_124 : f32 to vector<16x2048xf32>
    %neg3A_126 = arith.subf %neg3A_125, %concatenate3A_120 : vector<16x2048xf32>
    %max3A_127 = arith.maximumf %neg3A_123, %neg3A_126 : vector<16x2048xf32>
    %sub3A_128 = arith.subf %neg3A_123, %neg3A_126 : vector<16x2048xf32>
    %ne3A_129 = arith.cmpf one, %sub3A_128, %sub3A_128 : vector<16x2048xf32>
    %add3A_130 = arith.addf %neg3A_123, %neg3A_126 : vector<16x2048xf32>
    %abs3A_131 = math.absf %sub3A_128 : vector<16x2048xf32>
    %neg3A_132 = arith.constant 0.000000e+00 : f32
    %neg3A_133 = vector.broadcast %neg3A_132 : f32 to vector<16x2048xf32>
    %neg3A_134 = arith.subf %neg3A_133, %abs3A_131 : vector<16x2048xf32>
    %exp3A_135 = math.exp %neg3A_134 : vector<16x2048xf32>
    %log1p3A_136 = math.log1p %exp3A_135 : vector<16x2048xf32>
    %add3A_137 = arith.addf %max3A_127, %log1p3A_136 : vector<16x2048xf32>
    %select_n3A_138 = arith.select %ne3A_129, %add3A_130, %add3A_137 : vector<16x2048xi1>, vector<16x2048xf32>
    %neg3A_139 = arith.constant 0.000000e+00 : f32
    %neg3A_140 = vector.broadcast %neg3A_139 : f32 to vector<16x2048xf32>
    %neg3A_141 = arith.subf %neg3A_140, %select_n3A_138 : vector<16x2048xf32>
    %broadcast_in_dim3A_142 = arith.constant 1.000000e+30 : f32
    %broadcast_in_dim3A_143 = vector.broadcast %broadcast_in_dim3A_142 : f32 to vector<16x32xf32>
    %slice3A_144 = vector.extract_strided_slice %neg3A_141 {offsets = [0, 0], sizes = [16, 2016], strides = [1, 1]} : vector<16x2048xf32> to vector<16x2016xf32>
    %concatenate3A_145 = tpu.concatenate %broadcast_in_dim3A_143, %slice3A_144 in 1 : vector<16x32xf32>, vector<16x2016xf32> -> vector<16x2048xf32>
    %neg3A_146 = arith.constant 0.000000e+00 : f32
    %neg3A_147 = vector.broadcast %neg3A_146 : f32 to vector<16x2048xf32>
    %neg3A_148 = arith.subf %neg3A_147, %neg3A_141 : vector<16x2048xf32>
    %neg3A_149 = arith.constant 0.000000e+00 : f32
    %neg3A_150 = vector.broadcast %neg3A_149 : f32 to vector<16x2048xf32>
    %neg3A_151 = arith.subf %neg3A_150, %concatenate3A_145 : vector<16x2048xf32>
    %max3A_152 = arith.maximumf %neg3A_148, %neg3A_151 : vector<16x2048xf32>
    %sub3A_153 = arith.subf %neg3A_148, %neg3A_151 : vector<16x2048xf32>
    %ne3A_154 = arith.cmpf one, %sub3A_153, %sub3A_153 : vector<16x2048xf32>
    %add3A_155 = arith.addf %neg3A_148, %neg3A_151 : vector<16x2048xf32>
    %abs3A_156 = math.absf %sub3A_153 : vector<16x2048xf32>
    %neg3A_157 = arith.constant 0.000000e+00 : f32
    %neg3A_158 = vector.broadcast %neg3A_157 : f32 to vector<16x2048xf32>
    %neg3A_159 = arith.subf %neg3A_158, %abs3A_156 : vector<16x2048xf32>
    %exp3A_160 = math.exp %neg3A_159 : vector<16x2048xf32>
    %log1p3A_161 = math.log1p %exp3A_160 : vector<16x2048xf32>
    %add3A_162 = arith.addf %max3A_152, %log1p3A_161 : vector<16x2048xf32>
    %select_n3A_163 = arith.select %ne3A_154, %add3A_155, %add3A_162 : vector<16x2048xi1>, vector<16x2048xf32>
    %neg3A_164 = arith.constant 0.000000e+00 : f32
    %neg3A_165 = vector.broadcast %neg3A_164 : f32 to vector<16x2048xf32>
    %neg3A_166 = arith.subf %neg3A_165, %select_n3A_163 : vector<16x2048xf32>
    %broadcast_in_dim3A_167 = arith.constant 1.000000e+30 : f32
    %broadcast_in_dim3A_168 = vector.broadcast %broadcast_in_dim3A_167 : f32 to vector<16x64xf32>
    %slice3A_169 = vector.extract_strided_slice %neg3A_166 {offsets = [0, 0], sizes = [16, 1984], strides = [1, 1]} : vector<16x2048xf32> to vector<16x1984xf32>
    %concatenate3A_170 = tpu.concatenate %broadcast_in_dim3A_168, %slice3A_169 in 1 : vector<16x64xf32>, vector<16x1984xf32> -> vector<16x2048xf32>
    %neg3A_171 = arith.constant 0.000000e+00 : f32
    %neg3A_172 = vector.broadcast %neg3A_171 : f32 to vector<16x2048xf32>
    %neg3A_173 = arith.subf %neg3A_172, %neg3A_166 : vector<16x2048xf32>
    %neg3A_174 = arith.constant 0.000000e+00 : f32
    %neg3A_175 = vector.broadcast %neg3A_174 : f32 to vector<16x2048xf32>
    %neg3A_176 = arith.subf %neg3A_175, %concatenate3A_170 : vector<16x2048xf32>
    %max3A_177 = arith.maximumf %neg3A_173, %neg3A_176 : vector<16x2048xf32>
    %sub3A_178 = arith.subf %neg3A_173, %neg3A_176 : vector<16x2048xf32>
    %ne3A_179 = arith.cmpf one, %sub3A_178, %sub3A_178 : vector<16x2048xf32>
    %add3A_180 = arith.addf %neg3A_173, %neg3A_176 : vector<16x2048xf32>
    %abs3A_181 = math.absf %sub3A_178 : vector<16x2048xf32>
    %neg3A_182 = arith.constant 0.000000e+00 : f32
    %neg3A_183 = vector.broadcast %neg3A_182 : f32 to vector<16x2048xf32>
    %neg3A_184 = arith.subf %neg3A_183, %abs3A_181 : vector<16x2048xf32>
    %exp3A_185 = math.exp %neg3A_184 : vector<16x2048xf32>
    %log1p3A_186 = math.log1p %exp3A_185 : vector<16x2048xf32>
    %add3A_187 = arith.addf %max3A_177, %log1p3A_186 : vector<16x2048xf32>
    %select_n3A_188 = arith.select %ne3A_179, %add3A_180, %add3A_187 : vector<16x2048xi1>, vector<16x2048xf32>
    %neg3A_189 = arith.constant 0.000000e+00 : f32
    %neg3A_190 = vector.broadcast %neg3A_189 : f32 to vector<16x2048xf32>
    %neg3A_191 = arith.subf %neg3A_190, %select_n3A_188 : vector<16x2048xf32>
    %broadcast_in_dim3A_192 = arith.constant 1.000000e+30 : f32
    %broadcast_in_dim3A_193 = vector.broadcast %broadcast_in_dim3A_192 : f32 to vector<16x128xf32>
    %slice3A_194 = vector.extract_strided_slice %neg3A_191 {offsets = [0, 0], sizes = [16, 1920], strides = [1, 1]} : vector<16x2048xf32> to vector<16x1920xf32>
    %concatenate3A_195 = tpu.concatenate %broadcast_in_dim3A_193, %slice3A_194 in 1 : vector<16x128xf32>, vector<16x1920xf32> -> vector<16x2048xf32>
    %neg3A_196 = arith.constant 0.000000e+00 : f32
    %neg3A_197 = vector.broadcast %neg3A_196 : f32 to vector<16x2048xf32>
    %neg3A_198 = arith.subf %neg3A_197, %neg3A_191 : vector<16x2048xf32>
    %neg3A_199 = arith.constant 0.000000e+00 : f32
    %neg3A_200 = vector.broadcast %neg3A_199 : f32 to vector<16x2048xf32>
    %neg3A_201 = arith.subf %neg3A_200, %concatenate3A_195 : vector<16x2048xf32>
    %max3A_202 = arith.maximumf %neg3A_198, %neg3A_201 : vector<16x2048xf32>
    %sub3A_203 = arith.subf %neg3A_198, %neg3A_201 : vector<16x2048xf32>
    %ne3A_204 = arith.cmpf one, %sub3A_203, %sub3A_203 : vector<16x2048xf32>
    %add3A_205 = arith.addf %neg3A_198, %neg3A_201 : vector<16x2048xf32>
    %abs3A_206 = math.absf %sub3A_203 : vector<16x2048xf32>
    %neg3A_207 = arith.constant 0.000000e+00 : f32
    %neg3A_208 = vector.broadcast %neg3A_207 : f32 to vector<16x2048xf32>
    %neg3A_209 = arith.subf %neg3A_208, %abs3A_206 : vector<16x2048xf32>
    %exp3A_210 = math.exp %neg3A_209 : vector<16x2048xf32>
    %log1p3A_211 = math.log1p %exp3A_210 : vector<16x2048xf32>
    %add3A_212 = arith.addf %max3A_202, %log1p3A_211 : vector<16x2048xf32>
    %select_n3A_213 = arith.select %ne3A_204, %add3A_205, %add3A_212 : vector<16x2048xi1>, vector<16x2048xf32>
    %neg3A_214 = arith.constant 0.000000e+00 : f32
    %neg3A_215 = vector.broadcast %neg3A_214 : f32 to vector<16x2048xf32>
    %neg3A_216 = arith.subf %neg3A_215, %select_n3A_213 : vector<16x2048xf32>
    %broadcast_in_dim3A_217 = arith.constant 1.000000e+30 : f32
    %broadcast_in_dim3A_218 = vector.broadcast %broadcast_in_dim3A_217 : f32 to vector<16x256xf32>
    %slice3A_219 = vector.extract_strided_slice %neg3A_216 {offsets = [0, 0], sizes = [16, 1792], strides = [1, 1]} : vector<16x2048xf32> to vector<16x1792xf32>
    %concatenate3A_220 = tpu.concatenate %broadcast_in_dim3A_218, %slice3A_219 in 1 : vector<16x256xf32>, vector<16x1792xf32> -> vector<16x2048xf32>
    %neg3A_221 = arith.constant 0.000000e+00 : f32
    %neg3A_222 = vector.broadcast %neg3A_221 : f32 to vector<16x2048xf32>
    %neg3A_223 = arith.subf %neg3A_222, %neg3A_216 : vector<16x2048xf32>
    %neg3A_224 = arith.constant 0.000000e+00 : f32
    %neg3A_225 = vector.broadcast %neg3A_224 : f32 to vector<16x2048xf32>
    %neg3A_226 = arith.subf %neg3A_225, %concatenate3A_220 : vector<16x2048xf32>
    %max3A_227 = arith.maximumf %neg3A_223, %neg3A_226 : vector<16x2048xf32>
    %sub3A_228 = arith.subf %neg3A_223, %neg3A_226 : vector<16x2048xf32>
    %ne3A_229 = arith.cmpf one, %sub3A_228, %sub3A_228 : vector<16x2048xf32>
    %add3A_230 = arith.addf %neg3A_223, %neg3A_226 : vector<16x2048xf32>
    %abs3A_231 = math.absf %sub3A_228 : vector<16x2048xf32>
    %neg3A_232 = arith.constant 0.000000e+00 : f32
    %neg3A_233 = vector.broadcast %neg3A_232 : f32 to vector<16x2048xf32>
    %neg3A_234 = arith.subf %neg3A_233, %abs3A_231 : vector<16x2048xf32>
    %exp3A_235 = math.exp %neg3A_234 : vector<16x2048xf32>
    %log1p3A_236 = math.log1p %exp3A_235 : vector<16x2048xf32>
    %add3A_237 = arith.addf %max3A_227, %log1p3A_236 : vector<16x2048xf32>
    %select_n3A_238 = arith.select %ne3A_229, %add3A_230, %add3A_237 : vector<16x2048xi1>, vector<16x2048xf32>
    %neg3A_239 = arith.constant 0.000000e+00 : f32
    %neg3A_240 = vector.broadcast %neg3A_239 : f32 to vector<16x2048xf32>
    %neg3A_241 = arith.subf %neg3A_240, %select_n3A_238 : vector<16x2048xf32>
    %broadcast_in_dim3A_242 = arith.constant 1.000000e+30 : f32
    %broadcast_in_dim3A_243 = vector.broadcast %broadcast_in_dim3A_242 : f32 to vector<16x512xf32>
    %slice3A_244 = vector.extract_strided_slice %neg3A_241 {offsets = [0, 0], sizes = [16, 1536], strides = [1, 1]} : vector<16x2048xf32> to vector<16x1536xf32>
    %concatenate3A_245 = tpu.concatenate %broadcast_in_dim3A_243, %slice3A_244 in 1 : vector<16x512xf32>, vector<16x1536xf32> -> vector<16x2048xf32>
    %neg3A_246 = arith.constant 0.000000e+00 : f32
    %neg3A_247 = vector.broadcast %neg3A_246 : f32 to vector<16x2048xf32>
    %neg3A_248 = arith.subf %neg3A_247, %neg3A_241 : vector<16x2048xf32>
    %neg3A_249 = arith.constant 0.000000e+00 : f32
    %neg3A_250 = vector.broadcast %neg3A_249 : f32 to vector<16x2048xf32>
    %neg3A_251 = arith.subf %neg3A_250, %concatenate3A_245 : vector<16x2048xf32>
    %max3A_252 = arith.maximumf %neg3A_248, %neg3A_251 : vector<16x2048xf32>
    %sub3A_253 = arith.subf %neg3A_248, %neg3A_251 : vector<16x2048xf32>
    %ne3A_254 = arith.cmpf one, %sub3A_253, %sub3A_253 : vector<16x2048xf32>
    %add3A_255 = arith.addf %neg3A_248, %neg3A_251 : vector<16x2048xf32>
    %abs3A_256 = math.absf %sub3A_253 : vector<16x2048xf32>
    %neg3A_257 = arith.constant 0.000000e+00 : f32
    %neg3A_258 = vector.broadcast %neg3A_257 : f32 to vector<16x2048xf32>
    %neg3A_259 = arith.subf %neg3A_258, %abs3A_256 : vector<16x2048xf32>
    %exp3A_260 = math.exp %neg3A_259 : vector<16x2048xf32>
    %log1p3A_261 = math.log1p %exp3A_260 : vector<16x2048xf32>
    %add3A_262 = arith.addf %max3A_252, %log1p3A_261 : vector<16x2048xf32>
    %select_n3A_263 = arith.select %ne3A_254, %add3A_255, %add3A_262 : vector<16x2048xi1>, vector<16x2048xf32>
    %neg3A_264 = arith.constant 0.000000e+00 : f32
    %neg3A_265 = vector.broadcast %neg3A_264 : f32 to vector<16x2048xf32>
    %neg3A_266 = arith.subf %neg3A_265, %select_n3A_263 : vector<16x2048xf32>
    %broadcast_in_dim3A_267 = arith.constant 1.000000e+30 : f32
    %broadcast_in_dim3A_268 = vector.broadcast %broadcast_in_dim3A_267 : f32 to vector<16x1024xf32>
    %slice3A_269 = vector.extract_strided_slice %neg3A_266 {offsets = [0, 0], sizes = [16, 1024], strides = [1, 1]} : vector<16x2048xf32> to vector<16x1024xf32>
    %concatenate3A_270 = tpu.concatenate %broadcast_in_dim3A_268, %slice3A_269 in 1 : vector<16x1024xf32>, vector<16x1024xf32> -> vector<16x2048xf32>
    %neg3A_271 = arith.constant 0.000000e+00 : f32
    %neg3A_272 = vector.broadcast %neg3A_271 : f32 to vector<16x2048xf32>
    %neg3A_273 = arith.subf %neg3A_272, %neg3A_266 : vector<16x2048xf32>
    %neg3A_274 = arith.constant 0.000000e+00 : f32
    %neg3A_275 = vector.broadcast %neg3A_274 : f32 to vector<16x2048xf32>
    %neg3A_276 = arith.subf %neg3A_275, %concatenate3A_270 : vector<16x2048xf32>
    %max3A_277 = arith.maximumf %neg3A_273, %neg3A_276 : vector<16x2048xf32>
    %sub3A_278 = arith.subf %neg3A_273, %neg3A_276 : vector<16x2048xf32>
    %ne3A_279 = arith.cmpf one, %sub3A_278, %sub3A_278 : vector<16x2048xf32>
    %add3A_280 = arith.addf %neg3A_273, %neg3A_276 : vector<16x2048xf32>
    %abs3A_281 = math.absf %sub3A_278 : vector<16x2048xf32>
    %neg3A_282 = arith.constant 0.000000e+00 : f32
    %neg3A_283 = vector.broadcast %neg3A_282 : f32 to vector<16x2048xf32>
    %neg3A_284 = arith.subf %neg3A_283, %abs3A_281 : vector<16x2048xf32>
    %exp3A_285 = math.exp %neg3A_284 : vector<16x2048xf32>
    %log1p3A_286 = math.log1p %exp3A_285 : vector<16x2048xf32>
    %add3A_287 = arith.addf %max3A_277, %log1p3A_286 : vector<16x2048xf32>
    %select_n3A_288 = arith.select %ne3A_279, %add3A_280, %add3A_287 : vector<16x2048xi1>, vector<16x2048xf32>
    %neg3A_289 = arith.constant 0.000000e+00 : f32
    %neg3A_290 = vector.broadcast %neg3A_289 : f32 to vector<16x2048xf32>
    %neg3A_291 = arith.subf %neg3A_290, %select_n3A_288 : vector<16x2048xf32>
    %get3A_292 = arith.constant 0 : index
    %get3A_293 = arith.constant 0 : index
    %get3A_294 = vector.load %arg3[%get3A_292, %get3A_293] : memref<16x2048xf32, #tpu.memory_space<vmem>>, vector<16x2048xf32>
    %neg3A_295 = arith.constant 0.000000e+00 : f32
    %neg3A_296 = vector.broadcast %neg3A_295 : f32 to vector<16x2048xf32>
    %neg3A_297 = arith.subf %neg3A_296, %get3A_294 : vector<16x2048xf32>
    %neg3A_298 = arith.constant 0.000000e+00 : f32
    %neg3A_299 = vector.broadcast %neg3A_298 : f32 to vector<16x2048xf32>
    %neg3A_300 = arith.subf %neg3A_299, %neg3A_291 : vector<16x2048xf32>
    %max3A_301 = arith.maximumf %neg3A_297, %neg3A_300 : vector<16x2048xf32>
    %sub3A_302 = arith.subf %neg3A_297, %neg3A_300 : vector<16x2048xf32>
    %ne3A_303 = arith.cmpf one, %sub3A_302, %sub3A_302 : vector<16x2048xf32>
    %add3A_304 = arith.addf %neg3A_297, %neg3A_300 : vector<16x2048xf32>
    %abs3A_305 = math.absf %sub3A_302 : vector<16x2048xf32>
    %neg3A_306 = arith.constant 0.000000e+00 : f32
    %neg3A_307 = vector.broadcast %neg3A_306 : f32 to vector<16x2048xf32>
    %neg3A_308 = arith.subf %neg3A_307, %abs3A_305 : vector<16x2048xf32>
    %exp3A_309 = math.exp %neg3A_308 : vector<16x2048xf32>
    %log1p3A_310 = math.log1p %exp3A_309 : vector<16x2048xf32>
    %add3A_311 = arith.addf %max3A_301, %log1p3A_310 : vector<16x2048xf32>
    %select_n3A_312 = arith.select %ne3A_303, %add3A_304, %add3A_311 : vector<16x2048xi1>, vector<16x2048xf32>
    %neg3A_313 = arith.constant 0.000000e+00 : f32
    %neg3A_314 = vector.broadcast %neg3A_313 : f32 to vector<16x2048xf32>
    %neg3A_315 = arith.subf %neg3A_314, %select_n3A_312 : vector<16x2048xf32>
    %swap3A = arith.constant 0 : index
    %swap3A_316 = arith.constant 0 : index
    %swap3A_317 = vector.load %arg5[%swap3A, %swap3A_316] : memref<16x2048xf32, #tpu.memory_space<vmem>>, vector<16x2048xf32>
    tpu.vector_store %arg5[%swap3A, %swap3A_316], %neg3A_315 {strides = array<i32>} : memref<16x2048xf32, #tpu.memory_space<vmem>>, vector<16x2048xf32>,
    %shift_right_arithmetic3A = arith.constant 7 : i32
    %shift_right_arithmetic3A_318 = vector.broadcast %shift_right_arithmetic3A : i32 to vector<16x2048xi32>
    %shift_right_arithmetic3A_319 = arith.shrsi %get3A_1, %shift_right_arithmetic3A_318 : vector<16x2048xi32>
    %and3A = arith.constant 1 : i32
    %and3A_320 = vector.broadcast %and3A : i32 to vector<16x2048xi32>
    %and3A_321 = arith.andi %shift_right_arithmetic3A_319, %and3A_320 : vector<16x2048xi32>
    %convert_element_type3A = arith.sitofp %and3A_321 : vector<16x2048xi32> to vector<16x2048xf32>
    %shift_right_arithmetic3A_322 = arith.constant 6 : i32
    %shift_right_arithmetic3A_323 = vector.broadcast %shift_right_arithmetic3A_322 : i32 to vector<16x2048xi32>
    %shift_right_arithmetic3A_324 = arith.shrsi %get3A_1, %shift_right_arithmetic3A_323 : vector<16x2048xi32>
    %and3A_325 = arith.constant 1 : i32
    %and3A_326 = vector.broadcast %and3A_325 : i32 to vector<16x2048xi32>
    %and3A_327 = arith.andi %shift_right_arithmetic3A_324, %and3A_326 : vector<16x2048xi32>
    %convert_element_type3A_328 = arith.sitofp %and3A_327 : vector<16x2048xi32> to vector<16x2048xf32>
    %shift_right_arithmetic3A_329 = arith.constant 5 : i32
    %shift_right_arithmetic3A_330 = vector.broadcast %shift_right_arithmetic3A_329 : i32 to vector<16x2048xi32>
    %shift_right_arithmetic3A_331 = arith.shrsi %get3A_1, %shift_right_arithmetic3A_330 : vector<16x2048xi32>
    %and3A_332 = arith.constant 1 : i32
    %and3A_333 = vector.broadcast %and3A_332 : i32 to vector<16x2048xi32>
    %and3A_334 = arith.andi %shift_right_arithmetic3A_331, %and3A_333 : vector<16x2048xi32>
    %convert_element_type3A_335 = arith.sitofp %and3A_334 : vector<16x2048xi32> to vector<16x2048xf32>
    %shift_right_arithmetic3A_336 = arith.constant 4 : i32
    %shift_right_arithmetic3A_337 = vector.broadcast %shift_right_arithmetic3A_336 : i32 to vector<16x2048xi32>
    %shift_right_arithmetic3A_338 = arith.shrsi %get3A_1, %shift_right_arithmetic3A_337 : vector<16x2048xi32>
    %and3A_339 = arith.constant 1 : i32
    %and3A_340 = vector.broadcast %and3A_339 : i32 to vector<16x2048xi32>
    %and3A_341 = arith.andi %shift_right_arithmetic3A_338, %and3A_340 : vector<16x2048xi32>
    %convert_element_type3A_342 = arith.sitofp %and3A_341 : vector<16x2048xi32> to vector<16x2048xf32>
    %shift_right_arithmetic3A_343 = arith.constant 3 : i32
    %shift_right_arithmetic3A_344 = vector.broadcast %shift_right_arithmetic3A_343 : i32 to vector<16x2048xi32>
    %shift_right_arithmetic3A_345 = arith.shrsi %get3A_1, %shift_right_arithmetic3A_344 : vector<16x2048xi32>
    %and3A_346 = arith.constant 1 : i32
    %and3A_347 = vector.broadcast %and3A_346 : i32 to vector<16x2048xi32>
    %and3A_348 = arith.andi %shift_right_arithmetic3A_345, %and3A_347 : vector<16x2048xi32>
    %convert_element_type3A_349 = arith.sitofp %and3A_348 : vector<16x2048xi32> to vector<16x2048xf32>
    %shift_right_arithmetic3A_350 = arith.constant 2 : i32
    %shift_right_arithmetic3A_351 = vector.broadcast %shift_right_arithmetic3A_350 : i32 to vector<16x2048xi32>
    %shift_right_arithmetic3A_352 = arith.shrsi %get3A_1, %shift_right_arithmetic3A_351 : vector<16x2048xi32>
    %and3A_353 = arith.constant 1 : i32
    %and3A_354 = vector.broadcast %and3A_353 : i32 to vector<16x2048xi32>
    %and3A_355 = arith.andi %shift_right_arithmetic3A_352, %and3A_354 : vector<16x2048xi32>
    %convert_element_type3A_356 = arith.sitofp %and3A_355 : vector<16x2048xi32> to vector<16x2048xf32>
    %shift_right_arithmetic3A_357 = arith.constant 1 : i32
    %shift_right_arithmetic3A_358 = vector.broadcast %shift_right_arithmetic3A_357 : i32 to vector<16x2048xi32>
    %shift_right_arithmetic3A_359 = arith.shrsi %get3A_1, %shift_right_arithmetic3A_358 : vector<16x2048xi32>
    %and3A_360 = arith.constant 1 : i32
    %and3A_361 = vector.broadcast %and3A_360 : i32 to vector<16x2048xi32>
    %and3A_362 = arith.andi %shift_right_arithmetic3A_359, %and3A_361 : vector<16x2048xi32>
    %convert_element_type3A_363 = arith.sitofp %and3A_362 : vector<16x2048xi32> to vector<16x2048xf32>
    %shift_right_arithmetic3A_364 = arith.constant 0 : i32
    %shift_right_arithmetic3A_365 = vector.broadcast %shift_right_arithmetic3A_364 : i32 to vector<16x2048xi32>
    %shift_right_arithmetic3A_366 = arith.shrsi %get3A_1, %shift_right_arithmetic3A_365 : vector<16x2048xi32>
    %and3A_367 = arith.constant 1 : i32
    %and3A_368 = vector.broadcast %and3A_367 : i32 to vector<16x2048xi32>
    %and3A_369 = arith.andi %shift_right_arithmetic3A_366, %and3A_368 : vector<16x2048xi32>
    %convert_element_type3A_370 = arith.sitofp %and3A_369 : vector<16x2048xi32> to vector<16x2048xf32>
    %concatenate3A_371 = tpu.concatenate %convert_element_type3A, %convert_element_type3A_328, %convert_element_type3A_335, %convert_element_type3A_342, %convert_element_type3A_349, %convert_element_type3A_356, %convert_element_type3A_363, %convert_element_type3A_370 in 0 : vector<16x2048xf32>, vector<16x2048xf32>, vector<16x2048xf32>, vector<16x2048xf32>, vector<16x2048xf32>, vector<16x2048xf32>, vector<16x2048xf32>, vector<16x2048xf32> -> vector<128x2048xf32>
    %swap3A_372 = arith.constant 0 : index
    %swap3A_373 = arith.constant 0 : index
    %swap3A_374 = vector.load %arg4[%swap3A_372, %swap3A_373] : memref<128x2048xf32, #tpu.memory_space<vmem>>, vector<128x2048xf32>
    tpu.vector_store %arg4[%swap3A_372, %swap3A_373], %concatenate3A_371 {strides = array<i32>} : memref<128x2048xf32, #tpu.memory_space<vmem>>, vector<128x2048xf32>,
    return
  }
}

</mosaic_0001>

<sc_bundles>
// kernel: kernel.6.cloned.1.call-start
scs
__scs_entry_jumppad:
0x0: {  	(pc) =	sbr.rel $0x88, $3  }
0x1: {  	(tag) =	ssettag $0x0;
	lr =	simm.s32 $0x1  }
0x2: {  	[smem:$0x3F9B] =	sst lr;
	_ =	strace $0xD0000000  }
0x3: {  	_ = 	snop  }
0x4: {  	_ = 	snop  }
0x5: {  	_ = 	snop  }
0x6: {  	_ = 	snop  }
0x7: {  	_ = 	snop  }
__scs_overlays_trampoline_lowered:
0x8: {  	[smem:$0x3FAA] =	sst s0  }
0x9: {  	[smem:$0x3FAB] =	sst s1  }
0xa: {  	[smem:$0x3FAC] =	sst s2  }
0xb: {  	[smem:$0x3FAD] =	sst s3  }
0xc: {  	[smem:$0x3FAE] =	sst s4  }
0xd: {  	[smem:$0x3FAF] =	sst s5  }
0xe: {  	[smem:$0x3FB0] =	sst s6  }
0xf: {  	[smem:$0x3FB1] =	sst s7  }
0x10: {  	[smem:$0x3FB2] =	sst s8  }
0x11: {  	[smem:$0x3FB3] =	sst s9;
	s0 =	simm.s32 @!p0 $0x0  }
0x12: {  	s1 =	sld [smem:$0x3F99];
	s0 =	simm.s32 @p0 $0x1  }
0x13: {  	[smem:$0x3FB4] =	sst s0;
	s0 =	simm.s32 @!p1 $0x0  }
0x14: {  	s2 =	sld [smem:$0x3F98];
	s0 =	simm.s32 @p1 $0x1  }
0x15: {  	[smem:$0x3FB5] =	sst s0;
	s0 =	simm.s32 @!p2 $0x0  }
0x16: {  	s3 =	sld [smem:$0x3FDB];
	s0 =	simm.s32 @p2 $0x1  }
0x17: {  	s4 =	simm.s32 $0x1BF5;
	[smem:$0x3FB7] =	sst s0  }
0x18: {  	s0 =	sld [smem:$0x3F9A];
	_ =	swait.ge [sflag:s4], $0x0  }
0x19: {  	s7 =	sld [smem:$0x3F9B]  }
0x1a: {  	s8 =	sadd.s32 $0xFFFFE003, lr  }
0x1b: {  	s9 =	sadd.s32 $0xFFFFFEF7, lr;
	s5 =	simm.s32 $0xFFFFFFFF;
	p2 =	slt.u32 s8, $0xFFFFF086  }
0x1c: {  	p1 =	slt.u32 s9, $0xF7A;
	s5 =	simm.s32 @!p2 $0x0  }
0x1d: {  	s5 =	simm.s32 @p1 $0x1;
	p0 =	seq.s32 s7, s2  }
0x1e: {  	s7 =	smul.u32 @!p0 $0xF7A, s2;
	p2 =	seq.s32 @!p0 s5, $0x0  }
0x1f: {  	s9 =	smul.u32 $0xF7A, s1;
	s8 =	simm.s32 @!p0 $0x1BF5;
	p2 =	por !p2, p0  }
0x20: {  	[sflag:s8] =	ssyncset.s32 @!p0 $0xFFFFF086;
	s6 =	sadd.s32 @!p0 s3, s7;
	s7 =	simm.s32 @!p0 $0x108  }
0x21: {  	s3 =	sadd.s32 s3, s9;
	s6 =	sadd.s32 @!p0 $0x88, s6;
	s7 =	simm.s32 @p2 $0x1082  }
0x22: {  	[simem:s7], [sflag:s8] =	dma.local @!p0 [hbm:s6], $0xF7A  }
0x23: {  	s9 =	sor.u32 $0xD0000000, s2;
	s6 =	simm.s32 $0x108;
	_ =	swait.ge @!p0 [sflag:s8], $0x0  }
0x24: {  	s3 =	sadd.s32 $0x88, s3;
	s6 =	simm.s32 @!p1 $0x1082;
	[sflag:s4] =	ssyncset.s32 $0xFFFFF086  }
0x25: {  	[simem:s6], [sflag:s4] =	dma.local [hbm:s3], $0xF7A  }
0x26: {  	[smem:$0x3F9B] =	sst s1;
	(tag) =	ssettag s2;
	_ =	strace s9  }
0x27: {  	s1 =	sld [smem:$0x3FAB]  }
0x28: {  	s2 =	sld [smem:$0x3FAC]  }
0x29: {  	s4 =	sld [smem:$0x3FAE]  }
0x2a: {  	p0 =	seq.s32 s5, $0x0;
	s5 =	sld [smem:$0x3FAF]  }
0x2b: {  	s6 =	sld [smem:$0x3FB0]  }
0x2c: {  	s7 =	sld [smem:$0x3FB1]  }
0x2d: {  	s3 =	simm.s32 $0x108;
	s8 =	sld [smem:$0x3FB2]  }
0x2e: {  	s3 =	simm.s32 @!p0 $0x1082;
	s9 =	sld [smem:$0x3FB3]  }
0x2f: {  	lr =	sadd.s32 s0, s3;
	s0 =	sld [smem:$0x3FAA]  }
0x30: {  	s3 =	sld [smem:$0x3FAD]  }
0x31: {  	[smem:$0x3FB6] =	sst s10  }
0x32: {  	s10 =	sld [smem:$0x3FB4];
	_ =	sdelay $0x3  }
0x33: {  	p0 =	seq.s32 s10, $0x1;
	s10 =	sld [smem:$0x3FB6];
	_ =	sdelay $0x3  }
0x34: {  	[smem:$0x3FB6] =	sst s10  }
0x35: {  	s10 =	sld [smem:$0x3FB5];
	_ =	sdelay $0x3  }
0x36: {  	p1 =	seq.s32 s10, $0x1;
	s10 =	sld [smem:$0x3FB6];
	_ =	sdelay $0x3  }
0x37: {  	[smem:$0x3FB6] =	sst s10  }
0x38: {  	s10 =	sld [smem:$0x3FB7]  }
0x39: {  	_ = 	snop;
	(pc) =	sbr.ind lr, $3  }
0x3a: {  	_ = 	snop  }
0x3b: {  	_ = 	snop  }
0x3c: {  	p2 =	seq.s32 s10, $0x1;
	s10 =	sld [smem:$0x3FB6]  }
0x3d: {  	_ =	shalt  }
0x3e: {  	_ =	shalt  }
0x3f: {  	_ =	shalt  }
0x40: {  	_ =	shalt  }
0x41: {  	_ =	shalt  }
0x42: {  	_ =	shalt  }
0x43: {  	_ =	shalt  }
0x44: {  	_ =	shalt  }
0x45: {  	_ =	shalt  }
0x46: {  	_ =	shalt  }
0x47: {  	_ =	shalt  }
0x48: {  	_ =	shalt  }
0x49: {  	_ =	shalt  }
0x4a: {  	_ =	shalt  }
0x4b: {  	_ =	shalt  }
0x4c: {  	_ =	shalt  }
0x4d: {  	_ =	shalt  }
0x4e: {  	_ =	shalt  }
0x4f: {  	_ =	shalt  }
0x50: {  	_ =	shalt  }
0x51: {  	_ =	shalt  }
0x52: {  	_ =	shalt  }
0x53: {  	_ =	shalt  }
0x54: {  	_ =	shalt  }
0x55: {  	_ =	shalt  }
0x56: {  	_ =	shalt  }
0x57: {  	_ =	shalt  }
0x58: {  	_ =	shalt  }
0x59: {  	_ =	shalt  }
0x5a: {  	_ =	shalt  }
0x5b: {  	_ =	shalt  }
0x5c: {  	_ =	shalt  }
0x5d: {  	_ =	shalt  }
0x5e: {  	_ =	shalt  }
0x5f: {  	_ =	shalt  }
0x60: {  	_ =	shalt  }
0x61: {  	_ =	shalt  }
0x62: {  	_ =	shalt  }
0x63: {  	_ =	shalt  }
0x64: {  	_ =	shalt  }
0x65: {  	_ =	shalt  }
0x66: {  	_ =	shalt  }
0x67: {  	_ =	shalt  }
0x68: {  	_ =	shalt  }
0x69: {  	_ =	shalt  }
0x6a: {  	_ =	shalt  }
0x6b: {  	_ =	shalt  }
0x6c: {  	_ =	shalt  }
0x6d: {  	_ =	shalt  }
0x6e: {  	_ =	shalt  }
0x6f: {  	_ =	shalt  }
0x70: {  	_ =	shalt  }
0x71: {  	_ =	shalt  }
0x72: {  	_ =	shalt  }
0x73: {  	_ =	shalt  }
0x74: {  	_ =	shalt  }
0x75: {  	_ =	shalt  }
0x76: {  	_ =	shalt  }
0x77: {  	_ =	shalt  }
0x78: {  	_ =	shalt  }
0x79: {  	_ =	shalt  }
0x7a: {  	_ =	shalt  }
0x7b: {  	_ =	shalt  }
0x7c: {  	_ =	shalt  }
0x7d: {  	_ =	shalt  }
0x7e: {  	_ =	shalt  }
0x7f: {  	_ =	shalt  }
0x80: {  	_ =	shalt  }
0x81: {  	_ =	shalt  }
0x82: {  	_ =	shalt  }
0x83: {  	_ =	shalt  }
0x84: {  	_ =	shalt  }
0x85: {  	_ =	shalt  }
0x86: {  	_ =	shalt  }
0x87: {  	_ =	shalt  }
.Lfunc_end0:
.L_simem_size_0:
called_computation_lowered:
.L_overlay_start_0:
0x88: {  	s2 =	sld [smem:$0x3FD9]  }
0x89: {  	s3 =	sld [smem:$0x3FFE];
	_ =	sdelay $0x1  }
0x8a: {  	s1 =	srdreg.scid  }
0x8b: {  	s0 =	sand.u32 $0x1, s1  }
0x8c: {  	s14 =	sshll.u32 s0, $0xA;
	s2 =	sadd.s32 s3, s2  }
0x8d: {  	s2 =	sadd.s32 s2, s14  }
0x8e: {  	[smem:$0x3FC2] =	sst s2  }
0x8f: {  	_ = 	snop  }
0x90: {  	s2 =	sld [smem:$0x3FD0];
	_ =	sdelay $0x2  }
0x91: {  	s15 =	simm.s32 $0xA;
	s4 =	simm.s32 $0x10  }
0x92: {  	[smem:s4], [sflag:s15] =	dma.local [hbm:s2], $0x1  }
0x93: {  	_ =	swait.eq [sflag:s15], $0x1  }
0x94: {  	[sflag:s15] =	ssyncset.done $0x0  }
0x95: {  	s16 =	sld [smem:$0x10];
	[sflag:s15] =	ssyncadd.s32 $0xFFFFFFFF  }
0x96: {  	s17 =	sld [smem:$0x11];
	(tm) =	ssettm $0x1  }
0x97: {  	s18 =	sld [smem:$0x3FFB];
	_ =	sdelay $0x3  }
0x98: {  	_ =	strace s18  }
0x99: {  	s4 =	sld [smem:$0x3FFC];
	_ =	sdelay $0x3  }
0x9a: {  	_ =	strace s4  }
0x9b: {  	s4 =	sld [smem:$0x3FFD];
	_ =	sdelay $0x3  }
0x9c: {  	_ =	strace s4  }
0x9d: {  	_ =	strace $0x8FFFFFFF  }
0x9e: {  	s19 =	sld [smem:$0x3FDB];
	_ =	sdelay $0x1  }
0x9f: {  	s5 =	simm.s32 $_scs_section_size  }
0xa0: {  	s6 =	simm.s32 $_size__tile_overlayer_lowered;
	s7 =	simm.s32 $_tile_overlayer_lowered  }
0xa1: {  	s22 =	simm.s32 $0x1BFF;
	s21 =	sshll.u32 s7, $0x1;
	s4 =	sadd.s32 s5, s19  }
0xa2: {  	s8 =	simm.s32 $0x0;
	s20 =	sshll.u32 s6, $0x1;
	s6 =	sadd.s32 s21, s4  }
0xa3: {  	[timem:s8], [sflag:s22] =	dma.local [hbm:s6], s20  }
0xa4: {  	_ =	swait.ge [sflag:s22], s20  }
0xa5: {  	s5 =	ssub.s32 $0x0, s20;
	[sflag:s22] =	ssyncset.done $0x0  }
0xa6: {  	[sflag:s22] =	ssyncadd.s32 s5;
	_ =	sdelay $0x1  }
0xa7: {  	s23 =	simm.s32 $0x1B8B  }
0xa8: {  	_ =	swait.ge [sflag:s23], $0x1  }
0xa9: {  	[sflag:s23] =	ssyncset.done $0x0  }
0xaa: {  	s25 =	simm.s32 $0x1B8E;
	s24 =	sld [smem:$0x3FFE];
	[sflag:s23] =	ssyncadd.s32 $0xFFFFFFFF  }
0xab: {  	s26 =	simm.s32 $execute0_lowered;
	[smem:$0x3FD2] =	sst s25  }
0xac: {  	s6 =	sshll.u32 s26, $0x1;
	_ =	strace $0x80000046;
	[dreg:$0x1] =	wrdreg $0xFFFFFFFF  }
0xad: {  	s28 =	simm.s32 $_size_execute0_lowered;
	s4 =	sadd.s32 s4, s6;
	[dreg:$0x0] =	wrdreg $0x0  }
0xae: {  	s6 =	sshll.u32 s28, $0x1;
	[dreg:$0x2] =	wrdreg s4  }
0xaf: {  	[dreg:$0x3] =	wrdreg s6  }
0xb0: {  	[dreg:$0x4] =	wrdreg $0xC0  }
0xb1: {  	_ =	task [dreg:s8], $0x5FFFF  }
0xb2: {  	[dreg:$0x1] =	wrdreg $0xFFFFFFFF  }
0xb3: {  	[dreg:$0x0] =	wrdreg $0x60  }
0xb4: {  	[dreg:$0x2] =	wrdreg s16  }
0xb5: {  	[dreg:$0x3] =	wrdreg s17  }
0xb6: {  	[dreg:$0x4] =	wrdreg s24  }
0xb7: {  	[dreg:$0x5] =	wrdreg $0x9  }
0xb8: {  	_ =	task.clear_ibuf [dreg:s8], $0x6FFFF;
	_ =	strace $0x90000046  }
0xb9: {  	s29 =	simm.s32 $0x9;
	_ =	strace $0x80000048  }
0xba: {  	_ =	swait.ge [sflag:s29], $0x1  }
0xbb: {  	[sflag:s29] =	ssyncadd.s32 $0xFFFFFFFF  }
0xbc: {  	_ =	strace $0x90000048  }
0xbd: {  	_ =	sfence  }
0xbe: {  	s30 =	sld [smem:$0x0];
	_ =	sdelay $0x2  }
0xbf: {  	s31 =	sshll.u32 s1, $0xD;
	s1 =	sshrl.u32 s1, $0x2  }
0xc0: {  	s3 =	sand.u32 $0x4000, s31;
	s1 =	sadd.s32 s1, s30  }
0xc1: {  	s0 =	sor.u32 s3, s0;
	s1 =	sshll.u32 s1, $0x11  }
0xc2: {  	s0 =	sor.u32 s1, s0  }
0xc3: {  	s0 =	sadd.s32 $0x8F2B, s0  }
0xc4: {  	[sflag:s0] =	ssyncadd.remote.s32 $0x1  }
0xc5: {  	_ =	sfence.sel $0xFFFF  }
0xc6: {  	[dreg:$0x0] =	wrdreg $0xFFFFFFFF;
	(pc) =	sbr.abs _section_cstart, $3  }
0xc7: {  	[dreg:$0x1] =	wrdreg $0xFFFFFFFF  }
0xc8: {  	_ =	task.clear_ibuf [dreg:s8], $0x2FFFF;
	_ =	strace $0x9FFFFFFF  }
0xc9: {  	(tm) =	ssettm $0x7FFFFFFF  }
tec
execute0_lowered:
.L_overlay_start_1:
0x0: {  	(tag) =	ssettag $0x1  }
0x1: {  	s0 =	srdreg.scid  }
0x2: {  	s2 =	stileid.u32;
	s8 =	sand.u32 $0x1, s0  }
0x3: {  	s5 =	sor.u32 s2, s8  }
0x4: {  	p0 =	sne.s32 s5, $0x0  }
.Ltmp0:
0x5: {  	_ = 	snop;
	(pc) =	sbr.rel @p0 .LBB2_11-.Ltmp0, $4  }
0x6: {  	s1 =	rddreg [dreg:$0x0]  }
0x7: {  	s3 =	rddreg [dreg:$0x1];
	s4 =	simm.s32 $0x0  }
0x8: {  	[smem:$0x7FF] =	sst s4  }
0x9: {  	s19 =	rddreg [dreg:$0x2];
	_ =	strace $0x80000047  }
0xa: {  	s5 =	sadd.s32 $0x5C00, s19  }
0xb: {  	s6 =	sadd.s32 $0x6C00, s19;
	s7 =	sadd.s32 $0x5A00, s19;
	s10 =	ssub.s32 $0x2, s8  }
0xc: {  	s8 =	sadd.s32 $0x6E00, s19;
	s9 =	sadd.s32 $0x7E00, s19;
	s12 =	sadd.s32 $0x7200, s19  }
0xd: {  	s13 =	sadd.s32 $0x8200, s19;
	s14 =	sadd.s32 $0x6400, s19;
	s15 =	sadd.s32 $0x7600, s19  }
0xe: {  	s16 =	sadd.s32 $0x8600, s19;
	s17 =	sadd.s32 $0x6800, s19;
	s18 =	sadd.s32 $0x7A00, s19  }
0xf: {  	s20 =	simm.s32 $0x1;
	s21 =	simm.s32 $0x8000;
	s22 =	simm.s32 $0x16000  }
0x10: {  	s23 =	simm.s32 $0x16010;
	s24 =	simm.s32 $0x10000;
	s25 =	simm.s32 $0x12000  }
0x11: {  	s26 =	simm.s32 $0x14000;
	s28 =	simm.s32 $0x0;
	s11 =	sshrl.u32 s10, $0x1  }
0x12: {  	s10 =	ssub.s32 s10, s11;
	s11 =	sadd.s32 $0x6000, s19;
	s19 =	sadd.s32 $0x8A00, s19  }
.LBB2_2:
0x13: {  	s29 =	simm.s32 $0x0  }
0x14: {  	[tilespmem:s29], [sflag:$0x1] =	stream.linear.gather [hbm4b:s1+s29], $0x8000, $0x38;
	[tilespmem:$0x16020] =	vst v63  }
0x15: {  	_ =	swait.ge [sflag:s20], $0x8000  }
0x16: {  	[sflag:s20] =	ssyncset.done $0x0  }
0x17: {  	[sflag:s20] =	ssyncadd.s32 $0xFFFF8000  }
0x18: {  	[tilespmem:s21], [sflag:$0x1] =	stream.linear.gather [hbm4b:s3+s29], $0x8000, $0x38;
	[tilespmem:$0x16020] =	vst v63  }
0x19: {  	_ =	swait.ge [sflag:s20], $0x8000  }
0x1a: {  	[sflag:s20] =	ssyncset.done $0x0  }
0x1b: {  	[sflag:s20] =	ssyncadd.s32 $0xFFFF8000  }
0x1c: {  	[tilespmem:s22], [sflag:$0x1] =	stream.linear.gather [hbm4b:s6+s29], $0x10, $0x38;
	[tilespmem:$0x16020] =	vst v63  }
0x1d: {  	_ =	swait.ge [sflag:s20], $0x10  }
0x1e: {  	[sflag:s20] =	ssyncset.done $0x0  }
0x1f: {  	[sflag:s20] =	ssyncadd.s32 $0xFFFFFFF0  }
0x20: {  	[tilespmem:s23], [sflag:$0x1] =	stream.linear.gather [hbm4b:s7+s29], $0x10, $0x38;
	[tilespmem:$0x16020] =	vst v63  }
0x21: {  	_ =	swait.ge [sflag:s20], $0x10  }
0x22: {  	[sflag:s20] =	ssyncset.done $0x0  }
0x23: {  	[sflag:s20] =	ssyncadd.s32 $0xFFFFFFF0  }
0x24: {  	v0 =	vld [tilespmem:$0x16010]  }
0x25: {  	v1 =	vld [tilespmem:$0x16000];
	[tilespmem:s24], [sflag:$0x1] =	stream.linear.gather [hbm4b:s5+s29], $0x2000, $0x38  }
0x26: {  	_ =	swait.ge [sflag:s20], $0x2000  }
0x27: {  	[sflag:s20] =	ssyncset.done $0x0  }
0x28: {  	s29 =	simm.s32 $0x0;
	[sflag:s20] =	ssyncadd.s32 $0xFFFFE000  }
0x29: {  	v2 =	vld [tilespmem:s29+$0x10000];
	_ =	sdelay $0x4  }
0x2a: {  	v1 =	vadd.s32 v0, v1;
	v2 =	vshll.u32 v2, $0x8  }
0x2b: {  	v2 =	vadd.s32 v2, v1;
	_ =	sdelay $0x2  }
0x2c: {  	s30 =	simm.s32 $0x10  }
0x2d: {  	v3 =	vld [tilespmem:s30+$0x10000]  }
0x2e: {  	v1 =	vld.idx.msk [tilespmem:v2+s4+$0x0], $0xffff  }
0x2f: {  	s31 =	simm.s32 $0x80;
	v2 =	vld.idx.msk [tilespmem:v2+s21+$0x0], $0xffff  }
.LBB2_3:
0x30: {  	_ =	sdelay $0x2  }
0x31: {  	p0 =	sne.s32 s31, $0x7FC0;
	s0 =	smov.u32 s31;
	s31 =	sadd.s32 $0x40, s31;
	v3 =	vshll.u32 v3, $0x8;
	v4 =	vadd.s32 v0, v1  }
0x32: {  	v4 =	vadd.s32 v3, v4;
	[tilespmem:s29+$0x12000] =	vst v1  }
0x33: {  	[tilespmem:s29+$0x14000] =	vst v2;
	s29 =	smov.u32 s30  }
.Ltmp1:
0x34: {  	(pc) =	sbr.rel @p0 .LBB2_3-.Ltmp1, $4  }
0x35: {  	s30 =	sshra.s32 s0, $0x2  }
0x36: {  	v3 =	vld [tilespmem:s30+$0x10000]  }
0x37: {  	v1 =	vld.idx.msk [tilespmem:v4+s4+$0x0], $0xffff  }
0x38: {  	v2 =	vld.idx.msk [tilespmem:v4+s21+$0x0], $0xffff  }
0x39: {  	_ =	sdelay $0x2  }
0x3a: {  	v3 =	vshll.u32 v3, $0x8;
	v4 =	vadd.s32 v0, v1  }
0x3b: {  	v3 =	vadd.s32 v3, v4;
	_ =	sdelay $0x2  }
0x3c: {  	[tilespmem:s29+$0x12000] =	vst v1  }
0x3d: {  	[tilespmem:s29+$0x14000] =	vst v2  }
0x3e: {  	v1 =	vld.idx.msk [tilespmem:v3+s4+$0x0], $0xffff  }
0x3f: {  	v2 =	vld.idx.msk [tilespmem:v3+s21+$0x0], $0xffff;
	_ =	sdelay $0x3  }
0x40: {  	[tilespmem:s30+$0x12000] =	vst v1  }
0x41: {  	s0 =	simm.s32 $0x0;
	[tilespmem:s30+$0x14000] =	vst v2  }
0x42: {  	[hbm4b:s8+s0] =	stream.linear.scatter [tilespmem:s25], [sflag:$0x1], $0x2000, $0x38;
	[tilespmem:$0x16020] =	vst v63  }
0x43: {  	_ =	swait.ge [sflag:s20], $0x2000  }
0x44: {  	[sflag:s20] =	ssyncset.done $0x0  }
0x45: {  	[sflag:s20] =	ssyncadd.s32 $0xFFFFE000  }
0x46: {  	[hbm4b:s9+s0] =	stream.linear.scatter [tilespmem:s26], [sflag:$0x1], $0x2000, $0x38;
	[tilespmem:$0x16020] =	vst v63  }
0x47: {  	_ =	swait.ge [sflag:s20], $0x2000  }
0x48: {  	[sflag:s20] =	ssyncset.done $0x0  }
0x49: {  	[sflag:s20] =	ssyncadd.s32 $0xFFFFE000  }
0x4a: {  	[tilespmem:s24], [sflag:$0x1] =	stream.linear.gather [hbm4b:s11+s0], $0x2000, $0x38;
	[tilespmem:$0x16020] =	vst v63  }
0x4b: {  	_ =	swait.ge [sflag:s20], $0x2000  }
0x4c: {  	[sflag:s20] =	ssyncset.done $0x0  }
0x4d: {  	s29 =	simm.s32 $0x0;
	[sflag:s20] =	ssyncadd.s32 $0xFFFFE000  }
0x4e: {  	v2 =	vld [tilespmem:s29+$0x10000];
	_ =	sdelay $0x4  }
0x4f: {  	v1 =	vadd.s32 v0, v1;
	v2 =	vshll.u32 v2, $0x8  }
0x50: {  	v2 =	vadd.s32 v2, v1;
	_ =	sdelay $0x2  }
0x51: {  	s30 =	simm.s32 $0x10  }
0x52: {  	v3 =	vld [tilespmem:s30+$0x10000]  }
0x53: {  	v1 =	vld.idx.msk [tilespmem:v2+s4+$0x0], $0xffff  }
0x54: {  	s31 =	simm.s32 $0x80;
	v2 =	vld.idx.msk [tilespmem:v2+s21+$0x0], $0xffff  }
.LBB2_5:
0x55: {  	_ =	sdelay $0x2  }
0x56: {  	p0 =	sne.s32 s31, $0x7FC0;
	s0 =	smov.u32 s31;
	s31 =	sadd.s32 $0x40, s31;
	v3 =	vshll.u32 v3, $0x8;
	v4 =	vadd.s32 v0, v1  }
0x57: {  	v4 =	vadd.s32 v3, v4;
	[tilespmem:s29+$0x12000] =	vst v1  }
0x58: {  	[tilespmem:s29+$0x14000] =	vst v2;
	s29 =	smov.u32 s30  }
.Ltmp2:
0x59: {  	(pc) =	sbr.rel @p0 .LBB2_5-.Ltmp2, $4  }
0x5a: {  	s30 =	sshra.s32 s0, $0x2  }
0x5b: {  	v3 =	vld [tilespmem:s30+$0x10000]  }
0x5c: {  	v1 =	vld.idx.msk [tilespmem:v4+s4+$0x0], $0xffff  }
0x5d: {  	v2 =	vld.idx.msk [tilespmem:v4+s21+$0x0], $0xffff  }
0x5e: {  	_ =	sdelay $0x2  }
0x5f: {  	v3 =	vshll.u32 v3, $0x8;
	v4 =	vadd.s32 v0, v1  }
0x60: {  	v3 =	vadd.s32 v3, v4;
	_ =	sdelay $0x2  }
0x61: {  	[tilespmem:s29+$0x12000] =	vst v1  }
0x62: {  	[tilespmem:s29+$0x14000] =	vst v2  }
0x63: {  	v1 =	vld.idx.msk [tilespmem:v3+s4+$0x0], $0xffff  }
0x64: {  	v2 =	vld.idx.msk [tilespmem:v3+s21+$0x0], $0xffff;
	_ =	sdelay $0x3  }
0x65: {  	[tilespmem:s30+$0x12000] =	vst v1  }
0x66: {  	s0 =	simm.s32 $0x0;
	[tilespmem:s30+$0x14000] =	vst v2  }
0x67: {  	[hbm4b:s12+s0] =	stream.linear.scatter [tilespmem:s25], [sflag:$0x1], $0x2000, $0x38;
	[tilespmem:$0x16020] =	vst v63  }
0x68: {  	_ =	swait.ge [sflag:s20], $0x2000  }
0x69: {  	[sflag:s20] =	ssyncset.done $0x0  }
0x6a: {  	[sflag:s20] =	ssyncadd.s32 $0xFFFFE000  }
0x6b: {  	[hbm4b:s13+s0] =	stream.linear.scatter [tilespmem:s26], [sflag:$0x1], $0x2000, $0x38;
	[tilespmem:$0x16020] =	vst v63  }
0x6c: {  	_ =	swait.ge [sflag:s20], $0x2000  }
0x6d: {  	[sflag:s20] =	ssyncset.done $0x0  }
0x6e: {  	[sflag:s20] =	ssyncadd.s32 $0xFFFFE000  }
0x6f: {  	[tilespmem:s24], [sflag:$0x1] =	stream.linear.gather [hbm4b:s14+s0], $0x2000, $0x38;
	[tilespmem:$0x16020] =	vst v63  }
0x70: {  	_ =	swait.ge [sflag:s20], $0x2000  }
0x71: {  	[sflag:s20] =	ssyncset.done $0x0  }
0x72: {  	s29 =	simm.s32 $0x0;
	[sflag:s20] =	ssyncadd.s32 $0xFFFFE000  }
0x73: {  	v2 =	vld [tilespmem:s29+$0x10000];
	_ =	sdelay $0x4  }
0x74: {  	v1 =	vadd.s32 v0, v1;
	v2 =	vshll.u32 v2, $0x8  }
0x75: {  	v2 =	vadd.s32 v2, v1;
	_ =	sdelay $0x2  }
0x76: {  	s30 =	simm.s32 $0x10  }
0x77: {  	v3 =	vld [tilespmem:s30+$0x10000]  }
0x78: {  	v1 =	vld.idx.msk [tilespmem:v2+s4+$0x0], $0xffff  }
0x79: {  	s31 =	simm.s32 $0x80;
	v2 =	vld.idx.msk [tilespmem:v2+s21+$0x0], $0xffff  }
.LBB2_7:
0x7a: {  	_ =	sdelay $0x2  }
0x7b: {  	p0 =	sne.s32 s31, $0x7FC0;
	s0 =	smov.u32 s31;
	s31 =	sadd.s32 $0x40, s31;
	v3 =	vshll.u32 v3, $0x8;
	v4 =	vadd.s32 v0, v1  }
0x7c: {  	v4 =	vadd.s32 v3, v4;
	[tilespmem:s29+$0x12000] =	vst v1  }
0x7d: {  	[tilespmem:s29+$0x14000] =	vst v2;
	s29 =	smov.u32 s30  }
.Ltmp3:
0x7e: {  	(pc) =	sbr.rel @p0 .LBB2_7-.Ltmp3, $4  }
0x7f: {  	s30 =	sshra.s32 s0, $0x2  }
0x80: {  	v3 =	vld [tilespmem:s30+$0x10000]  }
0x81: {  	v1 =	vld.idx.msk [tilespmem:v4+s4+$0x0], $0xffff  }
0x82: {  	v2 =	vld.idx.msk [tilespmem:v4+s21+$0x0], $0xffff  }
0x83: {  	_ =	sdelay $0x2  }
0x84: {  	v3 =	vshll.u32 v3, $0x8;
	v4 =	vadd.s32 v0, v1  }
0x85: {  	v3 =	vadd.s32 v3, v4;
	_ =	sdelay $0x2  }
0x86: {  	[tilespmem:s29+$0x12000] =	vst v1  }
0x87: {  	[tilespmem:s29+$0x14000] =	vst v2  }
0x88: {  	v1 =	vld.idx.msk [tilespmem:v3+s4+$0x0], $0xffff  }
0x89: {  	v2 =	vld.idx.msk [tilespmem:v3+s21+$0x0], $0xffff;
	_ =	sdelay $0x3  }
0x8a: {  	[tilespmem:s30+$0x12000] =	vst v1  }
0x8b: {  	s0 =	simm.s32 $0x0;
	[tilespmem:s30+$0x14000] =	vst v2  }
0x8c: {  	[hbm4b:s15+s0] =	stream.linear.scatter [tilespmem:s25], [sflag:$0x1], $0x2000, $0x38;
	[tilespmem:$0x16020] =	vst v63  }
0x8d: {  	_ =	swait.ge [sflag:s20], $0x2000  }
0x8e: {  	[sflag:s20] =	ssyncset.done $0x0  }
0x8f: {  	[sflag:s20] =	ssyncadd.s32 $0xFFFFE000  }
0x90: {  	[hbm4b:s16+s0] =	stream.linear.scatter [tilespmem:s26], [sflag:$0x1], $0x2000, $0x38;
	[tilespmem:$0x16020] =	vst v63  }
0x91: {  	_ =	swait.ge [sflag:s20], $0x2000  }
0x92: {  	[sflag:s20] =	ssyncset.done $0x0  }
0x93: {  	[sflag:s20] =	ssyncadd.s32 $0xFFFFE000  }
0x94: {  	[tilespmem:s24], [sflag:$0x1] =	stream.linear.gather [hbm4b:s17+s0], $0x2000, $0x38;
	[tilespmem:$0x16020] =	vst v63  }
0x95: {  	_ =	swait.ge [sflag:s20], $0x2000  }
0x96: {  	[sflag:s20] =	ssyncset.done $0x0  }
0x97: {  	s29 =	simm.s32 $0x0;
	[sflag:s20] =	ssyncadd.s32 $0xFFFFE000  }
0x98: {  	v2 =	vld [tilespmem:s29+$0x10000];
	_ =	sdelay $0x4  }
0x99: {  	v1 =	vadd.s32 v0, v1;
	v2 =	vshll.u32 v2, $0x8  }
0x9a: {  	v2 =	vadd.s32 v2, v1;
	_ =	sdelay $0x2  }
0x9b: {  	s30 =	simm.s32 $0x10  }
0x9c: {  	v3 =	vld [tilespmem:s30+$0x10000]  }
0x9d: {  	v1 =	vld.idx.msk [tilespmem:v2+s4+$0x0], $0xffff  }
0x9e: {  	s31 =	simm.s32 $0x80;
	v2 =	vld.idx.msk [tilespmem:v2+s21+$0x0], $0xffff  }
.LBB2_9:
0x9f: {  	_ =	sdelay $0x2  }
0xa0: {  	p0 =	sne.s32 s31, $0x7FC0;
	s0 =	smov.u32 s31;
	s31 =	sadd.s32 $0x40, s31;
	v3 =	vshll.u32 v3, $0x8;
	v4 =	vadd.s32 v0, v1  }
0xa1: {  	v4 =	vadd.s32 v3, v4;
	[tilespmem:s29+$0x12000] =	vst v1  }
0xa2: {  	[tilespmem:s29+$0x14000] =	vst v2;
	s29 =	smov.u32 s30  }
.Ltmp4:
0xa3: {  	(pc) =	sbr.rel @p0 .LBB2_9-.Ltmp4, $4  }
0xa4: {  	s30 =	sshra.s32 s0, $0x2  }
0xa5: {  	v3 =	vld [tilespmem:s30+$0x10000]  }
0xa6: {  	v1 =	vld.idx.msk [tilespmem:v4+s4+$0x0], $0xffff  }
0xa7: {  	v2 =	vld.idx.msk [tilespmem:v4+s21+$0x0], $0xffff  }
0xa8: {  	_ =	sdelay $0x2  }
0xa9: {  	v3 =	vshll.u32 v3, $0x8;
	v0 =	vadd.s32 v0, v1  }
0xaa: {  	v0 =	vadd.s32 v3, v0;
	_ =	sdelay $0x2  }
0xab: {  	[tilespmem:s29+$0x12000] =	vst v1  }
0xac: {  	[tilespmem:s29+$0x14000] =	vst v2  }
0xad: {  	v1 =	vld.idx.msk [tilespmem:v0+s4+$0x0], $0xffff  }
0xae: {  	v0 =	vld.idx.msk [tilespmem:v0+s21+$0x0], $0xffff;
	_ =	sdelay $0x3  }
0xaf: {  	[tilespmem:s30+$0x12000] =	vst v1  }
0xb0: {  	[tilespmem:s30+$0x14000] =	vst v0  }
0xb1: {  	[hbm4b:s18+s4] =	stream.linear.scatter [tilespmem:s25], [sflag:$0x1], $0x2000, $0x38;
	[tilespmem:$0x16020] =	vst v63  }
0xb2: {  	s28 =	sadd.s32 $0x1, s28;
	_ =	swait.ge [sflag:s20], $0x2000  }
0xb3: {  	p0 =	sne.s32 s28, s10;
	[sflag:s20] =	ssyncset.done $0x0  }
.Ltmp5:
0xb4: {  	[sflag:s20] =	ssyncadd.s32 $0xFFFFE000;
	(pc) =	sbr.rel @p0 .LBB2_2-.Ltmp5, $4  }
0xb5: {  	[hbm4b:s19+s4] =	stream.linear.scatter [tilespmem:s26], [sflag:$0x1], $0x2000, $0x38;
	[tilespmem:$0x16020] =	vst v63  }
0xb6: {  	_ =	swait.ge [sflag:s20], $0x2000  }
0xb7: {  	[sflag:s20] =	ssyncset.done $0x0  }
0xb8: {  	[sflag:s20] =	ssyncadd.s32 $0xFFFFE000  }
.LBB2_11:
0xb9: {  	_ =	sfence.sel $0x180000  }
0xba: {  	[bflag:$0x0] =	sbarrier.arrive $0xFFFF  }
0xbb: {  	_ =	strace $0x90000047  }
0xbc: {  	[bflag:$0x2] =	sbarrier.arrive $0xFFFF  }
0xbd: {  	p0 =	sne.s32 s2, $0x0;
	s0 =	rddreg [dreg:$0x3]  }
0xbe: {  	s0 =	sadd.s32 @!p0 $0x100000, s0  }
0xbf: {  	[sflag:s0] =	ssyncadd.tile.s32 @!p0 $0x1;
	_ =	shalt  }
.Lfunc_end2:
_tile_overlayer_lowered:
.L_overlay_start_2:
0xc0: {  	(tag) =	ssettag $0x2  }
0xc1: {  	s0 =	rddreg [dreg:$0x0];
	s2 =	stileid.u32  }
0xc2: {  	s1 =	rddreg [dreg:$0x1];
	p0 =	sne.s32 s2, $0x0  }
0xc3: {  	s3 =	rddreg [dreg:$0x2];
	[bflag:$0x3] =	sbarrier.arrive $0xFFFF;
	s2 =	simm.s32 @!p0 $0x1C01  }
0xc4: {  	[timem:s3], [sflag:s2] =	dma.local @!p0 [hbm:s0], s1  }
0xc5: {  	s0 =	simm.s32 @!p0 $0x1  }
0xc6: {  	_ =	swait.ge @!p0 [sflag:s0], s1  }
0xc7: {  	s1 =	ssub.s32 @!p0 $0x0, s1;
	[sflag:s0] =	ssyncset.done @!p0 $0x0  }
0xc8: {  	[sflag:s0] =	ssyncadd.s32 @!p0 s1  }
0xc9: {  	[bflag:$0x3] =	sbarrier.arrive $0xFFFF  }
0xca: {  	_ =	shalt  }

</sc_bundles>
